<compile_context>
chip_gen: v7x
topology: tpu7x:2x2x1
jax: 0.10.2.dev20260603
libtpu: 0.0.44.dev20260713+nightly
codegen_flags: <defaults>
</compile_context>

<pallas_src>
import jax
import jax.numpy as jnp
from jax import lax
from jax.experimental import pallas as pl
from jax.experimental.pallas import tpu as pltpu
from jax.experimental.pallas import tpu_sc as plsc

VOCAB = 1000
B, T = 1024, 50
N_TOK = B * T
NC, NS, L = 2, 16, 16
NW = NC * NS
VT = VOCAB // 8
N_UNITS = VT * T
UNIT = 8 * 8 * 128
NU_CEIL = -(-N_UNITS // NW)
PER_TILE = N_TOK // NW
LCH = 128
N_LCH = -(-PER_TILE // LCH)


def _lse_body(table_ref, out_ref, tp_ref):
    t = table_ref[...]
    m = jnp.max(t, axis=1, keepdims=True)
    out_ref[...] = m[:, 0] + jnp.log(jnp.sum(jnp.exp(t - m), axis=1))
    bf = t.T.astype(jnp.bfloat16).reshape(VOCAB // 2, 2, VOCAB)
    lo = lax.bitcast_convert_type(bf[:, 0, :], jnp.uint16).astype(jnp.uint32)
    hi = lax.bitcast_convert_type(bf[:, 1, :], jnp.uint16).astype(jnp.uint32)
    tp_ref[...] = lax.bitcast_convert_type(lo | (hi << 16), jnp.int32)


def _lch_sizes():
    return [min(LCH, PER_TILE - c * LCH) for c in range(N_LCH)]


def _sc_body(idxT_hbm, tableP_hbm, idx_hbm, tgt_hbm, table1_hbm, lse_hbm,
             out_hbm, loss_hbm,
             idxv, slab_v, outbuf_a, outbuf_b,
             idx_v, tgt_v, fidx_v, tscal, lscal,
             accv, sums_v, lossv, shared, sem_o, sem_l):
    cid = lax.axis_index("c")
    sid = lax.axis_index("s")
    wid = sid * NC + cid
    ustart = wid * N_UNITS // NW
    uend = (wid + 1) * N_UNITS // NW
    count = uend - ustart
    base = wid * PER_TILE

    pltpu.sync_copy(idxT_hbm, idxv)
    pltpu.sync_copy(idx_hbm.at[pl.ds(base, PER_TILE)], idx_v)
    pltpu.sync_copy(tgt_hbm.at[pl.ds(base, PER_TILE)], tgt_v)

    def fidx_body(k, c2):
        o = k * L
        fidx_v[pl.ds(o, L)] = idx_v[pl.ds(o, L)] * VOCAB + tgt_v[pl.ds(o, L)]
        return c2

    lax.fori_loop(0, PER_TILE // L, fidx_body, 0)
    for c, sz in enumerate(_lch_sizes()):
        o = c * LCH
        pltpu.async_copy(table1_hbm.at[fidx_v.at[pl.ds(o, sz)]],
                         tscal.at[pl.ds(o, sz)], sem_l)
        pltpu.async_copy(lse_hbm.at[idx_v.at[pl.ds(o, sz)]],
                         lscal.at[pl.ds(o, sz)], sem_l)

    bufs = [outbuf_a, outbuf_b]

    def out_wait(buf):
        pltpu.make_async_copy(buf, out_hbm.at[pl.ds(0, UNIT)], sem_o).wait()

    def unit_body(i, buf):
        u = ustart + i
        vt = u // T
        t = u % T

        @pl.when(jnp.logical_or(t == 0, i == 0))
        def _():
            pltpu.sync_copy(tableP_hbm.at[pl.ds(vt * 4, 4)], slab_v)

        @pl.when(i >= 2)
        def _():
            out_wait(buf)

        def bt_body(bt, c2):
            b0 = bt * 128
            o0 = bt * 1024
            for g in range(8):
                idx16 = idxv[t, pl.ds(b0 + g * 16, L)]
                for j in range(4):
                    pk = plsc.load_gather(
                        slab_v, [jnp.full((L,), j, jnp.int32), idx16])
                    bf = plsc.bitcast(pk, jnp.bfloat16)
                    lo, hi = plsc.unpack(bf, format=plsc.PackFormat.INTERLEAVED)
                    buf[pl.ds(o0 + (2 * j) * 128 + g * 16, L)] = lo
                    buf[pl.ds(o0 + (2 * j + 1) * 128 + g * 16, L)] = hi
            return c2

        lax.fori_loop(0, 8, bt_body, 0)
        pltpu.async_copy(buf, out_hbm.at[pl.ds((t * VT + vt) * UNIT, UNIT)],
                         sem_o)

    def pair_body(p, carry):
        for h in range(2):
            i = p * 2 + h

            @pl.when(i < count)
            def _():
                unit_body(i, bufs[h])
        return carry

    lax.fori_loop(0, NU_CEIL // 2, pair_body, 0)
    out_wait(bufs[0])
    out_wait(bufs[1])

    for c, sz in enumerate(_lch_sizes()):
        o = c * LCH
        pltpu.make_async_copy(table1_hbm.at[fidx_v.at[pl.ds(o, sz)]],
                              tscal.at[pl.ds(o, sz)], sem_l).wait()
        pltpu.make_async_copy(lse_hbm.at[idx_v.at[pl.ds(o, sz)]],
                              lscal.at[pl.ds(o, sz)], sem_l).wait()

    def acc_body(k, acc):
        o = k * L
        return acc + lscal[pl.ds(o, L)] - tscal[pl.ds(o, L)]

    acc = lax.fori_loop(0, PER_TILE // L, acc_body,
                        jnp.zeros((L,), jnp.float32))
    accv[...] = acc
    pltpu.sync_copy(accv, shared.at[sid])
    plsc.subcore_barrier()

    @pl.when(sid == 0)
    def _():
        pltpu.sync_copy(shared, sums_v)
        tot = sums_v[0]
        for j in range(1, NS):
            tot = tot + sums_v[j]
        lossv[...] = tot * (1.0 / N_TOK)
        pltpu.sync_copy(lossv, loss_hbm.at[cid])


def kernel(idx, targets, table):
    lse, table_p = pl.pallas_call(
        _lse_body,
        out_shape=[jax.ShapeDtypeStruct((VOCAB,), jnp.float32),
                   jax.ShapeDtypeStruct((VOCAB // 2, VOCAB), jnp.int32)],
    )(table)

    mesh = plsc.VectorSubcoreMesh(core_axis_name="c", subcore_axis_name="s")
    params = pltpu.CompilerParams(use_tc_tiling_on_sc=False,
                                  needs_layout_passes=False,
                                  disable_bounds_checks=True)

    sc = pl.kernel(
        _sc_body,
        out_type=[jax.ShapeDtypeStruct((N_TOK * VOCAB,), jnp.float32),
                  jax.ShapeDtypeStruct((NC, L), jnp.float32)],
        mesh=mesh,
        compiler_params=params,
        scratch_types=[
            pltpu.VMEM((T, B), jnp.int32),
            pltpu.VMEM((4, VOCAB), jnp.int32),
            pltpu.VMEM((UNIT,), jnp.float32),
            pltpu.VMEM((UNIT,), jnp.float32),
            pltpu.VMEM((PER_TILE,), jnp.int32),
            pltpu.VMEM((PER_TILE,), jnp.int32),
            pltpu.VMEM((PER_TILE,), jnp.int32),
            pltpu.VMEM((PER_TILE,), jnp.float32),
            pltpu.VMEM((PER_TILE,), jnp.float32),
            pltpu.VMEM((L,), jnp.float32),
            pltpu.VMEM((NS, L), jnp.float32),
            pltpu.VMEM((L,), jnp.float32),
            pltpu.VMEM_SHARED((NS, L), jnp.float32),
            pltpu.SemaphoreType.DMA,
            pltpu.SemaphoreType.DMA,
        ],
    )
    flat, loss_parts = sc(jnp.transpose(idx), table_p,
                          idx.reshape(N_TOK), targets.reshape(N_TOK),
                          table.reshape(VOCAB * VOCAB), lse)
    o5 = flat.reshape(T, VT, 8, 8, 128)
    logits = o5.transpose(2, 4, 0, 1, 3).reshape(B, T, VOCAB)
    loss = jnp.sum(loss_parts)
    return (logits, loss)

# --- scband reference (transcript-rebuilt; emitter-appended) ---
"""Pipeline reference for scband-bigram-language-model-23313082483461 (READ-ONLY COPY).

The authoritative reference and input builder live on the scoring server;
editing this copy changes nothing except your own understanding.
"""

import jax, jax.numpy as jnp
import numpy as np

VOCAB = 1000
B, T = 1024, 50

def setup_inputs(seed: int = 0) -> dict:
    key = jax.random.key(seed)
    k1, k2, k3 = jax.random.split(key, 3)
    idx = jax.random.randint(k1, (B, T), 0, VOCAB, dtype=jnp.int64 if jax.config.read('jax_enable_x64') else jnp.int32)
    targets = jax.random.randint(k2, (B, T), 0, VOCAB, dtype=jnp.int64 if jax.config.read('jax_enable_x64') else jnp.int32)
    table = jax.random.normal(k3, (VOCAB, VOCAB), dtype=jnp.float32)
    return {"idx": idx, "targets": targets, "table": table}

def reference(idx, targets, table):
    # logits = token_embedding_table(idx): gather rows of [vocab, vocab] table
    logits = jnp.take(table, idx, axis=0)            # [B, T, C]
    Bq, Tq, C = logits.shape
    flat_logits = logits.reshape(Bq * Tq, C)         # [B*T, C]
    flat_targets = targets.reshape(Bq * Tq)          # [B*T]
    # F.cross_entropy: mean over B*T of (logsumexp - logit_at_target)
    lse = jax.nn.logsumexp(flat_logits, axis=1)      # [B*T]
    tgt_logit = jnp.take_along_axis(flat_logits, flat_targets[:, None], axis=1)[:, 0]
    loss = jnp.mean(lse - tgt_logit)
    return (logits, loss)

if __name__ == "__main__":
    import jax
    _d = setup_inputs()
    print(jax.jit(kernel)(*tuple(_d.values())))

</pallas_src>

<mosaic_0001>
#map = affine_map<(d0, d1) -> (0, 0)>
#map1 = affine_map<(d0, d1) -> (0)>
module attributes {stable_mosaic.version = 14 : i64} {
  func.func @_sc_body(%arg0: i32, %arg1: i32, %arg2: memref<50x1024xi32, #tpu.memory_space<hbm>>, %arg3: memref<500x1000xi32, #tpu.memory_space<hbm>>, %arg4: memref<51200xi32, #tpu.memory_space<hbm>>, %arg5: memref<51200xi32, #tpu.memory_space<hbm>>, %arg6: memref<1000000xf32, #tpu.memory_space<hbm>>, %arg7: memref<1000xf32, #tpu.memory_space<hbm>>, %arg8: memref<51200000xf32, #tpu.memory_space<hbm>>, %arg9: memref<2x16xf32, #tpu.memory_space<hbm>>, %arg10: memref<50x1024xi32, #tpu.memory_space<vmem>>, %arg11: memref<4x1000xi32, #tpu.memory_space<vmem>>, %arg12: memref<8192xf32, #tpu.memory_space<vmem>>, %arg13: memref<8192xf32, #tpu.memory_space<vmem>>, %arg14: memref<1600xi32, #tpu.memory_space<vmem>>, %arg15: memref<1600xi32, #tpu.memory_space<vmem>>, %arg16: memref<1600xi32, #tpu.memory_space<vmem>>, %arg17: memref<1600xf32, #tpu.memory_space<vmem>>, %arg18: memref<1600xf32, #tpu.memory_space<vmem>>, %arg19: memref<16xf32, #tpu.memory_space<vmem>>, %arg20: memref<16x16xf32, #tpu.memory_space<vmem>>, %arg21: memref<16xf32, #tpu.memory_space<vmem>>, %arg22: memref<16x16xf32, #tpu.memory_space<vmem_shared>>, %arg23: memref<!tpu.dma_semaphore, #tpu.memory_space<semaphore_mem>>, %arg24: memref<!tpu.dma_semaphore, #tpu.memory_space<semaphore_mem>>) attributes {dimension_semantics = [#tpu.dimension_semantics<core_parallel>, #tpu.dimension_semantics<subcore_parallel>], iteration_bounds = array<i64: 2, 16>, scalar_prefetch = 0 : i64, scratch_operands = 15 : i64, tpu.core_type = #tpu.core_type<sc_vector_subcore>, window_params = [{transform_indices = #map}, {transform_indices = #map}, {transform_indices = #map1}, {transform_indices = #map1}, {transform_indices = #map1}, {transform_indices = #map1}, {transform_indices = #map1}, {transform_indices = #map}]} {
    %mul3A = arith.constant 2 : i32
    %mul3A_0 = arith.muli %arg1, %mul3A : i32
    %add3A = arith.addi %mul3A_0, %arg0 : i32
    %mul3A_1 = arith.constant 6250 : i32
    %mul3A_2 = arith.muli %add3A, %mul3A_1 : i32
    %jit3A = arith.constant 32 : i32
    %div3A = arith.divsi %mul3A_2, %jit3A : i32
    %sign3A = arith.constant 0 : i32
    %sign3A_3 = arith.cmpi sgt, %mul3A_2, %sign3A : i32
    %sign3A_4 = arith.extui %sign3A_3 : i1 to i32
    %sign3A_5 = arith.constant 0 : i32
    %sign3A_6 = arith.cmpi slt, %mul3A_2, %sign3A_5 : i32
    %sign3A_7 = arith.extui %sign3A_6 : i1 to i32
    %sign3A_8 = arith.subi %sign3A_4, %sign3A_7 : i32
    %sign3A_9 = arith.constant 0 : i32
    %sign3A_10 = arith.cmpi sgt, %jit3A, %sign3A_9 : i32
    %sign3A_11 = arith.extui %sign3A_10 : i1 to i32
    %sign3A_12 = arith.constant 0 : i32
    %sign3A_13 = arith.cmpi slt, %jit3A, %sign3A_12 : i32
    %sign3A_14 = arith.extui %sign3A_13 : i1 to i32
    %sign3A_15 = arith.subi %sign3A_11, %sign3A_14 : i32
    %ne3A = arith.cmpi ne, %sign3A_8, %sign3A_15 : i32
    %rem3A = arith.remsi %mul3A_2, %jit3A : i32
    %ne3A_16 = arith.constant 0 : i32
    %ne3A_17 = arith.cmpi ne, %rem3A, %ne3A_16 : i32
    %and3A = arith.andi %ne3A, %ne3A_17 : i1
    %sub3A = arith.constant 1 : i32
    %sub3A_18 = arith.subi %div3A, %sub3A : i32
    %select_n3A = arith.select %and3A, %sub3A_18, %div3A : i32
    %add3A_19 = arith.constant 1 : i32
    %add3A_20 = arith.addi %add3A, %add3A_19 : i32
    %mul3A_21 = arith.constant 6250 : i32
    %mul3A_22 = arith.muli %add3A_20, %mul3A_21 : i32
    %jit3A_23 = arith.constant 32 : i32
    %div3A_24 = arith.divsi %mul3A_22, %jit3A_23 : i32
    %sign3A_25 = arith.constant 0 : i32
    %sign3A_26 = arith.cmpi sgt, %mul3A_22, %sign3A_25 : i32
    %sign3A_27 = arith.extui %sign3A_26 : i1 to i32
    %sign3A_28 = arith.constant 0 : i32
    %sign3A_29 = arith.cmpi slt, %mul3A_22, %sign3A_28 : i32
    %sign3A_30 = arith.extui %sign3A_29 : i1 to i32
    %sign3A_31 = arith.subi %sign3A_27, %sign3A_30 : i32
    %sign3A_32 = arith.constant 0 : i32
    %sign3A_33 = arith.cmpi sgt, %jit3A_23, %sign3A_32 : i32
    %sign3A_34 = arith.extui %sign3A_33 : i1 to i32
    %sign3A_35 = arith.constant 0 : i32
    %sign3A_36 = arith.cmpi slt, %jit3A_23, %sign3A_35 : i32
    %sign3A_37 = arith.extui %sign3A_36 : i1 to i32
    %sign3A_38 = arith.subi %sign3A_34, %sign3A_37 : i32
    %ne3A_39 = arith.cmpi ne, %sign3A_31, %sign3A_38 : i32
    %rem3A_40 = arith.remsi %mul3A_22, %jit3A_23 : i32
    %ne3A_41 = arith.constant 0 : i32
    %ne3A_42 = arith.cmpi ne, %rem3A_40, %ne3A_41 : i32
    %and3A_43 = arith.andi %ne3A_39, %ne3A_42 : i1
    %sub3A_44 = arith.constant 1 : i32
    %sub3A_45 = arith.subi %div3A_24, %sub3A_44 : i32
    %select_n3A_46 = arith.select %and3A_43, %sub3A_45, %div3A_24 : i32
    %sub3A_47 = arith.subi %select_n3A_46, %select_n3A : i32
    %mul3A_48 = arith.constant 1600 : i32
    %mul3A_49 = arith.muli %add3A, %mul3A_48 : i32
    "tpu.region"() ({
      %run_scoped3A = tpu.sem_alloc : memref<!tpu.dma_semaphore, #tpu.memory_space<semaphore_mem>>
      tpu.enqueue_dma source(%arg2 : memref<50x1024xi32, #tpu.memory_space<hbm>>) target(%arg10 : memref<50x1024xi32, #tpu.memory_space<vmem>>) target_semaphore(%run_scoped3A : memref<!tpu.dma_semaphore, #tpu.memory_space<semaphore_mem>>)
      tpu.wait_dma2 semaphore(%run_scoped3A : memref<!tpu.dma_semaphore, #tpu.memory_space<semaphore_mem>>) src(%arg2 : memref<50x1024xi32, #tpu.memory_space<hbm>>) dst(%arg10 : memref<50x1024xi32, #tpu.memory_space<vmem>>)
      tpu.yield
    }) : () -> ()
    "tpu.region"() ({
      %run_scoped3A = tpu.sem_alloc : memref<!tpu.dma_semaphore, #tpu.memory_space<semaphore_mem>>
      %dma_start3A_389 = tpu.memref_slice %arg4[%mul3A_49] : memref<51200xi32, #tpu.memory_space<hbm>> -> memref<1600xi32, #tpu.memory_space<hbm>>
      %dma_start3A_390 = tpu.memref_slice %arg4[%mul3A_49] : memref<51200xi32, #tpu.memory_space<hbm>> -> memref<1600xi32, #tpu.memory_space<hbm>>
      tpu.enqueue_dma source(%dma_start3A_390 : memref<1600xi32, #tpu.memory_space<hbm>>) target(%arg14 : memref<1600xi32, #tpu.memory_space<vmem>>) target_semaphore(%run_scoped3A : memref<!tpu.dma_semaphore, #tpu.memory_space<semaphore_mem>>)
      %dma_wait3A_391 = tpu.memref_slice %arg4[%mul3A_49] : memref<51200xi32, #tpu.memory_space<hbm>> -> memref<1600xi32, #tpu.memory_space<hbm>>
      %dma_wait3A_392 = tpu.memref_slice %arg4[%mul3A_49] : memref<51200xi32, #tpu.memory_space<hbm>> -> memref<1600xi32, #tpu.memory_space<hbm>>
      tpu.wait_dma2 semaphore(%run_scoped3A : memref<!tpu.dma_semaphore, #tpu.memory_space<semaphore_mem>>) src(%dma_wait3A_392 : memref<1600xi32, #tpu.memory_space<hbm>>) dst(%arg14 : memref<1600xi32, #tpu.memory_space<vmem>>)
      tpu.yield
    }) : () -> ()
    "tpu.region"() ({
      %run_scoped3A = tpu.sem_alloc : memref<!tpu.dma_semaphore, #tpu.memory_space<semaphore_mem>>
      %dma_start3A_389 = tpu.memref_slice %arg5[%mul3A_49] : memref<51200xi32, #tpu.memory_space<hbm>> -> memref<1600xi32, #tpu.memory_space<hbm>>
      %dma_start3A_390 = tpu.memref_slice %arg5[%mul3A_49] : memref<51200xi32, #tpu.memory_space<hbm>> -> memref<1600xi32, #tpu.memory_space<hbm>>
      tpu.enqueue_dma source(%dma_start3A_390 : memref<1600xi32, #tpu.memory_space<hbm>>) target(%arg15 : memref<1600xi32, #tpu.memory_space<vmem>>) target_semaphore(%run_scoped3A : memref<!tpu.dma_semaphore, #tpu.memory_space<semaphore_mem>>)
      %dma_wait3A_391 = tpu.memref_slice %arg5[%mul3A_49] : memref<51200xi32, #tpu.memory_space<hbm>> -> memref<1600xi32, #tpu.memory_space<hbm>>
      %dma_wait3A_392 = tpu.memref_slice %arg5[%mul3A_49] : memref<51200xi32, #tpu.memory_space<hbm>> -> memref<1600xi32, #tpu.memory_space<hbm>>
      tpu.wait_dma2 semaphore(%run_scoped3A : memref<!tpu.dma_semaphore, #tpu.memory_space<semaphore_mem>>) src(%dma_wait3A_392 : memref<1600xi32, #tpu.memory_space<hbm>>) dst(%arg15 : memref<1600xi32, #tpu.memory_space<vmem>>)
      tpu.yield
    }) : () -> ()
    %scan3A = arith.constant 0 : i32
    %scan3A_50 = arith.constant 0 : i32
    %scan3A_51 = arith.constant 100 : i32
    %scan3A_52 = arith.addi %scan3A_50, %scan3A_51 : i32
    %scan3A_53 = arith.constant 1 : i32
    scf.for %scan3A_389 = %scan3A_50 to %scan3A_52 step %scan3A_53  : i32 {
      %mul3A_390 = arith.constant 16 : i32
      %mul3A_391 = arith.muli %scan3A_389, %mul3A_390 : i32
      %get3A = arith.index_cast %mul3A_391 : i32 to index
      %get3A_392 = tpu.vector_load %arg14[%get3A] {strides = array<i32>} : memref<1600xi32, #tpu.memory_space<vmem>>, vector<16xi32>,
      %mul3A_393 = arith.constant 1000 : i32
      %mul3A_394 = vector.broadcast %mul3A_393 : i32 to vector<16xi32>
      %mul3A_395 = arith.muli %get3A_392, %mul3A_394 : vector<16xi32>
      %get3A_396 = arith.index_cast %mul3A_391 : i32 to index
      %get3A_397 = tpu.vector_load %arg15[%get3A_396] {strides = array<i32>} : memref<1600xi32, #tpu.memory_space<vmem>>, vector<16xi32>,
      %add3A_398 = arith.addi %mul3A_395, %get3A_397 : vector<16xi32>
      %swap3A_399 = arith.index_cast %mul3A_391 : i32 to index
      %swap3A_400 = tpu.vector_load %arg16[%swap3A_399] {strides = array<i32>} : memref<1600xi32, #tpu.memory_space<vmem>>, vector<16xi32>,
      tpu.vector_store %arg16[%swap3A_399], %add3A_398 {strides = array<i32>} : memref<1600xi32, #tpu.memory_space<vmem>>, vector<16xi32>,
    }
    %scan3A_54 = arith.constant 100 : i32
    %dma_start3A = arith.constant 0 : i32
    %dma_start3A_55 = tpu.memref_slice %arg17[%dma_start3A] : memref<1600xf32, #tpu.memory_space<vmem>> -> memref<128xf32, #tpu.memory_space<vmem>>
    %dma_start3A_56 = arith.constant 0 : i32
    %dma_start3A_57 = tpu.memref_slice %arg16[%dma_start3A_56] : memref<1600xi32, #tpu.memory_space<vmem>> -> memref<128xi32, #tpu.memory_space<vmem>>
    %dma_start3A_58 = arith.constant 0 : i32
    %dma_start3A_59 = tpu.memref_slice %arg6[%dma_start3A_58] : memref<1000000xf32, #tpu.memory_space<hbm>> -> memref<1000000xf32, #tpu.memory_space<hbm>>
    tpu.enqueue_indirect_dma source(%dma_start3A_59 : memref<1000000xf32, #tpu.memory_space<hbm>>) target(%dma_start3A_55 : memref<128xf32, #tpu.memory_space<vmem>>) offsets(%dma_start3A_57 : memref<128xi32, #tpu.memory_space<vmem>>) semaphore(%arg24 : memref<!tpu.dma_semaphore, #tpu.memory_space<semaphore_mem>>)
    %dma_start3A_60 = arith.constant 0 : i32
    %dma_start3A_61 = tpu.memref_slice %arg18[%dma_start3A_60] : memref<1600xf32, #tpu.memory_space<vmem>> -> memref<128xf32, #tpu.memory_space<vmem>>
    %dma_start3A_62 = arith.constant 0 : i32
    %dma_start3A_63 = tpu.memref_slice %arg14[%dma_start3A_62] : memref<1600xi32, #tpu.memory_space<vmem>> -> memref<128xi32, #tpu.memory_space<vmem>>
    %dma_start3A_64 = arith.constant 0 : i32
    %dma_start3A_65 = tpu.memref_slice %arg7[%dma_start3A_64] : memref<1000xf32, #tpu.memory_space<hbm>> -> memref<1000xf32, #tpu.memory_space<hbm>>
    tpu.enqueue_indirect_dma source(%dma_start3A_65 : memref<1000xf32, #tpu.memory_space<hbm>>) target(%dma_start3A_61 : memref<128xf32, #tpu.memory_space<vmem>>) offsets(%dma_start3A_63 : memref<128xi32, #tpu.memory_space<vmem>>) semaphore(%arg24 : memref<!tpu.dma_semaphore, #tpu.memory_space<semaphore_mem>>)
    %dma_start3A_66 = arith.constant 128 : i32
    %dma_start3A_67 = tpu.memref_slice %arg17[%dma_start3A_66] : memref<1600xf32, #tpu.memory_space<vmem>> -> memref<128xf32, #tpu.memory_space<vmem>>
    %dma_start3A_68 = arith.constant 128 : i32
    %dma_start3A_69 = tpu.memref_slice %arg16[%dma_start3A_68] : memref<1600xi32, #tpu.memory_space<vmem>> -> memref<128xi32, #tpu.memory_space<vmem>>
    %dma_start3A_70 = arith.constant 0 : i32
    %dma_start3A_71 = tpu.memref_slice %arg6[%dma_start3A_70] : memref<1000000xf32, #tpu.memory_space<hbm>> -> memref<1000000xf32, #tpu.memory_space<hbm>>
    tpu.enqueue_indirect_dma source(%dma_start3A_71 : memref<1000000xf32, #tpu.memory_space<hbm>>) target(%dma_start3A_67 : memref<128xf32, #tpu.memory_space<vmem>>) offsets(%dma_start3A_69 : memref<128xi32, #tpu.memory_space<vmem>>) semaphore(%arg24 : memref<!tpu.dma_semaphore, #tpu.memory_space<semaphore_mem>>)
    %dma_start3A_72 = arith.constant 128 : i32
    %dma_start3A_73 = tpu.memref_slice %arg18[%dma_start3A_72] : memref<1600xf32, #tpu.memory_space<vmem>> -> memref<128xf32, #tpu.memory_space<vmem>>
    %dma_start3A_74 = arith.constant 128 : i32
    %dma_start3A_75 = tpu.memref_slice %arg14[%dma_start3A_74] : memref<1600xi32, #tpu.memory_space<vmem>> -> memref<128xi32, #tpu.memory_space<vmem>>
    %dma_start3A_76 = arith.constant 0 : i32
    %dma_start3A_77 = tpu.memref_slice %arg7[%dma_start3A_76] : memref<1000xf32, #tpu.memory_space<hbm>> -> memref<1000xf32, #tpu.memory_space<hbm>>
    tpu.enqueue_indirect_dma source(%dma_start3A_77 : memref<1000xf32, #tpu.memory_space<hbm>>) target(%dma_start3A_73 : memref<128xf32, #tpu.memory_space<vmem>>) offsets(%dma_start3A_75 : memref<128xi32, #tpu.memory_space<vmem>>) semaphore(%arg24 : memref<!tpu.dma_semaphore, #tpu.memory_space<semaphore_mem>>)
    %dma_start3A_78 = arith.constant 256 : i32
    %dma_start3A_79 = tpu.memref_slice %arg17[%dma_start3A_78] : memref<1600xf32, #tpu.memory_space<vmem>> -> memref<128xf32, #tpu.memory_space<vmem>>
    %dma_start3A_80 = arith.constant 256 : i32
    %dma_start3A_81 = tpu.memref_slice %arg16[%dma_start3A_80] : memref<1600xi32, #tpu.memory_space<vmem>> -> memref<128xi32, #tpu.memory_space<vmem>>
    %dma_start3A_82 = arith.constant 0 : i32
    %dma_start3A_83 = tpu.memref_slice %arg6[%dma_start3A_82] : memref<1000000xf32, #tpu.memory_space<hbm>> -> memref<1000000xf32, #tpu.memory_space<hbm>>
    tpu.enqueue_indirect_dma source(%dma_start3A_83 : memref<1000000xf32, #tpu.memory_space<hbm>>) target(%dma_start3A_79 : memref<128xf32, #tpu.memory_space<vmem>>) offsets(%dma_start3A_81 : memref<128xi32, #tpu.memory_space<vmem>>) semaphore(%arg24 : memref<!tpu.dma_semaphore, #tpu.memory_space<semaphore_mem>>)
    %dma_start3A_84 = arith.constant 256 : i32
    %dma_start3A_85 = tpu.memref_slice %arg18[%dma_start3A_84] : memref<1600xf32, #tpu.memory_space<vmem>> -> memref<128xf32, #tpu.memory_space<vmem>>
    %dma_start3A_86 = arith.constant 256 : i32
    %dma_start3A_87 = tpu.memref_slice %arg14[%dma_start3A_86] : memref<1600xi32, #tpu.memory_space<vmem>> -> memref<128xi32, #tpu.memory_space<vmem>>
    %dma_start3A_88 = arith.constant 0 : i32
    %dma_start3A_89 = tpu.memref_slice %arg7[%dma_start3A_88] : memref<1000xf32, #tpu.memory_space<hbm>> -> memref<1000xf32, #tpu.memory_space<hbm>>
    tpu.enqueue_indirect_dma source(%dma_start3A_89 : memref<1000xf32, #tpu.memory_space<hbm>>) target(%dma_start3A_85 : memref<128xf32, #tpu.memory_space<vmem>>) offsets(%dma_start3A_87 : memref<128xi32, #tpu.memory_space<vmem>>) semaphore(%arg24 : memref<!tpu.dma_semaphore, #tpu.memory_space<semaphore_mem>>)
    %dma_start3A_90 = arith.constant 384 : i32
    %dma_start3A_91 = tpu.memref_slice %arg17[%dma_start3A_90] : memref<1600xf32, #tpu.memory_space<vmem>> -> memref<128xf32, #tpu.memory_space<vmem>>
    %dma_start3A_92 = arith.constant 384 : i32
    %dma_start3A_93 = tpu.memref_slice %arg16[%dma_start3A_92] : memref<1600xi32, #tpu.memory_space<vmem>> -> memref<128xi32, #tpu.memory_space<vmem>>
    %dma_start3A_94 = arith.constant 0 : i32
    %dma_start3A_95 = tpu.memref_slice %arg6[%dma_start3A_94] : memref<1000000xf32, #tpu.memory_space<hbm>> -> memref<1000000xf32, #tpu.memory_space<hbm>>
    tpu.enqueue_indirect_dma source(%dma_start3A_95 : memref<1000000xf32, #tpu.memory_space<hbm>>) target(%dma_start3A_91 : memref<128xf32, #tpu.memory_space<vmem>>) offsets(%dma_start3A_93 : memref<128xi32, #tpu.memory_space<vmem>>) semaphore(%arg24 : memref<!tpu.dma_semaphore, #tpu.memory_space<semaphore_mem>>)
    %dma_start3A_96 = arith.constant 384 : i32
    %dma_start3A_97 = tpu.memref_slice %arg18[%dma_start3A_96] : memref<1600xf32, #tpu.memory_space<vmem>> -> memref<128xf32, #tpu.memory_space<vmem>>
    %dma_start3A_98 = arith.constant 384 : i32
    %dma_start3A_99 = tpu.memref_slice %arg14[%dma_start3A_98] : memref<1600xi32, #tpu.memory_space<vmem>> -> memref<128xi32, #tpu.memory_space<vmem>>
    %dma_start3A_100 = arith.constant 0 : i32
    %dma_start3A_101 = tpu.memref_slice %arg7[%dma_start3A_100] : memref<1000xf32, #tpu.memory_space<hbm>> -> memref<1000xf32, #tpu.memory_space<hbm>>
    tpu.enqueue_indirect_dma source(%dma_start3A_101 : memref<1000xf32, #tpu.memory_space<hbm>>) target(%dma_start3A_97 : memref<128xf32, #tpu.memory_space<vmem>>) offsets(%dma_start3A_99 : memref<128xi32, #tpu.memory_space<vmem>>) semaphore(%arg24 : memref<!tpu.dma_semaphore, #tpu.memory_space<semaphore_mem>>)
    %dma_start3A_102 = arith.constant 512 : i32
    %dma_start3A_103 = tpu.memref_slice %arg17[%dma_start3A_102] : memref<1600xf32, #tpu.memory_space<vmem>> -> memref<128xf32, #tpu.memory_space<vmem>>
    %dma_start3A_104 = arith.constant 512 : i32
    %dma_start3A_105 = tpu.memref_slice %arg16[%dma_start3A_104] : memref<1600xi32, #tpu.memory_space<vmem>> -> memref<128xi32, #tpu.memory_space<vmem>>
    %dma_start3A_106 = arith.constant 0 : i32
    %dma_start3A_107 = tpu.memref_slice %arg6[%dma_start3A_106] : memref<1000000xf32, #tpu.memory_space<hbm>> -> memref<1000000xf32, #tpu.memory_space<hbm>>
    tpu.enqueue_indirect_dma source(%dma_start3A_107 : memref<1000000xf32, #tpu.memory_space<hbm>>) target(%dma_start3A_103 : memref<128xf32, #tpu.memory_space<vmem>>) offsets(%dma_start3A_105 : memref<128xi32, #tpu.memory_space<vmem>>) semaphore(%arg24 : memref<!tpu.dma_semaphore, #tpu.memory_space<semaphore_mem>>)
    %dma_start3A_108 = arith.constant 512 : i32
    %dma_start3A_109 = tpu.memref_slice %arg18[%dma_start3A_108] : memref<1600xf32, #tpu.memory_space<vmem>> -> memref<128xf32, #tpu.memory_space<vmem>>
    %dma_start3A_110 = arith.constant 512 : i32
    %dma_start3A_111 = tpu.memref_slice %arg14[%dma_start3A_110] : memref<1600xi32, #tpu.memory_space<vmem>> -> memref<128xi32, #tpu.memory_space<vmem>>
    %dma_start3A_112 = arith.constant 0 : i32
    %dma_start3A_113 = tpu.memref_slice %arg7[%dma_start3A_112] : memref<1000xf32, #tpu.memory_space<hbm>> -> memref<1000xf32, #tpu.memory_space<hbm>>
    tpu.enqueue_indirect_dma source(%dma_start3A_113 : memref<1000xf32, #tpu.memory_space<hbm>>) target(%dma_start3A_109 : memref<128xf32, #tpu.memory_space<vmem>>) offsets(%dma_start3A_111 : memref<128xi32, #tpu.memory_space<vmem>>) semaphore(%arg24 : memref<!tpu.dma_semaphore, #tpu.memory_space<semaphore_mem>>)
    %dma_start3A_114 = arith.constant 640 : i32
    %dma_start3A_115 = tpu.memref_slice %arg17[%dma_start3A_114] : memref<1600xf32, #tpu.memory_space<vmem>> -> memref<128xf32, #tpu.memory_space<vmem>>
    %dma_start3A_116 = arith.constant 640 : i32
    %dma_start3A_117 = tpu.memref_slice %arg16[%dma_start3A_116] : memref<1600xi32, #tpu.memory_space<vmem>> -> memref<128xi32, #tpu.memory_space<vmem>>
    %dma_start3A_118 = arith.constant 0 : i32
    %dma_start3A_119 = tpu.memref_slice %arg6[%dma_start3A_118] : memref<1000000xf32, #tpu.memory_space<hbm>> -> memref<1000000xf32, #tpu.memory_space<hbm>>
    tpu.enqueue_indirect_dma source(%dma_start3A_119 : memref<1000000xf32, #tpu.memory_space<hbm>>) target(%dma_start3A_115 : memref<128xf32, #tpu.memory_space<vmem>>) offsets(%dma_start3A_117 : memref<128xi32, #tpu.memory_space<vmem>>) semaphore(%arg24 : memref<!tpu.dma_semaphore, #tpu.memory_space<semaphore_mem>>)
    %dma_start3A_120 = arith.constant 640 : i32
    %dma_start3A_121 = tpu.memref_slice %arg18[%dma_start3A_120] : memref<1600xf32, #tpu.memory_space<vmem>> -> memref<128xf32, #tpu.memory_space<vmem>>
    %dma_start3A_122 = arith.constant 640 : i32
    %dma_start3A_123 = tpu.memref_slice %arg14[%dma_start3A_122] : memref<1600xi32, #tpu.memory_space<vmem>> -> memref<128xi32, #tpu.memory_space<vmem>>
    %dma_start3A_124 = arith.constant 0 : i32
    %dma_start3A_125 = tpu.memref_slice %arg7[%dma_start3A_124] : memref<1000xf32, #tpu.memory_space<hbm>> -> memref<1000xf32, #tpu.memory_space<hbm>>
    tpu.enqueue_indirect_dma source(%dma_start3A_125 : memref<1000xf32, #tpu.memory_space<hbm>>) target(%dma_start3A_121 : memref<128xf32, #tpu.memory_space<vmem>>) offsets(%dma_start3A_123 : memref<128xi32, #tpu.memory_space<vmem>>) semaphore(%arg24 : memref<!tpu.dma_semaphore, #tpu.memory_space<semaphore_mem>>)
    %dma_start3A_126 = arith.constant 768 : i32
    %dma_start3A_127 = tpu.memref_slice %arg17[%dma_start3A_126] : memref<1600xf32, #tpu.memory_space<vmem>> -> memref<128xf32, #tpu.memory_space<vmem>>
    %dma_start3A_128 = arith.constant 768 : i32
    %dma_start3A_129 = tpu.memref_slice %arg16[%dma_start3A_128] : memref<1600xi32, #tpu.memory_space<vmem>> -> memref<128xi32, #tpu.memory_space<vmem>>
    %dma_start3A_130 = arith.constant 0 : i32
    %dma_start3A_131 = tpu.memref_slice %arg6[%dma_start3A_130] : memref<1000000xf32, #tpu.memory_space<hbm>> -> memref<1000000xf32, #tpu.memory_space<hbm>>
    tpu.enqueue_indirect_dma source(%dma_start3A_131 : memref<1000000xf32, #tpu.memory_space<hbm>>) target(%dma_start3A_127 : memref<128xf32, #tpu.memory_space<vmem>>) offsets(%dma_start3A_129 : memref<128xi32, #tpu.memory_space<vmem>>) semaphore(%arg24 : memref<!tpu.dma_semaphore, #tpu.memory_space<semaphore_mem>>)
    %dma_start3A_132 = arith.constant 768 : i32
    %dma_start3A_133 = tpu.memref_slice %arg18[%dma_start3A_132] : memref<1600xf32, #tpu.memory_space<vmem>> -> memref<128xf32, #tpu.memory_space<vmem>>
    %dma_start3A_134 = arith.constant 768 : i32
    %dma_start3A_135 = tpu.memref_slice %arg14[%dma_start3A_134] : memref<1600xi32, #tpu.memory_space<vmem>> -> memref<128xi32, #tpu.memory_space<vmem>>
    %dma_start3A_136 = arith.constant 0 : i32
    %dma_start3A_137 = tpu.memref_slice %arg7[%dma_start3A_136] : memref<1000xf32, #tpu.memory_space<hbm>> -> memref<1000xf32, #tpu.memory_space<hbm>>
    tpu.enqueue_indirect_dma source(%dma_start3A_137 : memref<1000xf32, #tpu.memory_space<hbm>>) target(%dma_start3A_133 : memref<128xf32, #tpu.memory_space<vmem>>) offsets(%dma_start3A_135 : memref<128xi32, #tpu.memory_space<vmem>>) semaphore(%arg24 : memref<!tpu.dma_semaphore, #tpu.memory_space<semaphore_mem>>)
    %dma_start3A_138 = arith.constant 896 : i32
    %dma_start3A_139 = tpu.memref_slice %arg17[%dma_start3A_138] : memref<1600xf32, #tpu.memory_space<vmem>> -> memref<128xf32, #tpu.memory_space<vmem>>
    %dma_start3A_140 = arith.constant 896 : i32
    %dma_start3A_141 = tpu.memref_slice %arg16[%dma_start3A_140] : memref<1600xi32, #tpu.memory_space<vmem>> -> memref<128xi32, #tpu.memory_space<vmem>>
    %dma_start3A_142 = arith.constant 0 : i32
    %dma_start3A_143 = tpu.memref_slice %arg6[%dma_start3A_142] : memref<1000000xf32, #tpu.memory_space<hbm>> -> memref<1000000xf32, #tpu.memory_space<hbm>>
    tpu.enqueue_indirect_dma source(%dma_start3A_143 : memref<1000000xf32, #tpu.memory_space<hbm>>) target(%dma_start3A_139 : memref<128xf32, #tpu.memory_space<vmem>>) offsets(%dma_start3A_141 : memref<128xi32, #tpu.memory_space<vmem>>) semaphore(%arg24 : memref<!tpu.dma_semaphore, #tpu.memory_space<semaphore_mem>>)
    %dma_start3A_144 = arith.constant 896 : i32
    %dma_start3A_145 = tpu.memref_slice %arg18[%dma_start3A_144] : memref<1600xf32, #tpu.memory_space<vmem>> -> memref<128xf32, #tpu.memory_space<vmem>>
    %dma_start3A_146 = arith.constant 896 : i32
    %dma_start3A_147 = tpu.memref_slice %arg14[%dma_start3A_146] : memref<1600xi32, #tpu.memory_space<vmem>> -> memref<128xi32, #tpu.memory_space<vmem>>
    %dma_start3A_148 = arith.constant 0 : i32
    %dma_start3A_149 = tpu.memref_slice %arg7[%dma_start3A_148] : memref<1000xf32, #tpu.memory_space<hbm>> -> memref<1000xf32, #tpu.memory_space<hbm>>
    tpu.enqueue_indirect_dma source(%dma_start3A_149 : memref<1000xf32, #tpu.memory_space<hbm>>) target(%dma_start3A_145 : memref<128xf32, #tpu.memory_space<vmem>>) offsets(%dma_start3A_147 : memref<128xi32, #tpu.memory_space<vmem>>) semaphore(%arg24 : memref<!tpu.dma_semaphore, #tpu.memory_space<semaphore_mem>>)
    %dma_start3A_150 = arith.constant 1024 : i32
    %dma_start3A_151 = tpu.memref_slice %arg17[%dma_start3A_150] : memref<1600xf32, #tpu.memory_space<vmem>> -> memref<128xf32, #tpu.memory_space<vmem>>
    %dma_start3A_152 = arith.constant 1024 : i32
    %dma_start3A_153 = tpu.memref_slice %arg16[%dma_start3A_152] : memref<1600xi32, #tpu.memory_space<vmem>> -> memref<128xi32, #tpu.memory_space<vmem>>
    %dma_start3A_154 = arith.constant 0 : i32
    %dma_start3A_155 = tpu.memref_slice %arg6[%dma_start3A_154] : memref<1000000xf32, #tpu.memory_space<hbm>> -> memref<1000000xf32, #tpu.memory_space<hbm>>
    tpu.enqueue_indirect_dma source(%dma_start3A_155 : memref<1000000xf32, #tpu.memory_space<hbm>>) target(%dma_start3A_151 : memref<128xf32, #tpu.memory_space<vmem>>) offsets(%dma_start3A_153 : memref<128xi32, #tpu.memory_space<vmem>>) semaphore(%arg24 : memref<!tpu.dma_semaphore, #tpu.memory_space<semaphore_mem>>)
    %dma_start3A_156 = arith.constant 1024 : i32
    %dma_start3A_157 = tpu.memref_slice %arg18[%dma_start3A_156] : memref<1600xf32, #tpu.memory_space<vmem>> -> memref<128xf32, #tpu.memory_space<vmem>>
    %dma_start3A_158 = arith.constant 1024 : i32
    %dma_start3A_159 = tpu.memref_slice %arg14[%dma_start3A_158] : memref<1600xi32, #tpu.memory_space<vmem>> -> memref<128xi32, #tpu.memory_space<vmem>>
    %dma_start3A_160 = arith.constant 0 : i32
    %dma_start3A_161 = tpu.memref_slice %arg7[%dma_start3A_160] : memref<1000xf32, #tpu.memory_space<hbm>> -> memref<1000xf32, #tpu.memory_space<hbm>>
    tpu.enqueue_indirect_dma source(%dma_start3A_161 : memref<1000xf32, #tpu.memory_space<hbm>>) target(%dma_start3A_157 : memref<128xf32, #tpu.memory_space<vmem>>) offsets(%dma_start3A_159 : memref<128xi32, #tpu.memory_space<vmem>>) semaphore(%arg24 : memref<!tpu.dma_semaphore, #tpu.memory_space<semaphore_mem>>)
    %dma_start3A_162 = arith.constant 1152 : i32
    %dma_start3A_163 = tpu.memref_slice %arg17[%dma_start3A_162] : memref<1600xf32, #tpu.memory_space<vmem>> -> memref<128xf32, #tpu.memory_space<vmem>>
    %dma_start3A_164 = arith.constant 1152 : i32
    %dma_start3A_165 = tpu.memref_slice %arg16[%dma_start3A_164] : memref<1600xi32, #tpu.memory_space<vmem>> -> memref<128xi32, #tpu.memory_space<vmem>>
    %dma_start3A_166 = arith.constant 0 : i32
    %dma_start3A_167 = tpu.memref_slice %arg6[%dma_start3A_166] : memref<1000000xf32, #tpu.memory_space<hbm>> -> memref<1000000xf32, #tpu.memory_space<hbm>>
    tpu.enqueue_indirect_dma source(%dma_start3A_167 : memref<1000000xf32, #tpu.memory_space<hbm>>) target(%dma_start3A_163 : memref<128xf32, #tpu.memory_space<vmem>>) offsets(%dma_start3A_165 : memref<128xi32, #tpu.memory_space<vmem>>) semaphore(%arg24 : memref<!tpu.dma_semaphore, #tpu.memory_space<semaphore_mem>>)
    %dma_start3A_168 = arith.constant 1152 : i32
    %dma_start3A_169 = tpu.memref_slice %arg18[%dma_start3A_168] : memref<1600xf32, #tpu.memory_space<vmem>> -> memref<128xf32, #tpu.memory_space<vmem>>
    %dma_start3A_170 = arith.constant 1152 : i32
    %dma_start3A_171 = tpu.memref_slice %arg14[%dma_start3A_170] : memref<1600xi32, #tpu.memory_space<vmem>> -> memref<128xi32, #tpu.memory_space<vmem>>
    %dma_start3A_172 = arith.constant 0 : i32
    %dma_start3A_173 = tpu.memref_slice %arg7[%dma_start3A_172] : memref<1000xf32, #tpu.memory_space<hbm>> -> memref<1000xf32, #tpu.memory_space<hbm>>
    tpu.enqueue_indirect_dma source(%dma_start3A_173 : memref<1000xf32, #tpu.memory_space<hbm>>) target(%dma_start3A_169 : memref<128xf32, #tpu.memory_space<vmem>>) offsets(%dma_start3A_171 : memref<128xi32, #tpu.memory_space<vmem>>) semaphore(%arg24 : memref<!tpu.dma_semaphore, #tpu.memory_space<semaphore_mem>>)
    %dma_start3A_174 = arith.constant 1280 : i32
    %dma_start3A_175 = tpu.memref_slice %arg17[%dma_start3A_174] : memref<1600xf32, #tpu.memory_space<vmem>> -> memref<128xf32, #tpu.memory_space<vmem>>
    %dma_start3A_176 = arith.constant 1280 : i32
    %dma_start3A_177 = tpu.memref_slice %arg16[%dma_start3A_176] : memref<1600xi32, #tpu.memory_space<vmem>> -> memref<128xi32, #tpu.memory_space<vmem>>
    %dma_start3A_178 = arith.constant 0 : i32
    %dma_start3A_179 = tpu.memref_slice %arg6[%dma_start3A_178] : memref<1000000xf32, #tpu.memory_space<hbm>> -> memref<1000000xf32, #tpu.memory_space<hbm>>
    tpu.enqueue_indirect_dma source(%dma_start3A_179 : memref<1000000xf32, #tpu.memory_space<hbm>>) target(%dma_start3A_175 : memref<128xf32, #tpu.memory_space<vmem>>) offsets(%dma_start3A_177 : memref<128xi32, #tpu.memory_space<vmem>>) semaphore(%arg24 : memref<!tpu.dma_semaphore, #tpu.memory_space<semaphore_mem>>)
    %dma_start3A_180 = arith.constant 1280 : i32
    %dma_start3A_181 = tpu.memref_slice %arg18[%dma_start3A_180] : memref<1600xf32, #tpu.memory_space<vmem>> -> memref<128xf32, #tpu.memory_space<vmem>>
    %dma_start3A_182 = arith.constant 1280 : i32
    %dma_start3A_183 = tpu.memref_slice %arg14[%dma_start3A_182] : memref<1600xi32, #tpu.memory_space<vmem>> -> memref<128xi32, #tpu.memory_space<vmem>>
    %dma_start3A_184 = arith.constant 0 : i32
    %dma_start3A_185 = tpu.memref_slice %arg7[%dma_start3A_184] : memref<1000xf32, #tpu.memory_space<hbm>> -> memref<1000xf32, #tpu.memory_space<hbm>>
    tpu.enqueue_indirect_dma source(%dma_start3A_185 : memref<1000xf32, #tpu.memory_space<hbm>>) target(%dma_start3A_181 : memref<128xf32, #tpu.memory_space<vmem>>) offsets(%dma_start3A_183 : memref<128xi32, #tpu.memory_space<vmem>>) semaphore(%arg24 : memref<!tpu.dma_semaphore, #tpu.memory_space<semaphore_mem>>)
    %dma_start3A_186 = arith.constant 1408 : i32
    %dma_start3A_187 = tpu.memref_slice %arg17[%dma_start3A_186] : memref<1600xf32, #tpu.memory_space<vmem>> -> memref<128xf32, #tpu.memory_space<vmem>>
    %dma_start3A_188 = arith.constant 1408 : i32
    %dma_start3A_189 = tpu.memref_slice %arg16[%dma_start3A_188] : memref<1600xi32, #tpu.memory_space<vmem>> -> memref<128xi32, #tpu.memory_space<vmem>>
    %dma_start3A_190 = arith.constant 0 : i32
    %dma_start3A_191 = tpu.memref_slice %arg6[%dma_start3A_190] : memref<1000000xf32, #tpu.memory_space<hbm>> -> memref<1000000xf32, #tpu.memory_space<hbm>>
    tpu.enqueue_indirect_dma source(%dma_start3A_191 : memref<1000000xf32, #tpu.memory_space<hbm>>) target(%dma_start3A_187 : memref<128xf32, #tpu.memory_space<vmem>>) offsets(%dma_start3A_189 : memref<128xi32, #tpu.memory_space<vmem>>) semaphore(%arg24 : memref<!tpu.dma_semaphore, #tpu.memory_space<semaphore_mem>>)
    %dma_start3A_192 = arith.constant 1408 : i32
    %dma_start3A_193 = tpu.memref_slice %arg18[%dma_start3A_192] : memref<1600xf32, #tpu.memory_space<vmem>> -> memref<128xf32, #tpu.memory_space<vmem>>
    %dma_start3A_194 = arith.constant 1408 : i32
    %dma_start3A_195 = tpu.memref_slice %arg14[%dma_start3A_194] : memref<1600xi32, #tpu.memory_space<vmem>> -> memref<128xi32, #tpu.memory_space<vmem>>
    %dma_start3A_196 = arith.constant 0 : i32
    %dma_start3A_197 = tpu.memref_slice %arg7[%dma_start3A_196] : memref<1000xf32, #tpu.memory_space<hbm>> -> memref<1000xf32, #tpu.memory_space<hbm>>
    tpu.enqueue_indirect_dma source(%dma_start3A_197 : memref<1000xf32, #tpu.memory_space<hbm>>) target(%dma_start3A_193 : memref<128xf32, #tpu.memory_space<vmem>>) offsets(%dma_start3A_195 : memref<128xi32, #tpu.memory_space<vmem>>) semaphore(%arg24 : memref<!tpu.dma_semaphore, #tpu.memory_space<semaphore_mem>>)
    %dma_start3A_198 = arith.constant 1536 : i32
    %dma_start3A_199 = tpu.memref_slice %arg17[%dma_start3A_198] : memref<1600xf32, #tpu.memory_space<vmem>> -> memref<64xf32, #tpu.memory_space<vmem>>
    %dma_start3A_200 = arith.constant 1536 : i32
    %dma_start3A_201 = tpu.memref_slice %arg16[%dma_start3A_200] : memref<1600xi32, #tpu.memory_space<vmem>> -> memref<64xi32, #tpu.memory_space<vmem>>
    %dma_start3A_202 = arith.constant 0 : i32
    %dma_start3A_203 = tpu.memref_slice %arg6[%dma_start3A_202] : memref<1000000xf32, #tpu.memory_space<hbm>> -> memref<1000000xf32, #tpu.memory_space<hbm>>
    tpu.enqueue_indirect_dma source(%dma_start3A_203 : memref<1000000xf32, #tpu.memory_space<hbm>>) target(%dma_start3A_199 : memref<64xf32, #tpu.memory_space<vmem>>) offsets(%dma_start3A_201 : memref<64xi32, #tpu.memory_space<vmem>>) semaphore(%arg24 : memref<!tpu.dma_semaphore, #tpu.memory_space<semaphore_mem>>)
    %dma_start3A_204 = arith.constant 1536 : i32
    %dma_start3A_205 = tpu.memref_slice %arg18[%dma_start3A_204] : memref<1600xf32, #tpu.memory_space<vmem>> -> memref<64xf32, #tpu.memory_space<vmem>>
    %dma_start3A_206 = arith.constant 1536 : i32
    %dma_start3A_207 = tpu.memref_slice %arg14[%dma_start3A_206] : memref<1600xi32, #tpu.memory_space<vmem>> -> memref<64xi32, #tpu.memory_space<vmem>>
    %dma_start3A_208 = arith.constant 0 : i32
    %dma_start3A_209 = tpu.memref_slice %arg7[%dma_start3A_208] : memref<1000xf32, #tpu.memory_space<hbm>> -> memref<1000xf32, #tpu.memory_space<hbm>>
    tpu.enqueue_indirect_dma source(%dma_start3A_209 : memref<1000xf32, #tpu.memory_space<hbm>>) target(%dma_start3A_205 : memref<64xf32, #tpu.memory_space<vmem>>) offsets(%dma_start3A_207 : memref<64xi32, #tpu.memory_space<vmem>>) semaphore(%arg24 : memref<!tpu.dma_semaphore, #tpu.memory_space<semaphore_mem>>)
    %scan3A_210 = arith.constant 0 : i32
    %scan3A_211 = arith.constant 0 : i32
    %scan3A_212 = arith.constant 98 : i32
    %scan3A_213 = arith.addi %scan3A_211, %scan3A_212 : i32
    %scan3A_214 = arith.constant 1 : i32
    scf.for %scan3A_389 = %scan3A_211 to %scan3A_213 step %scan3A_214  : i32 {
      %mul3A_390 = arith.constant 2 : i32
      %mul3A_391 = arith.muli %scan3A_389, %mul3A_390 : i32
      %add3A_392 = arith.constant 0 : i32
      %add3A_393 = arith.addi %mul3A_391, %add3A_392 : i32
      %lt3A = arith.cmpi slt, %add3A_393, %sub3A_47 : i32
      %convert_element_type3A_394 = arith.extui %lt3A : i1 to i32
      %cond3A_395 = arith.constant 0 : i32
      %cond3A_396 = arith.cmpi ne, %convert_element_type3A_394, %cond3A_395 : i32
      scf.if %cond3A_396 {
        %add3A_405 = arith.addi %select_n3A, %add3A_393 : i32
        %jit3A_406 = arith.constant 50 : i32
        %div3A_407 = arith.divsi %add3A_405, %jit3A_406 : i32
        %sign3A_408 = arith.constant 0 : i32
        %sign3A_409 = arith.cmpi sgt, %add3A_405, %sign3A_408 : i32
        %sign3A_410 = arith.extui %sign3A_409 : i1 to i32
        %sign3A_411 = arith.constant 0 : i32
        %sign3A_412 = arith.cmpi slt, %add3A_405, %sign3A_411 : i32
        %sign3A_413 = arith.extui %sign3A_412 : i1 to i32
        %sign3A_414 = arith.subi %sign3A_410, %sign3A_413 : i32
        %sign3A_415 = arith.constant 0 : i32
        %sign3A_416 = arith.cmpi sgt, %jit3A_406, %sign3A_415 : i32
        %sign3A_417 = arith.extui %sign3A_416 : i1 to i32
        %sign3A_418 = arith.constant 0 : i32
        %sign3A_419 = arith.cmpi slt, %jit3A_406, %sign3A_418 : i32
        %sign3A_420 = arith.extui %sign3A_419 : i1 to i32
        %sign3A_421 = arith.subi %sign3A_417, %sign3A_420 : i32
        %ne3A_422 = arith.cmpi ne, %sign3A_414, %sign3A_421 : i32
        %rem3A_423 = arith.remsi %add3A_405, %jit3A_406 : i32
        %ne3A_424 = arith.constant 0 : i32
        %ne3A_425 = arith.cmpi ne, %rem3A_423, %ne3A_424 : i32
        %and3A_426 = arith.andi %ne3A_422, %ne3A_425 : i1
        %sub3A_427 = arith.constant 1 : i32
        %sub3A_428 = arith.subi %div3A_407, %sub3A_427 : i32
        %select_n3A_429 = arith.select %and3A_426, %sub3A_428, %div3A_407 : i32
        %jit3A_430 = arith.constant 50 : i32
        %eq3A_431 = arith.constant 0 : i32
        %eq3A_432 = arith.cmpi eq, %jit3A_430, %eq3A_431 : i32
        %jit3A_433 = arith.constant 1 : i32
        %select_n3A_434 = arith.select %eq3A_432, %jit3A_433, %jit3A_430 : i32
        %rem3A_435 = arith.remsi %add3A_405, %select_n3A_434 : i32
        %ne3A_436 = arith.constant 0 : i32
        %ne3A_437 = arith.cmpi ne, %rem3A_435, %ne3A_436 : i32
        %lt3A_438 = arith.constant 0 : i32
        %lt3A_439 = arith.cmpi slt, %rem3A_435, %lt3A_438 : i32
        %lt3A_440 = arith.constant 0 : i32
        %lt3A_441 = arith.cmpi slt, %select_n3A_434, %lt3A_440 : i32
        %ne3A_442 = arith.xori %lt3A_439, %lt3A_441 : i1
        %and3A_443 = arith.andi %ne3A_442, %ne3A_437 : i1
        %add3A_444 = arith.addi %rem3A_435, %select_n3A_434 : i32
        %select_n3A_445 = arith.select %and3A_443, %add3A_444, %rem3A_435 : i32
        %eq3A_446 = arith.constant 0 : i32
        %eq3A_447 = arith.cmpi eq, %select_n3A_445, %eq3A_446 : i32
        %eq3A_448 = arith.constant 0 : i32
        %eq3A_449 = arith.cmpi eq, %add3A_393, %eq3A_448 : i32
        %or3A = arith.ori %eq3A_447, %eq3A_449 : i1
        %convert_element_type3A_450 = arith.extui %or3A : i1 to i32
        %cond3A_451 = arith.constant 0 : i32
        %cond3A_452 = arith.cmpi ne, %convert_element_type3A_450, %cond3A_451 : i32
        scf.if %cond3A_452 {
          %mul3A_470 = arith.constant 4 : i32
          %mul3A_471 = arith.muli %select_n3A_429, %mul3A_470 : i32
          "tpu.region"() ({
            %run_scoped3A = tpu.sem_alloc : memref<!tpu.dma_semaphore, #tpu.memory_space<semaphore_mem>>
            %dma_start3A_472 = arith.constant 0 : i32
            %dma_start3A_473 = tpu.memref_slice %arg3[%mul3A_471, %dma_start3A_472] : memref<500x1000xi32, #tpu.memory_space<hbm>> -> memref<4x1000xi32, #tpu.memory_space<hbm>>
            %dma_start3A_474 = arith.constant 0 : i32
            %dma_start3A_475 = tpu.memref_slice %arg3[%mul3A_471, %dma_start3A_474] : memref<500x1000xi32, #tpu.memory_space<hbm>> -> memref<4x1000xi32, #tpu.memory_space<hbm>>
            tpu.enqueue_dma source(%dma_start3A_475 : memref<4x1000xi32, #tpu.memory_space<hbm>>) target(%arg11 : memref<4x1000xi32, #tpu.memory_space<vmem>>) target_semaphore(%run_scoped3A : memref<!tpu.dma_semaphore, #tpu.memory_space<semaphore_mem>>)
            %dma_wait3A_476 = arith.constant 0 : i32
            %dma_wait3A_477 = tpu.memref_slice %arg3[%mul3A_471, %dma_wait3A_476] : memref<500x1000xi32, #tpu.memory_space<hbm>> -> memref<4x1000xi32, #tpu.memory_space<hbm>>
            %dma_wait3A_478 = arith.constant 0 : i32
            %dma_wait3A_479 = tpu.memref_slice %arg3[%mul3A_471, %dma_wait3A_478] : memref<500x1000xi32, #tpu.memory_space<hbm>> -> memref<4x1000xi32, #tpu.memory_space<hbm>>
            tpu.wait_dma2 semaphore(%run_scoped3A : memref<!tpu.dma_semaphore, #tpu.memory_space<semaphore_mem>>) src(%dma_wait3A_479 : memref<4x1000xi32, #tpu.memory_space<hbm>>) dst(%arg11 : memref<4x1000xi32, #tpu.memory_space<vmem>>)
            tpu.yield
          }) : () -> ()
        } else {
        }
        %ge3A = arith.constant 2 : i32
        %ge3A_453 = arith.cmpi sge, %add3A_393, %ge3A : i32
        %convert_element_type3A_454 = arith.extui %ge3A_453 : i1 to i32
        %cond3A_455 = arith.constant 0 : i32
        %cond3A_456 = arith.cmpi ne, %convert_element_type3A_454, %cond3A_455 : i32
        scf.if %cond3A_456 {
          %dma_wait3A_470 = arith.constant 0 : i32
          %dma_wait3A_471 = tpu.memref_slice %arg8[%dma_wait3A_470] : memref<51200000xf32, #tpu.memory_space<hbm>> -> memref<8192xf32, #tpu.memory_space<hbm>>
          %dma_wait3A_472 = arith.constant 0 : i32
          %dma_wait3A_473 = tpu.memref_slice %arg8[%dma_wait3A_472] : memref<51200000xf32, #tpu.memory_space<hbm>> -> memref<8192xf32, #tpu.memory_space<hbm>>
          tpu.wait_dma2 semaphore(%arg23 : memref<!tpu.dma_semaphore, #tpu.memory_space<semaphore_mem>>) src(%arg12 : memref<8192xf32, #tpu.memory_space<vmem>>) dst(%dma_wait3A_473 : memref<8192xf32, #tpu.memory_space<hbm>>)
        } else {
        }
        %scan3A_457 = arith.constant 0 : i32
        %scan3A_458 = arith.constant 0 : i32
        %scan3A_459 = arith.constant 8 : i32
        %scan3A_460 = arith.addi %scan3A_458, %scan3A_459 : i32
        %scan3A_461 = arith.constant 1 : i32
        scf.for %scan3A_470 = %scan3A_458 to %scan3A_460 step %scan3A_461  : i32 {
          %mul3A_471 = arith.constant 128 : i32
          %mul3A_472 = arith.muli %scan3A_470, %mul3A_471 : i32
          %mul3A_473 = arith.constant 1024 : i32
          %mul3A_474 = arith.muli %scan3A_470, %mul3A_473 : i32
          %add3A_475 = arith.constant 0 : i32
          %add3A_476 = arith.addi %mul3A_472, %add3A_475 : i32
          %get3A = arith.index_cast %select_n3A_445 : i32 to index
          %get3A_477 = arith.index_cast %add3A_476 : i32 to index
          %get3A_478 = tpu.vector_load %arg10[%get3A, %get3A_477] {strides = array<i32>} : memref<50x1024xi32, #tpu.memory_space<vmem>>, vector<16xi32>,
          %broadcast_in_dim3A_479 = arith.constant 0 : i32
          %broadcast_in_dim3A_480 = vector.broadcast %broadcast_in_dim3A_479 : i32 to vector<16xi32>
          %gather3A = tpu.vector_load_idx %arg11[%broadcast_in_dim3A_480, %get3A_478] : memref<4x1000xi32, #tpu.memory_space<vmem>>[vector<16xi32>, vector<16xi32>], vector<16xi32>,
          %bitcast3A = vector.bitcast %gather3A : vector<16xi32> to vector<32xbf16>
          %unpack3A = tpu.unpack_subelements %bitcast3A, 0 {pack_format = #tpu.pack_format<interleaved>} : vector<32xbf16> -> vector<16xf32>
          %unpack3A_481 = tpu.unpack_subelements %bitcast3A, 1 {pack_format = #tpu.pack_format<interleaved>} : vector<32xbf16> -> vector<16xf32>
          %add3A_482 = arith.constant 0 : i32
          %add3A_483 = arith.addi %mul3A_474, %add3A_482 : i32
          %add3A_484 = arith.constant 0 : i32
          %add3A_485 = arith.addi %add3A_483, %add3A_484 : i32
          %swap3A_486 = arith.index_cast %add3A_485 : i32 to index
          %swap3A_487 = tpu.vector_load %arg12[%swap3A_486] {strides = array<i32>} : memref<8192xf32, #tpu.memory_space<vmem>>, vector<16xf32>,
          tpu.vector_store %arg12[%swap3A_486], %unpack3A {strides = array<i32>} : memref<8192xf32, #tpu.memory_space<vmem>>, vector<16xf32>,
          %add3A_488 = arith.constant 128 : i32
          %add3A_489 = arith.addi %mul3A_474, %add3A_488 : i32
          %add3A_490 = arith.constant 0 : i32
          %add3A_491 = arith.addi %add3A_489, %add3A_490 : i32
          %swap3A_492 = arith.index_cast %add3A_491 : i32 to index
          %swap3A_493 = tpu.vector_load %arg12[%swap3A_492] {strides = array<i32>} : memref<8192xf32, #tpu.memory_space<vmem>>, vector<16xf32>,
          tpu.vector_store %arg12[%swap3A_492], %unpack3A_481 {strides = array<i32>} : memref<8192xf32, #tpu.memory_space<vmem>>, vector<16xf32>,
          %broadcast_in_dim3A_494 = arith.constant 1 : i32
          %broadcast_in_dim3A_495 = vector.broadcast %broadcast_in_dim3A_494 : i32 to vector<16xi32>
          %gather3A_496 = tpu.vector_load_idx %arg11[%broadcast_in_dim3A_495, %get3A_478] : memref<4x1000xi32, #tpu.memory_space<vmem>>[vector<16xi32>, vector<16xi32>], vector<16xi32>,
          %bitcast3A_497 = vector.bitcast %gather3A_496 : vector<16xi32> to vector<32xbf16>
          %unpack3A_498 = tpu.unpack_subelements %bitcast3A_497, 0 {pack_format = #tpu.pack_format<interleaved>} : vector<32xbf16> -> vector<16xf32>
          %unpack3A_499 = tpu.unpack_subelements %bitcast3A_497, 1 {pack_format = #tpu.pack_format<interleaved>} : vector<32xbf16> -> vector<16xf32>
          %add3A_500 = arith.constant 256 : i32
          %add3A_501 = arith.addi %mul3A_474, %add3A_500 : i32
          %add3A_502 = arith.constant 0 : i32
          %add3A_503 = arith.addi %add3A_501, %add3A_502 : i32
          %swap3A_504 = arith.index_cast %add3A_503 : i32 to index
          %swap3A_505 = tpu.vector_load %arg12[%swap3A_504] {strides = array<i32>} : memref<8192xf32, #tpu.memory_space<vmem>>, vector<16xf32>,
          tpu.vector_store %arg12[%swap3A_504], %unpack3A_498 {strides = array<i32>} : memref<8192xf32, #tpu.memory_space<vmem>>, vector<16xf32>,
          %add3A_506 = arith.constant 384 : i32
          %add3A_507 = arith.addi %mul3A_474, %add3A_506 : i32
          %add3A_508 = arith.constant 0 : i32
          %add3A_509 = arith.addi %add3A_507, %add3A_508 : i32
          %swap3A_510 = arith.index_cast %add3A_509 : i32 to index
          %swap3A_511 = tpu.vector_load %arg12[%swap3A_510] {strides = array<i32>} : memref<8192xf32, #tpu.memory_space<vmem>>, vector<16xf32>,
          tpu.vector_store %arg12[%swap3A_510], %unpack3A_499 {strides = array<i32>} : memref<8192xf32, #tpu.memory_space<vmem>>, vector<16xf32>,
          %broadcast_in_dim3A_512 = arith.constant 2 : i32
          %broadcast_in_dim3A_513 = vector.broadcast %broadcast_in_dim3A_512 : i32 to vector<16xi32>
          %gather3A_514 = tpu.vector_load_idx %arg11[%broadcast_in_dim3A_513, %get3A_478] : memref<4x1000xi32, #tpu.memory_space<vmem>>[vector<16xi32>, vector<16xi32>], vector<16xi32>,
          %bitcast3A_515 = vector.bitcast %gather3A_514 : vector<16xi32> to vector<32xbf16>
          %unpack3A_516 = tpu.unpack_subelements %bitcast3A_515, 0 {pack_format = #tpu.pack_format<interleaved>} : vector<32xbf16> -> vector<16xf32>
          %unpack3A_517 = tpu.unpack_subelements %bitcast3A_515, 1 {pack_format = #tpu.pack_format<interleaved>} : vector<32xbf16> -> vector<16xf32>
          %add3A_518 = arith.constant 512 : i32
          %add3A_519 = arith.addi %mul3A_474, %add3A_518 : i32
          %add3A_520 = arith.constant 0 : i32
          %add3A_521 = arith.addi %add3A_519, %add3A_520 : i32
          %swap3A_522 = arith.index_cast %add3A_521 : i32 to index
          %swap3A_523 = tpu.vector_load %arg12[%swap3A_522] {strides = array<i32>} : memref<8192xf32, #tpu.memory_space<vmem>>, vector<16xf32>,
          tpu.vector_store %arg12[%swap3A_522], %unpack3A_516 {strides = array<i32>} : memref<8192xf32, #tpu.memory_space<vmem>>, vector<16xf32>,
          %add3A_524 = arith.constant 640 : i32
          %add3A_525 = arith.addi %mul3A_474, %add3A_524 : i32
          %add3A_526 = arith.constant 0 : i32
          %add3A_527 = arith.addi %add3A_525, %add3A_526 : i32
          %swap3A_528 = arith.index_cast %add3A_527 : i32 to index
          %swap3A_529 = tpu.vector_load %arg12[%swap3A_528] {strides = array<i32>} : memref<8192xf32, #tpu.memory_space<vmem>>, vector<16xf32>,
          tpu.vector_store %arg12[%swap3A_528], %unpack3A_517 {strides = array<i32>} : memref<8192xf32, #tpu.memory_space<vmem>>, vector<16xf32>,
          %broadcast_in_dim3A_530 = arith.constant 3 : i32
          %broadcast_in_dim3A_531 = vector.broadcast %broadcast_in_dim3A_530 : i32 to vector<16xi32>
          %gather3A_532 = tpu.vector_load_idx %arg11[%broadcast_in_dim3A_531, %get3A_478] : memref<4x1000xi32, #tpu.memory_space<vmem>>[vector<16xi32>, vector<16xi32>], vector<16xi32>,
          %bitcast3A_533 = vector.bitcast %gather3A_532 : vector<16xi32> to vector<32xbf16>
          %unpack3A_534 = tpu.unpack_subelements %bitcast3A_533, 0 {pack_format = #tpu.pack_format<interleaved>} : vector<32xbf16> -> vector<16xf32>
          %unpack3A_535 = tpu.unpack_subelements %bitcast3A_533, 1 {pack_format = #tpu.pack_format<interleaved>} : vector<32xbf16> -> vector<16xf32>
          %add3A_536 = arith.constant 768 : i32
          %add3A_537 = arith.addi %mul3A_474, %add3A_536 : i32
          %add3A_538 = arith.constant 0 : i32
          %add3A_539 = arith.addi %add3A_537, %add3A_538 : i32
          %swap3A_540 = arith.index_cast %add3A_539 : i32 to index
          %swap3A_541 = tpu.vector_load %arg12[%swap3A_540] {strides = array<i32>} : memref<8192xf32, #tpu.memory_space<vmem>>, vector<16xf32>,
          tpu.vector_store %arg12[%swap3A_540], %unpack3A_534 {strides = array<i32>} : memref<8192xf32, #tpu.memory_space<vmem>>, vector<16xf32>,
          %add3A_542 = arith.constant 896 : i32
          %add3A_543 = arith.addi %mul3A_474, %add3A_542 : i32
          %add3A_544 = arith.constant 0 : i32
          %add3A_545 = arith.addi %add3A_543, %add3A_544 : i32
          %swap3A_546 = arith.index_cast %add3A_545 : i32 to index
          %swap3A_547 = tpu.vector_load %arg12[%swap3A_546] {strides = array<i32>} : memref<8192xf32, #tpu.memory_space<vmem>>, vector<16xf32>,
          tpu.vector_store %arg12[%swap3A_546], %unpack3A_535 {strides = array<i32>} : memref<8192xf32, #tpu.memory_space<vmem>>, vector<16xf32>,
          %add3A_548 = arith.constant 16 : i32
          %add3A_549 = arith.addi %mul3A_472, %add3A_548 : i32
          %get3A_550 = arith.index_cast %select_n3A_445 : i32 to index
          %get3A_551 = arith.index_cast %add3A_549 : i32 to index
          %get3A_552 = tpu.vector_load %arg10[%get3A_550, %get3A_551] {strides = array<i32>} : memref<50x1024xi32, #tpu.memory_space<vmem>>, vector<16xi32>,
          %broadcast_in_dim3A_553 = arith.constant 0 : i32
          %broadcast_in_dim3A_554 = vector.broadcast %broadcast_in_dim3A_553 : i32 to vector<16xi32>
          %gather3A_555 = tpu.vector_load_idx %arg11[%broadcast_in_dim3A_554, %get3A_552] : memref<4x1000xi32, #tpu.memory_space<vmem>>[vector<16xi32>, vector<16xi32>], vector<16xi32>,
          %bitcast3A_556 = vector.bitcast %gather3A_555 : vector<16xi32> to vector<32xbf16>
          %unpack3A_557 = tpu.unpack_subelements %bitcast3A_556, 0 {pack_format = #tpu.pack_format<interleaved>} : vector<32xbf16> -> vector<16xf32>
          %unpack3A_558 = tpu.unpack_subelements %bitcast3A_556, 1 {pack_format = #tpu.pack_format<interleaved>} : vector<32xbf16> -> vector<16xf32>
          %add3A_559 = arith.constant 0 : i32
          %add3A_560 = arith.addi %mul3A_474, %add3A_559 : i32
          %add3A_561 = arith.constant 16 : i32
          %add3A_562 = arith.addi %add3A_560, %add3A_561 : i32
          %swap3A_563 = arith.index_cast %add3A_562 : i32 to index
          %swap3A_564 = tpu.vector_load %arg12[%swap3A_563] {strides = array<i32>} : memref<8192xf32, #tpu.memory_space<vmem>>, vector<16xf32>,
          tpu.vector_store %arg12[%swap3A_563], %unpack3A_557 {strides = array<i32>} : memref<8192xf32, #tpu.memory_space<vmem>>, vector<16xf32>,
          %add3A_565 = arith.constant 128 : i32
          %add3A_566 = arith.addi %mul3A_474, %add3A_565 : i32
          %add3A_567 = arith.constant 16 : i32
          %add3A_568 = arith.addi %add3A_566, %add3A_567 : i32
          %swap3A_569 = arith.index_cast %add3A_568 : i32 to index
          %swap3A_570 = tpu.vector_load %arg12[%swap3A_569] {strides = array<i32>} : memref<8192xf32, #tpu.memory_space<vmem>>, vector<16xf32>,
          tpu.vector_store %arg12[%swap3A_569], %unpack3A_558 {strides = array<i32>} : memref<8192xf32, #tpu.memory_space<vmem>>, vector<16xf32>,
          %broadcast_in_dim3A_571 = arith.constant 1 : i32
          %broadcast_in_dim3A_572 = vector.broadcast %broadcast_in_dim3A_571 : i32 to vector<16xi32>
          %gather3A_573 = tpu.vector_load_idx %arg11[%broadcast_in_dim3A_572, %get3A_552] : memref<4x1000xi32, #tpu.memory_space<vmem>>[vector<16xi32>, vector<16xi32>], vector<16xi32>,
          %bitcast3A_574 = vector.bitcast %gather3A_573 : vector<16xi32> to vector<32xbf16>
          %unpack3A_575 = tpu.unpack_subelements %bitcast3A_574, 0 {pack_format = #tpu.pack_format<interleaved>} : vector<32xbf16> -> vector<16xf32>
          %unpack3A_576 = tpu.unpack_subelements %bitcast3A_574, 1 {pack_format = #tpu.pack_format<interleaved>} : vector<32xbf16> -> vector<16xf32>
          %add3A_577 = arith.constant 256 : i32
          %add3A_578 = arith.addi %mul3A_474, %add3A_577 : i32
          %add3A_579 = arith.constant 16 : i32
          %add3A_580 = arith.addi %add3A_578, %add3A_579 : i32
          %swap3A_581 = arith.index_cast %add3A_580 : i32 to index
          %swap3A_582 = tpu.vector_load %arg12[%swap3A_581] {strides = array<i32>} : memref<8192xf32, #tpu.memory_space<vmem>>, vector<16xf32>,
          tpu.vector_store %arg12[%swap3A_581], %unpack3A_575 {strides = array<i32>} : memref<8192xf32, #tpu.memory_space<vmem>>, vector<16xf32>,
          %add3A_583 = arith.constant 384 : i32
          %add3A_584 = arith.addi %mul3A_474, %add3A_583 : i32
          %add3A_585 = arith.constant 16 : i32
          %add3A_586 = arith.addi %add3A_584, %add3A_585 : i32
          %swap3A_587 = arith.index_cast %add3A_586 : i32 to index
          %swap3A_588 = tpu.vector_load %arg12[%swap3A_587] {strides = array<i32>} : memref<8192xf32, #tpu.memory_space<vmem>>, vector<16xf32>,
          tpu.vector_store %arg12[%swap3A_587], %unpack3A_576 {strides = array<i32>} : memref<8192xf32, #tpu.memory_space<vmem>>, vector<16xf32>,
          %broadcast_in_dim3A_589 = arith.constant 2 : i32
          %broadcast_in_dim3A_590 = vector.broadcast %broadcast_in_dim3A_589 : i32 to vector<16xi32>
          %gather3A_591 = tpu.vector_load_idx %arg11[%broadcast_in_dim3A_590, %get3A_552] : memref<4x1000xi32, #tpu.memory_space<vmem>>[vector<16xi32>, vector<16xi32>], vector<16xi32>,
          %bitcast3A_592 = vector.bitcast %gather3A_591 : vector<16xi32> to vector<32xbf16>
          %unpack3A_593 = tpu.unpack_subelements %bitcast3A_592, 0 {pack_format = #tpu.pack_format<interleaved>} : vector<32xbf16> -> vector<16xf32>
          %unpack3A_594 = tpu.unpack_subelements %bitcast3A_592, 1 {pack_format = #tpu.pack_format<interleaved>} : vector<32xbf16> -> vector<16xf32>
          %add3A_595 = arith.constant 512 : i32
          %add3A_596 = arith.addi %mul3A_474, %add3A_595 : i32
          %add3A_597 = arith.constant 16 : i32
          %add3A_598 = arith.addi %add3A_596, %add3A_597 : i32
          %swap3A_599 = arith.index_cast %add3A_598 : i32 to index
          %swap3A_600 = tpu.vector_load %arg12[%swap3A_599] {strides = array<i32>} : memref<8192xf32, #tpu.memory_space<vmem>>, vector<16xf32>,
          tpu.vector_store %arg12[%swap3A_599], %unpack3A_593 {strides = array<i32>} : memref<8192xf32, #tpu.memory_space<vmem>>, vector<16xf32>,
          %add3A_601 = arith.constant 640 : i32
          %add3A_602 = arith.addi %mul3A_474, %add3A_601 : i32
          %add3A_603 = arith.constant 16 : i32
          %add3A_604 = arith.addi %add3A_602, %add3A_603 : i32
          %swap3A_605 = arith.index_cast %add3A_604 : i32 to index
          %swap3A_606 = tpu.vector_load %arg12[%swap3A_605] {strides = array<i32>} : memref<8192xf32, #tpu.memory_space<vmem>>, vector<16xf32>,
          tpu.vector_store %arg12[%swap3A_605], %unpack3A_594 {strides = array<i32>} : memref<8192xf32, #tpu.memory_space<vmem>>, vector<16xf32>,
          %broadcast_in_dim3A_607 = arith.constant 3 : i32
          %broadcast_in_dim3A_608 = vector.broadcast %broadcast_in_dim3A_607 : i32 to vector<16xi32>
          %gather3A_609 = tpu.vector_load_idx %arg11[%broadcast_in_dim3A_608, %get3A_552] : memref<4x1000xi32, #tpu.memory_space<vmem>>[vector<16xi32>, vector<16xi32>], vector<16xi32>,
          %bitcast3A_610 = vector.bitcast %gather3A_609 : vector<16xi32> to vector<32xbf16>
          %unpack3A_611 = tpu.unpack_subelements %bitcast3A_610, 0 {pack_format = #tpu.pack_format<interleaved>} : vector<32xbf16> -> vector<16xf32>
          %unpack3A_612 = tpu.unpack_subelements %bitcast3A_610, 1 {pack_format = #tpu.pack_format<interleaved>} : vector<32xbf16> -> vector<16xf32>
          %add3A_613 = arith.constant 768 : i32
          %add3A_614 = arith.addi %mul3A_474, %add3A_613 : i32
          %add3A_615 = arith.constant 16 : i32
          %add3A_616 = arith.addi %add3A_614, %add3A_615 : i32
          %swap3A_617 = arith.index_cast %add3A_616 : i32 to index
          %swap3A_618 = tpu.vector_load %arg12[%swap3A_617] {strides = array<i32>} : memref<8192xf32, #tpu.memory_space<vmem>>, vector<16xf32>,
          tpu.vector_store %arg12[%swap3A_617], %unpack3A_611 {strides = array<i32>} : memref<8192xf32, #tpu.memory_space<vmem>>, vector<16xf32>,
          %add3A_619 = arith.constant 896 : i32
          %add3A_620 = arith.addi %mul3A_474, %add3A_619 : i32
          %add3A_621 = arith.constant 16 : i32
          %add3A_622 = arith.addi %add3A_620, %add3A_621 : i32
          %swap3A_623 = arith.index_cast %add3A_622 : i32 to index
          %swap3A_624 = tpu.vector_load %arg12[%swap3A_623] {strides = array<i32>} : memref<8192xf32, #tpu.memory_space<vmem>>, vector<16xf32>,
          tpu.vector_store %arg12[%swap3A_623], %unpack3A_612 {strides = array<i32>} : memref<8192xf32, #tpu.memory_space<vmem>>, vector<16xf32>,
          %add3A_625 = arith.constant 32 : i32
          %add3A_626 = arith.addi %mul3A_472, %add3A_625 : i32
          %get3A_627 = arith.index_cast %select_n3A_445 : i32 to index
          %get3A_628 = arith.index_cast %add3A_626 : i32 to index
          %get3A_629 = tpu.vector_load %arg10[%get3A_627, %get3A_628] {strides = array<i32>} : memref<50x1024xi32, #tpu.memory_space<vmem>>, vector<16xi32>,
          %broadcast_in_dim3A_630 = arith.constant 0 : i32
          %broadcast_in_dim3A_631 = vector.broadcast %broadcast_in_dim3A_630 : i32 to vector<16xi32>
          %gather3A_632 = tpu.vector_load_idx %arg11[%broadcast_in_dim3A_631, %get3A_629] : memref<4x1000xi32, #tpu.memory_space<vmem>>[vector<16xi32>, vector<16xi32>], vector<16xi32>,
          %bitcast3A_633 = vector.bitcast %gather3A_632 : vector<16xi32> to vector<32xbf16>
          %unpack3A_634 = tpu.unpack_subelements %bitcast3A_633, 0 {pack_format = #tpu.pack_format<interleaved>} : vector<32xbf16> -> vector<16xf32>
          %unpack3A_635 = tpu.unpack_subelements %bitcast3A_633, 1 {pack_format = #tpu.pack_format<interleaved>} : vector<32xbf16> -> vector<16xf32>
          %add3A_636 = arith.constant 0 : i32
          %add3A_637 = arith.addi %mul3A_474, %add3A_636 : i32
          %add3A_638 = arith.constant 32 : i32
          %add3A_639 = arith.addi %add3A_637, %add3A_638 : i32
          %swap3A_640 = arith.index_cast %add3A_639 : i32 to index
          %swap3A_641 = tpu.vector_load %arg12[%swap3A_640] {strides = array<i32>} : memref<8192xf32, #tpu.memory_space<vmem>>, vector<16xf32>,
          tpu.vector_store %arg12[%swap3A_640], %unpack3A_634 {strides = array<i32>} : memref<8192xf32, #tpu.memory_space<vmem>>, vector<16xf32>,
          %add3A_642 = arith.constant 128 : i32
          %add3A_643 = arith.addi %mul3A_474, %add3A_642 : i32
          %add3A_644 = arith.constant 32 : i32
          %add3A_645 = arith.addi %add3A_643, %add3A_644 : i32
          %swap3A_646 = arith.index_cast %add3A_645 : i32 to index
          %swap3A_647 = tpu.vector_load %arg12[%swap3A_646] {strides = array<i32>} : memref<8192xf32, #tpu.memory_space<vmem>>, vector<16xf32>,
          tpu.vector_store %arg12[%swap3A_646], %unpack3A_635 {strides = array<i32>} : memref<8192xf32, #tpu.memory_space<vmem>>, vector<16xf32>,
          %broadcast_in_dim3A_648 = arith.constant 1 : i32
          %broadcast_in_dim3A_649 = vector.broadcast %broadcast_in_dim3A_648 : i32 to vector<16xi32>
          %gather3A_650 = tpu.vector_load_idx %arg11[%broadcast_in_dim3A_649, %get3A_629] : memref<4x1000xi32, #tpu.memory_space<vmem>>[vector<16xi32>, vector<16xi32>], vector<16xi32>,
          %bitcast3A_651 = vector.bitcast %gather3A_650 : vector<16xi32> to vector<32xbf16>
          %unpack3A_652 = tpu.unpack_subelements %bitcast3A_651, 0 {pack_format = #tpu.pack_format<interleaved>} : vector<32xbf16> -> vector<16xf32>
          %unpack3A_653 = tpu.unpack_subelements %bitcast3A_651, 1 {pack_format = #tpu.pack_format<interleaved>} : vector<32xbf16> -> vector<16xf32>
          %add3A_654 = arith.constant 256 : i32
          %add3A_655 = arith.addi %mul3A_474, %add3A_654 : i32
          %add3A_656 = arith.constant 32 : i32
          %add3A_657 = arith.addi %add3A_655, %add3A_656 : i32
          %swap3A_658 = arith.index_cast %add3A_657 : i32 to index
          %swap3A_659 = tpu.vector_load %arg12[%swap3A_658] {strides = array<i32>} : memref<8192xf32, #tpu.memory_space<vmem>>, vector<16xf32>,
          tpu.vector_store %arg12[%swap3A_658], %unpack3A_652 {strides = array<i32>} : memref<8192xf32, #tpu.memory_space<vmem>>, vector<16xf32>,
          %add3A_660 = arith.constant 384 : i32
          %add3A_661 = arith.addi %mul3A_474, %add3A_660 : i32
          %add3A_662 = arith.constant 32 : i32
          %add3A_663 = arith.addi %add3A_661, %add3A_662 : i32
          %swap3A_664 = arith.index_cast %add3A_663 : i32 to index
          %swap3A_665 = tpu.vector_load %arg12[%swap3A_664] {strides = array<i32>} : memref<8192xf32, #tpu.memory_space<vmem>>, vector<16xf32>,
          tpu.vector_store %arg12[%swap3A_664], %unpack3A_653 {strides = array<i32>} : memref<8192xf32, #tpu.memory_space<vmem>>, vector<16xf32>,
          %broadcast_in_dim3A_666 = arith.constant 2 : i32
          %broadcast_in_dim3A_667 = vector.broadcast %broadcast_in_dim3A_666 : i32 to vector<16xi32>
          %gather3A_668 = tpu.vector_load_idx %arg11[%broadcast_in_dim3A_667, %get3A_629] : memref<4x1000xi32, #tpu.memory_space<vmem>>[vector<16xi32>, vector<16xi32>], vector<16xi32>,
          %bitcast3A_669 = vector.bitcast %gather3A_668 : vector<16xi32> to vector<32xbf16>
          %unpack3A_670 = tpu.unpack_subelements %bitcast3A_669, 0 {pack_format = #tpu.pack_format<interleaved>} : vector<32xbf16> -> vector<16xf32>
          %unpack3A_671 = tpu.unpack_subelements %bitcast3A_669, 1 {pack_format = #tpu.pack_format<interleaved>} : vector<32xbf16> -> vector<16xf32>
          %add3A_672 = arith.constant 512 : i32
          %add3A_673 = arith.addi %mul3A_474, %add3A_672 : i32
          %add3A_674 = arith.constant 32 : i32
          %add3A_675 = arith.addi %add3A_673, %add3A_674 : i32
          %swap3A_676 = arith.index_cast %add3A_675 : i32 to index
          %swap3A_677 = tpu.vector_load %arg12[%swap3A_676] {strides = array<i32>} : memref<8192xf32, #tpu.memory_space<vmem>>, vector<16xf32>,
          tpu.vector_store %arg12[%swap3A_676], %unpack3A_670 {strides = array<i32>} : memref<8192xf32, #tpu.memory_space<vmem>>, vector<16xf32>,
          %add3A_678 = arith.constant 640 : i32
          %add3A_679 = arith.addi %mul3A_474, %add3A_678 : i32
          %add3A_680 = arith.constant 32 : i32
          %add3A_681 = arith.addi %add3A_679, %add3A_680 : i32
          %swap3A_682 = arith.index_cast %add3A_681 : i32 to index
          %swap3A_683 = tpu.vector_load %arg12[%swap3A_682] {strides = array<i32>} : memref<8192xf32, #tpu.memory_space<vmem>>, vector<16xf32>,
          tpu.vector_store %arg12[%swap3A_682], %unpack3A_671 {strides = array<i32>} : memref<8192xf32, #tpu.memory_space<vmem>>, vector<16xf32>,
          %broadcast_in_dim3A_684 = arith.constant 3 : i32
          %broadcast_in_dim3A_685 = vector.broadcast %broadcast_in_dim3A_684 : i32 to vector<16xi32>
          %gather3A_686 = tpu.vector_load_idx %arg11[%broadcast_in_dim3A_685, %get3A_629] : memref<4x1000xi32, #tpu.memory_space<vmem>>[vector<16xi32>, vector<16xi32>], vector<16xi32>,
          %bitcast3A_687 = vector.bitcast %gather3A_686 : vector<16xi32> to vector<32xbf16>
          %unpack3A_688 = tpu.unpack_subelements %bitcast3A_687, 0 {pack_format = #tpu.pack_format<interleaved>} : vector<32xbf16> -> vector<16xf32>
          %unpack3A_689 = tpu.unpack_subelements %bitcast3A_687, 1 {pack_format = #tpu.pack_format<interleaved>} : vector<32xbf16> -> vector<16xf32>
          %add3A_690 = arith.constant 768 : i32
          %add3A_691 = arith.addi %mul3A_474, %add3A_690 : i32
          %add3A_692 = arith.constant 32 : i32
          %add3A_693 = arith.addi %add3A_691, %add3A_692 : i32
          %swap3A_694 = arith.index_cast %add3A_693 : i32 to index
          %swap3A_695 = tpu.vector_load %arg12[%swap3A_694] {strides = array<i32>} : memref<8192xf32, #tpu.memory_space<vmem>>, vector<16xf32>,
          tpu.vector_store %arg12[%swap3A_694], %unpack3A_688 {strides = array<i32>} : memref<8192xf32, #tpu.memory_space<vmem>>, vector<16xf32>,
          %add3A_696 = arith.constant 896 : i32
          %add3A_697 = arith.addi %mul3A_474, %add3A_696 : i32
          %add3A_698 = arith.constant 32 : i32
          %add3A_699 = arith.addi %add3A_697, %add3A_698 : i32
          %swap3A_700 = arith.index_cast %add3A_699 : i32 to index
          %swap3A_701 = tpu.vector_load %arg12[%swap3A_700] {strides = array<i32>} : memref<8192xf32, #tpu.memory_space<vmem>>, vector<16xf32>,
          tpu.vector_store %arg12[%swap3A_700], %unpack3A_689 {strides = array<i32>} : memref<8192xf32, #tpu.memory_space<vmem>>, vector<16xf32>,
          %add3A_702 = arith.constant 48 : i32
          %add3A_703 = arith.addi %mul3A_472, %add3A_702 : i32
          %get3A_704 = arith.index_cast %select_n3A_445 : i32 to index
          %get3A_705 = arith.index_cast %add3A_703 : i32 to index
          %get3A_706 = tpu.vector_load %arg10[%get3A_704, %get3A_705] {strides = array<i32>} : memref<50x1024xi32, #tpu.memory_space<vmem>>, vector<16xi32>,
          %broadcast_in_dim3A_707 = arith.constant 0 : i32
          %broadcast_in_dim3A_708 = vector.broadcast %broadcast_in_dim3A_707 : i32 to vector<16xi32>
          %gather3A_709 = tpu.vector_load_idx %arg11[%broadcast_in_dim3A_708, %get3A_706] : memref<4x1000xi32, #tpu.memory_space<vmem>>[vector<16xi32>, vector<16xi32>], vector<16xi32>,
          %bitcast3A_710 = vector.bitcast %gather3A_709 : vector<16xi32> to vector<32xbf16>
          %unpack3A_711 = tpu.unpack_subelements %bitcast3A_710, 0 {pack_format = #tpu.pack_format<interleaved>} : vector<32xbf16> -> vector<16xf32>
          %unpack3A_712 = tpu.unpack_subelements %bitcast3A_710, 1 {pack_format = #tpu.pack_format<interleaved>} : vector<32xbf16> -> vector<16xf32>
          %add3A_713 = arith.constant 0 : i32
          %add3A_714 = arith.addi %mul3A_474, %add3A_713 : i32
          %add3A_715 = arith.constant 48 : i32
          %add3A_716 = arith.addi %add3A_714, %add3A_715 : i32
          %swap3A_717 = arith.index_cast %add3A_716 : i32 to index
          %swap3A_718 = tpu.vector_load %arg12[%swap3A_717] {strides = array<i32>} : memref<8192xf32, #tpu.memory_space<vmem>>, vector<16xf32>,
          tpu.vector_store %arg12[%swap3A_717], %unpack3A_711 {strides = array<i32>} : memref<8192xf32, #tpu.memory_space<vmem>>, vector<16xf32>,
          %add3A_719 = arith.constant 128 : i32
          %add3A_720 = arith.addi %mul3A_474, %add3A_719 : i32
          %add3A_721 = arith.constant 48 : i32
          %add3A_722 = arith.addi %add3A_720, %add3A_721 : i32
          %swap3A_723 = arith.index_cast %add3A_722 : i32 to index
          %swap3A_724 = tpu.vector_load %arg12[%swap3A_723] {strides = array<i32>} : memref<8192xf32, #tpu.memory_space<vmem>>, vector<16xf32>,
          tpu.vector_store %arg12[%swap3A_723], %unpack3A_712 {strides = array<i32>} : memref<8192xf32, #tpu.memory_space<vmem>>, vector<16xf32>,
          %broadcast_in_dim3A_725 = arith.constant 1 : i32
          %broadcast_in_dim3A_726 = vector.broadcast %broadcast_in_dim3A_725 : i32 to vector<16xi32>
          %gather3A_727 = tpu.vector_load_idx %arg11[%broadcast_in_dim3A_726, %get3A_706] : memref<4x1000xi32, #tpu.memory_space<vmem>>[vector<16xi32>, vector<16xi32>], vector<16xi32>,
          %bitcast3A_728 = vector.bitcast %gather3A_727 : vector<16xi32> to vector<32xbf16>
          %unpack3A_729 = tpu.unpack_subelements %bitcast3A_728, 0 {pack_format = #tpu.pack_format<interleaved>} : vector<32xbf16> -> vector<16xf32>
          %unpack3A_730 = tpu.unpack_subelements %bitcast3A_728, 1 {pack_format = #tpu.pack_format<interleaved>} : vector<32xbf16> -> vector<16xf32>
          %add3A_731 = arith.constant 256 : i32
          %add3A_732 = arith.addi %mul3A_474, %add3A_731 : i32
          %add3A_733 = arith.constant 48 : i32
          %add3A_734 = arith.addi %add3A_732, %add3A_733 : i32
          %swap3A_735 = arith.index_cast %add3A_734 : i32 to index
          %swap3A_736 = tpu.vector_load %arg12[%swap3A_735] {strides = array<i32>} : memref<8192xf32, #tpu.memory_space<vmem>>, vector<16xf32>,
          tpu.vector_store %arg12[%swap3A_735], %unpack3A_729 {strides = array<i32>} : memref<8192xf32, #tpu.memory_space<vmem>>, vector<16xf32>,
          %add3A_737 = arith.constant 384 : i32
          %add3A_738 = arith.addi %mul3A_474, %add3A_737 : i32
          %add3A_739 = arith.constant 48 : i32
          %add3A_740 = arith.addi %add3A_738, %add3A_739 : i32
          %swap3A_741 = arith.index_cast %add3A_740 : i32 to index
          %swap3A_742 = tpu.vector_load %arg12[%swap3A_741] {strides = array<i32>} : memref<8192xf32, #tpu.memory_space<vmem>>, vector<16xf32>,
          tpu.vector_store %arg12[%swap3A_741], %unpack3A_730 {strides = array<i32>} : memref<8192xf32, #tpu.memory_space<vmem>>, vector<16xf32>,
          %broadcast_in_dim3A_743 = arith.constant 2 : i32
          %broadcast_in_dim3A_744 = vector.broadcast %broadcast_in_dim3A_743 : i32 to vector<16xi32>
          %gather3A_745 = tpu.vector_load_idx %arg11[%broadcast_in_dim3A_744, %get3A_706] : memref<4x1000xi32, #tpu.memory_space<vmem>>[vector<16xi32>, vector<16xi32>], vector<16xi32>,
          %bitcast3A_746 = vector.bitcast %gather3A_745 : vector<16xi32> to vector<32xbf16>
          %unpack3A_747 = tpu.unpack_subelements %bitcast3A_746, 0 {pack_format = #tpu.pack_format<interleaved>} : vector<32xbf16> -> vector<16xf32>
          %unpack3A_748 = tpu.unpack_subelements %bitcast3A_746, 1 {pack_format = #tpu.pack_format<interleaved>} : vector<32xbf16> -> vector<16xf32>
          %add3A_749 = arith.constant 512 : i32
          %add3A_750 = arith.addi %mul3A_474, %add3A_749 : i32
          %add3A_751 = arith.constant 48 : i32
          %add3A_752 = arith.addi %add3A_750, %add3A_751 : i32
          %swap3A_753 = arith.index_cast %add3A_752 : i32 to index
          %swap3A_754 = tpu.vector_load %arg12[%swap3A_753] {strides = array<i32>} : memref<8192xf32, #tpu.memory_space<vmem>>, vector<16xf32>,
          tpu.vector_store %arg12[%swap3A_753], %unpack3A_747 {strides = array<i32>} : memref<8192xf32, #tpu.memory_space<vmem>>, vector<16xf32>,
          %add3A_755 = arith.constant 640 : i32
          %add3A_756 = arith.addi %mul3A_474, %add3A_755 : i32
          %add3A_757 = arith.constant 48 : i32
          %add3A_758 = arith.addi %add3A_756, %add3A_757 : i32
          %swap3A_759 = arith.index_cast %add3A_758 : i32 to index
          %swap3A_760 = tpu.vector_load %arg12[%swap3A_759] {strides = array<i32>} : memref<8192xf32, #tpu.memory_space<vmem>>, vector<16xf32>,
          tpu.vector_store %arg12[%swap3A_759], %unpack3A_748 {strides = array<i32>} : memref<8192xf32, #tpu.memory_space<vmem>>, vector<16xf32>,
          %broadcast_in_dim3A_761 = arith.constant 3 : i32
          %broadcast_in_dim3A_762 = vector.broadcast %broadcast_in_dim3A_761 : i32 to vector<16xi32>
          %gather3A_763 = tpu.vector_load_idx %arg11[%broadcast_in_dim3A_762, %get3A_706] : memref<4x1000xi32, #tpu.memory_space<vmem>>[vector<16xi32>, vector<16xi32>], vector<16xi32>,
          %bitcast3A_764 = vector.bitcast %gather3A_763 : vector<16xi32> to vector<32xbf16>
          %unpack3A_765 = tpu.unpack_subelements %bitcast3A_764, 0 {pack_format = #tpu.pack_format<interleaved>} : vector<32xbf16> -> vector<16xf32>
          %unpack3A_766 = tpu.unpack_subelements %bitcast3A_764, 1 {pack_format = #tpu.pack_format<interleaved>} : vector<32xbf16> -> vector<16xf32>
          %add3A_767 = arith.constant 768 : i32
          %add3A_768 = arith.addi %mul3A_474, %add3A_767 : i32
          %add3A_769 = arith.constant 48 : i32
          %add3A_770 = arith.addi %add3A_768, %add3A_769 : i32
          %swap3A_771 = arith.index_cast %add3A_770 : i32 to index
          %swap3A_772 = tpu.vector_load %arg12[%swap3A_771] {strides = array<i32>} : memref<8192xf32, #tpu.memory_space<vmem>>, vector<16xf32>,
          tpu.vector_store %arg12[%swap3A_771], %unpack3A_765 {strides = array<i32>} : memref<8192xf32, #tpu.memory_space<vmem>>, vector<16xf32>,
          %add3A_773 = arith.constant 896 : i32
          %add3A_774 = arith.addi %mul3A_474, %add3A_773 : i32
          %add3A_775 = arith.constant 48 : i32
          %add3A_776 = arith.addi %add3A_774, %add3A_775 : i32
          %swap3A_777 = arith.index_cast %add3A_776 : i32 to index
          %swap3A_778 = tpu.vector_load %arg12[%swap3A_777] {strides = array<i32>} : memref<8192xf32, #tpu.memory_space<vmem>>, vector<16xf32>,
          tpu.vector_store %arg12[%swap3A_777], %unpack3A_766 {strides = array<i32>} : memref<8192xf32, #tpu.memory_space<vmem>>, vector<16xf32>,
          %add3A_779 = arith.constant 64 : i32
          %add3A_780 = arith.addi %mul3A_472, %add3A_779 : i32
          %get3A_781 = arith.index_cast %select_n3A_445 : i32 to index
          %get3A_782 = arith.index_cast %add3A_780 : i32 to index
          %get3A_783 = tpu.vector_load %arg10[%get3A_781, %get3A_782] {strides = array<i32>} : memref<50x1024xi32, #tpu.memory_space<vmem>>, vector<16xi32>,
          %broadcast_in_dim3A_784 = arith.constant 0 : i32
          %broadcast_in_dim3A_785 = vector.broadcast %broadcast_in_dim3A_784 : i32 to vector<16xi32>
          %gather3A_786 = tpu.vector_load_idx %arg11[%broadcast_in_dim3A_785, %get3A_783] : memref<4x1000xi32, #tpu.memory_space<vmem>>[vector<16xi32>, vector<16xi32>], vector<16xi32>,
          %bitcast3A_787 = vector.bitcast %gather3A_786 : vector<16xi32> to vector<32xbf16>
          %unpack3A_788 = tpu.unpack_subelements %bitcast3A_787, 0 {pack_format = #tpu.pack_format<interleaved>} : vector<32xbf16> -> vector<16xf32>
          %unpack3A_789 = tpu.unpack_subelements %bitcast3A_787, 1 {pack_format = #tpu.pack_format<interleaved>} : vector<32xbf16> -> vector<16xf32>
          %add3A_790 = arith.constant 0 : i32
          %add3A_791 = arith.addi %mul3A_474, %add3A_790 : i32
          %add3A_792 = arith.constant 64 : i32
          %add3A_793 = arith.addi %add3A_791, %add3A_792 : i32
          %swap3A_794 = arith.index_cast %add3A_793 : i32 to index
          %swap3A_795 = tpu.vector_load %arg12[%swap3A_794] {strides = array<i32>} : memref<8192xf32, #tpu.memory_space<vmem>>, vector<16xf32>,
          tpu.vector_store %arg12[%swap3A_794], %unpack3A_788 {strides = array<i32>} : memref<8192xf32, #tpu.memory_space<vmem>>, vector<16xf32>,
          %add3A_796 = arith.constant 128 : i32
          %add3A_797 = arith.addi %mul3A_474, %add3A_796 : i32
          %add3A_798 = arith.constant 64 : i32
          %add3A_799 = arith.addi %add3A_797, %add3A_798 : i32
          %swap3A_800 = arith.index_cast %add3A_799 : i32 to index
          %swap3A_801 = tpu.vector_load %arg12[%swap3A_800] {strides = array<i32>} : memref<8192xf32, #tpu.memory_space<vmem>>, vector<16xf32>,
          tpu.vector_store %arg12[%swap3A_800], %unpack3A_789 {strides = array<i32>} : memref<8192xf32, #tpu.memory_space<vmem>>, vector<16xf32>,
          %broadcast_in_dim3A_802 = arith.constant 1 : i32
          %broadcast_in_dim3A_803 = vector.broadcast %broadcast_in_dim3A_802 : i32 to vector<16xi32>
          %gather3A_804 = tpu.vector_load_idx %arg11[%broadcast_in_dim3A_803, %get3A_783] : memref<4x1000xi32, #tpu.memory_space<vmem>>[vector<16xi32>, vector<16xi32>], vector<16xi32>,
          %bitcast3A_805 = vector.bitcast %gather3A_804 : vector<16xi32> to vector<32xbf16>
          %unpack3A_806 = tpu.unpack_subelements %bitcast3A_805, 0 {pack_format = #tpu.pack_format<interleaved>} : vector<32xbf16> -> vector<16xf32>
          %unpack3A_807 = tpu.unpack_subelements %bitcast3A_805, 1 {pack_format = #tpu.pack_format<interleaved>} : vector<32xbf16> -> vector<16xf32>
          %add3A_808 = arith.constant 256 : i32
          %add3A_809 = arith.addi %mul3A_474, %add3A_808 : i32
          %add3A_810 = arith.constant 64 : i32
          %add3A_811 = arith.addi %add3A_809, %add3A_810 : i32
          %swap3A_812 = arith.index_cast %add3A_811 : i32 to index
          %swap3A_813 = tpu.vector_load %arg12[%swap3A_812] {strides = array<i32>} : memref<8192xf32, #tpu.memory_space<vmem>>, vector<16xf32>,
          tpu.vector_store %arg12[%swap3A_812], %unpack3A_806 {strides = array<i32>} : memref<8192xf32, #tpu.memory_space<vmem>>, vector<16xf32>,
          %add3A_814 = arith.constant 384 : i32
          %add3A_815 = arith.addi %mul3A_474, %add3A_814 : i32
          %add3A_816 = arith.constant 64 : i32
          %add3A_817 = arith.addi %add3A_815, %add3A_816 : i32
          %swap3A_818 = arith.index_cast %add3A_817 : i32 to index
          %swap3A_819 = tpu.vector_load %arg12[%swap3A_818] {strides = array<i32>} : memref<8192xf32, #tpu.memory_space<vmem>>, vector<16xf32>,
          tpu.vector_store %arg12[%swap3A_818], %unpack3A_807 {strides = array<i32>} : memref<8192xf32, #tpu.memory_space<vmem>>, vector<16xf32>,
          %broadcast_in_dim3A_820 = arith.constant 2 : i32
          %broadcast_in_dim3A_821 = vector.broadcast %broadcast_in_dim3A_820 : i32 to vector<16xi32>
          %gather3A_822 = tpu.vector_load_idx %arg11[%broadcast_in_dim3A_821, %get3A_783] : memref<4x1000xi32, #tpu.memory_space<vmem>>[vector<16xi32>, vector<16xi32>], vector<16xi32>,
          %bitcast3A_823 = vector.bitcast %gather3A_822 : vector<16xi32> to vector<32xbf16>
          %unpack3A_824 = tpu.unpack_subelements %bitcast3A_823, 0 {pack_format = #tpu.pack_format<interleaved>} : vector<32xbf16> -> vector<16xf32>
          %unpack3A_825 = tpu.unpack_subelements %bitcast3A_823, 1 {pack_format = #tpu.pack_format<interleaved>} : vector<32xbf16> -> vector<16xf32>
          %add3A_826 = arith.constant 512 : i32
          %add3A_827 = arith.addi %mul3A_474, %add3A_826 : i32
          %add3A_828 = arith.constant 64 : i32
          %add3A_829 = arith.addi %add3A_827, %add3A_828 : i32
          %swap3A_830 = arith.index_cast %add3A_829 : i32 to index
          %swap3A_831 = tpu.vector_load %arg12[%swap3A_830] {strides = array<i32>} : memref<8192xf32, #tpu.memory_space<vmem>>, vector<16xf32>,
          tpu.vector_store %arg12[%swap3A_830], %unpack3A_824 {strides = array<i32>} : memref<8192xf32, #tpu.memory_space<vmem>>, vector<16xf32>,
          %add3A_832 = arith.constant 640 : i32
          %add3A_833 = arith.addi %mul3A_474, %add3A_832 : i32
          %add3A_834 = arith.constant 64 : i32
          %add3A_835 = arith.addi %add3A_833, %add3A_834 : i32
          %swap3A_836 = arith.index_cast %add3A_835 : i32 to index
          %swap3A_837 = tpu.vector_load %arg12[%swap3A_836] {strides = array<i32>} : memref<8192xf32, #tpu.memory_space<vmem>>, vector<16xf32>,
          tpu.vector_store %arg12[%swap3A_836], %unpack3A_825 {strides = array<i32>} : memref<8192xf32, #tpu.memory_space<vmem>>, vector<16xf32>,
          %broadcast_in_dim3A_838 = arith.constant 3 : i32
          %broadcast_in_dim3A_839 = vector.broadcast %broadcast_in_dim3A_838 : i32 to vector<16xi32>
          %gather3A_840 = tpu.vector_load_idx %arg11[%broadcast_in_dim3A_839, %get3A_783] : memref<4x1000xi32, #tpu.memory_space<vmem>>[vector<16xi32>, vector<16xi32>], vector<16xi32>,
          %bitcast3A_841 = vector.bitcast %gather3A_840 : vector<16xi32> to vector<32xbf16>
          %unpack3A_842 = tpu.unpack_subelements %bitcast3A_841, 0 {pack_format = #tpu.pack_format<interleaved>} : vector<32xbf16> -> vector<16xf32>
          %unpack3A_843 = tpu.unpack_subelements %bitcast3A_841, 1 {pack_format = #tpu.pack_format<interleaved>} : vector<32xbf16> -> vector<16xf32>
          %add3A_844 = arith.constant 768 : i32
          %add3A_845 = arith.addi %mul3A_474, %add3A_844 : i32
          %add3A_846 = arith.constant 64 : i32
          %add3A_847 = arith.addi %add3A_845, %add3A_846 : i32
          %swap3A_848 = arith.index_cast %add3A_847 : i32 to index
          %swap3A_849 = tpu.vector_load %arg12[%swap3A_848] {strides = array<i32>} : memref<8192xf32, #tpu.memory_space<vmem>>, vector<16xf32>,
          tpu.vector_store %arg12[%swap3A_848], %unpack3A_842 {strides = array<i32>} : memref<8192xf32, #tpu.memory_space<vmem>>, vector<16xf32>,
          %add3A_850 = arith.constant 896 : i32
          %add3A_851 = arith.addi %mul3A_474, %add3A_850 : i32
          %add3A_852 = arith.constant 64 : i32
          %add3A_853 = arith.addi %add3A_851, %add3A_852 : i32
          %swap3A_854 = arith.index_cast %add3A_853 : i32 to index
          %swap3A_855 = tpu.vector_load %arg12[%swap3A_854] {strides = array<i32>} : memref<8192xf32, #tpu.memory_space<vmem>>, vector<16xf32>,
          tpu.vector_store %arg12[%swap3A_854], %unpack3A_843 {strides = array<i32>} : memref<8192xf32, #tpu.memory_space<vmem>>, vector<16xf32>,
          %add3A_856 = arith.constant 80 : i32
          %add3A_857 = arith.addi %mul3A_472, %add3A_856 : i32
          %get3A_858 = arith.index_cast %select_n3A_445 : i32 to index
          %get3A_859 = arith.index_cast %add3A_857 : i32 to index
          %get3A_860 = tpu.vector_load %arg10[%get3A_858, %get3A_859] {strides = array<i32>} : memref<50x1024xi32, #tpu.memory_space<vmem>>, vector<16xi32>,
          %broadcast_in_dim3A_861 = arith.constant 0 : i32
          %broadcast_in_dim3A_862 = vector.broadcast %broadcast_in_dim3A_861 : i32 to vector<16xi32>
          %gather3A_863 = tpu.vector_load_idx %arg11[%broadcast_in_dim3A_862, %get3A_860] : memref<4x1000xi32, #tpu.memory_space<vmem>>[vector<16xi32>, vector<16xi32>], vector<16xi32>,
          %bitcast3A_864 = vector.bitcast %gather3A_863 : vector<16xi32> to vector<32xbf16>
          %unpack3A_865 = tpu.unpack_subelements %bitcast3A_864, 0 {pack_format = #tpu.pack_format<interleaved>} : vector<32xbf16> -> vector<16xf32>
          %unpack3A_866 = tpu.unpack_subelements %bitcast3A_864, 1 {pack_format = #tpu.pack_format<interleaved>} : vector<32xbf16> -> vector<16xf32>
          %add3A_867 = arith.constant 0 : i32
          %add3A_868 = arith.addi %mul3A_474, %add3A_867 : i32
          %add3A_869 = arith.constant 80 : i32
          %add3A_870 = arith.addi %add3A_868, %add3A_869 : i32
          %swap3A_871 = arith.index_cast %add3A_870 : i32 to index
          %swap3A_872 = tpu.vector_load %arg12[%swap3A_871] {strides = array<i32>} : memref<8192xf32, #tpu.memory_space<vmem>>, vector<16xf32>,
          tpu.vector_store %arg12[%swap3A_871], %unpack3A_865 {strides = array<i32>} : memref<8192xf32, #tpu.memory_space<vmem>>, vector<16xf32>,
          %add3A_873 = arith.constant 128 : i32
          %add3A_874 = arith.addi %mul3A_474, %add3A_873 : i32
          %add3A_875 = arith.constant 80 : i32
          %add3A_876 = arith.addi %add3A_874, %add3A_875 : i32
          %swap3A_877 = arith.index_cast %add3A_876 : i32 to index
          %swap3A_878 = tpu.vector_load %arg12[%swap3A_877] {strides = array<i32>} : memref<8192xf32, #tpu.memory_space<vmem>>, vector<16xf32>,
          tpu.vector_store %arg12[%swap3A_877], %unpack3A_866 {strides = array<i32>} : memref<8192xf32, #tpu.memory_space<vmem>>, vector<16xf32>,
          %broadcast_in_dim3A_879 = arith.constant 1 : i32
          %broadcast_in_dim3A_880 = vector.broadcast %broadcast_in_dim3A_879 : i32 to vector<16xi32>
          %gather3A_881 = tpu.vector_load_idx %arg11[%broadcast_in_dim3A_880, %get3A_860] : memref<4x1000xi32, #tpu.memory_space<vmem>>[vector<16xi32>, vector<16xi32>], vector<16xi32>,
          %bitcast3A_882 = vector.bitcast %gather3A_881 : vector<16xi32> to vector<32xbf16>
          %unpack3A_883 = tpu.unpack_subelements %bitcast3A_882, 0 {pack_format = #tpu.pack_format<interleaved>} : vector<32xbf16> -> vector<16xf32>
          %unpack3A_884 = tpu.unpack_subelements %bitcast3A_882, 1 {pack_format = #tpu.pack_format<interleaved>} : vector<32xbf16> -> vector<16xf32>
          %add3A_885 = arith.constant 256 : i32
          %add3A_886 = arith.addi %mul3A_474, %add3A_885 : i32
          %add3A_887 = arith.constant 80 : i32
          %add3A_888 = arith.addi %add3A_886, %add3A_887 : i32
          %swap3A_889 = arith.index_cast %add3A_888 : i32 to index
          %swap3A_890 = tpu.vector_load %arg12[%swap3A_889] {strides = array<i32>} : memref<8192xf32, #tpu.memory_space<vmem>>, vector<16xf32>,
          tpu.vector_store %arg12[%swap3A_889], %unpack3A_883 {strides = array<i32>} : memref<8192xf32, #tpu.memory_space<vmem>>, vector<16xf32>,
          %add3A_891 = arith.constant 384 : i32
          %add3A_892 = arith.addi %mul3A_474, %add3A_891 : i32
          %add3A_893 = arith.constant 80 : i32
          %add3A_894 = arith.addi %add3A_892, %add3A_893 : i32
          %swap3A_895 = arith.index_cast %add3A_894 : i32 to index
          %swap3A_896 = tpu.vector_load %arg12[%swap3A_895] {strides = array<i32>} : memref<8192xf32, #tpu.memory_space<vmem>>, vector<16xf32>,
          tpu.vector_store %arg12[%swap3A_895], %unpack3A_884 {strides = array<i32>} : memref<8192xf32, #tpu.memory_space<vmem>>, vector<16xf32>,
          %broadcast_in_dim3A_897 = arith.constant 2 : i32
          %broadcast_in_dim3A_898 = vector.broadcast %broadcast_in_dim3A_897 : i32 to vector<16xi32>
          %gather3A_899 = tpu.vector_load_idx %arg11[%broadcast_in_dim3A_898, %get3A_860] : memref<4x1000xi32, #tpu.memory_space<vmem>>[vector<16xi32>, vector<16xi32>], vector<16xi32>,
          %bitcast3A_900 = vector.bitcast %gather3A_899 : vector<16xi32> to vector<32xbf16>
          %unpack3A_901 = tpu.unpack_subelements %bitcast3A_900, 0 {pack_format = #tpu.pack_format<interleaved>} : vector<32xbf16> -> vector<16xf32>
          %unpack3A_902 = tpu.unpack_subelements %bitcast3A_900, 1 {pack_format = #tpu.pack_format<interleaved>} : vector<32xbf16> -> vector<16xf32>
          %add3A_903 = arith.constant 512 : i32
          %add3A_904 = arith.addi %mul3A_474, %add3A_903 : i32
          %add3A_905 = arith.constant 80 : i32
          %add3A_906 = arith.addi %add3A_904, %add3A_905 : i32
          %swap3A_907 = arith.index_cast %add3A_906 : i32 to index
          %swap3A_908 = tpu.vector_load %arg12[%swap3A_907] {strides = array<i32>} : memref<8192xf32, #tpu.memory_space<vmem>>, vector<16xf32>,
          tpu.vector_store %arg12[%swap3A_907], %unpack3A_901 {strides = array<i32>} : memref<8192xf32, #tpu.memory_space<vmem>>, vector<16xf32>,
          %add3A_909 = arith.constant 640 : i32
          %add3A_910 = arith.addi %mul3A_474, %add3A_909 : i32
          %add3A_911 = arith.constant 80 : i32
          %add3A_912 = arith.addi %add3A_910, %add3A_911 : i32
          %swap3A_913 = arith.index_cast %add3A_912 : i32 to index
          %swap3A_914 = tpu.vector_load %arg12[%swap3A_913] {strides = array<i32>} : memref<8192xf32, #tpu.memory_space<vmem>>, vector<16xf32>,
          tpu.vector_store %arg12[%swap3A_913], %unpack3A_902 {strides = array<i32>} : memref<8192xf32, #tpu.memory_space<vmem>>, vector<16xf32>,
          %broadcast_in_dim3A_915 = arith.constant 3 : i32
          %broadcast_in_dim3A_916 = vector.broadcast %broadcast_in_dim3A_915 : i32 to vector<16xi32>
          %gather3A_917 = tpu.vector_load_idx %arg11[%broadcast_in_dim3A_916, %get3A_860] : memref<4x1000xi32, #tpu.memory_space<vmem>>[vector<16xi32>, vector<16xi32>], vector<16xi32>,
          %bitcast3A_918 = vector.bitcast %gather3A_917 : vector<16xi32> to vector<32xbf16>
          %unpack3A_919 = tpu.unpack_subelements %bitcast3A_918, 0 {pack_format = #tpu.pack_format<interleaved>} : vector<32xbf16> -> vector<16xf32>
          %unpack3A_920 = tpu.unpack_subelements %bitcast3A_918, 1 {pack_format = #tpu.pack_format<interleaved>} : vector<32xbf16> -> vector<16xf32>
          %add3A_921 = arith.constant 768 : i32
          %add3A_922 = arith.addi %mul3A_474, %add3A_921 : i32
          %add3A_923 = arith.constant 80 : i32
          %add3A_924 = arith.addi %add3A_922, %add3A_923 : i32
          %swap3A_925 = arith.index_cast %add3A_924 : i32 to index
          %swap3A_926 = tpu.vector_load %arg12[%swap3A_925] {strides = array<i32>} : memref<8192xf32, #tpu.memory_space<vmem>>, vector<16xf32>,
          tpu.vector_store %arg12[%swap3A_925], %unpack3A_919 {strides = array<i32>} : memref<8192xf32, #tpu.memory_space<vmem>>, vector<16xf32>,
          %add3A_927 = arith.constant 896 : i32
          %add3A_928 = arith.addi %mul3A_474, %add3A_927 : i32
          %add3A_929 = arith.constant 80 : i32
          %add3A_930 = arith.addi %add3A_928, %add3A_929 : i32
          %swap3A_931 = arith.index_cast %add3A_930 : i32 to index
          %swap3A_932 = tpu.vector_load %arg12[%swap3A_931] {strides = array<i32>} : memref<8192xf32, #tpu.memory_space<vmem>>, vector<16xf32>,
          tpu.vector_store %arg12[%swap3A_931], %unpack3A_920 {strides = array<i32>} : memref<8192xf32, #tpu.memory_space<vmem>>, vector<16xf32>,
          %add3A_933 = arith.constant 96 : i32
          %add3A_934 = arith.addi %mul3A_472, %add3A_933 : i32
          %get3A_935 = arith.index_cast %select_n3A_445 : i32 to index
          %get3A_936 = arith.index_cast %add3A_934 : i32 to index
          %get3A_937 = tpu.vector_load %arg10[%get3A_935, %get3A_936] {strides = array<i32>} : memref<50x1024xi32, #tpu.memory_space<vmem>>, vector<16xi32>,
          %broadcast_in_dim3A_938 = arith.constant 0 : i32
          %broadcast_in_dim3A_939 = vector.broadcast %broadcast_in_dim3A_938 : i32 to vector<16xi32>
          %gather3A_940 = tpu.vector_load_idx %arg11[%broadcast_in_dim3A_939, %get3A_937] : memref<4x1000xi32, #tpu.memory_space<vmem>>[vector<16xi32>, vector<16xi32>], vector<16xi32>,
          %bitcast3A_941 = vector.bitcast %gather3A_940 : vector<16xi32> to vector<32xbf16>
          %unpack3A_942 = tpu.unpack_subelements %bitcast3A_941, 0 {pack_format = #tpu.pack_format<interleaved>} : vector<32xbf16> -> vector<16xf32>
          %unpack3A_943 = tpu.unpack_subelements %bitcast3A_941, 1 {pack_format = #tpu.pack_format<interleaved>} : vector<32xbf16> -> vector<16xf32>
          %add3A_944 = arith.constant 0 : i32
          %add3A_945 = arith.addi %mul3A_474, %add3A_944 : i32
          %add3A_946 = arith.constant 96 : i32
          %add3A_947 = arith.addi %add3A_945, %add3A_946 : i32
          %swap3A_948 = arith.index_cast %add3A_947 : i32 to index
          %swap3A_949 = tpu.vector_load %arg12[%swap3A_948] {strides = array<i32>} : memref<8192xf32, #tpu.memory_space<vmem>>, vector<16xf32>,
          tpu.vector_store %arg12[%swap3A_948], %unpack3A_942 {strides = array<i32>} : memref<8192xf32, #tpu.memory_space<vmem>>, vector<16xf32>,
          %add3A_950 = arith.constant 128 : i32
          %add3A_951 = arith.addi %mul3A_474, %add3A_950 : i32
          %add3A_952 = arith.constant 96 : i32
          %add3A_953 = arith.addi %add3A_951, %add3A_952 : i32
          %swap3A_954 = arith.index_cast %add3A_953 : i32 to index
          %swap3A_955 = tpu.vector_load %arg12[%swap3A_954] {strides = array<i32>} : memref<8192xf32, #tpu.memory_space<vmem>>, vector<16xf32>,
          tpu.vector_store %arg12[%swap3A_954], %unpack3A_943 {strides = array<i32>} : memref<8192xf32, #tpu.memory_space<vmem>>, vector<16xf32>,
          %broadcast_in_dim3A_956 = arith.constant 1 : i32
          %broadcast_in_dim3A_957 = vector.broadcast %broadcast_in_dim3A_956 : i32 to vector<16xi32>
          %gather3A_958 = tpu.vector_load_idx %arg11[%broadcast_in_dim3A_957, %get3A_937] : memref<4x1000xi32, #tpu.memory_space<vmem>>[vector<16xi32>, vector<16xi32>], vector<16xi32>,
          %bitcast3A_959 = vector.bitcast %gather3A_958 : vector<16xi32> to vector<32xbf16>
          %unpack3A_960 = tpu.unpack_subelements %bitcast3A_959, 0 {pack_format = #tpu.pack_format<interleaved>} : vector<32xbf16> -> vector<16xf32>
          %unpack3A_961 = tpu.unpack_subelements %bitcast3A_959, 1 {pack_format = #tpu.pack_format<interleaved>} : vector<32xbf16> -> vector<16xf32>
          %add3A_962 = arith.constant 256 : i32
          %add3A_963 = arith.addi %mul3A_474, %add3A_962 : i32
          %add3A_964 = arith.constant 96 : i32
          %add3A_965 = arith.addi %add3A_963, %add3A_964 : i32
          %swap3A_966 = arith.index_cast %add3A_965 : i32 to index
          %swap3A_967 = tpu.vector_load %arg12[%swap3A_966] {strides = array<i32>} : memref<8192xf32, #tpu.memory_space<vmem>>, vector<16xf32>,
          tpu.vector_store %arg12[%swap3A_966], %unpack3A_960 {strides = array<i32>} : memref<8192xf32, #tpu.memory_space<vmem>>, vector<16xf32>,
          %add3A_968 = arith.constant 384 : i32
          %add3A_969 = arith.addi %mul3A_474, %add3A_968 : i32
          %add3A_970 = arith.constant 96 : i32
          %add3A_971 = arith.addi %add3A_969, %add3A_970 : i32
          %swap3A_972 = arith.index_cast %add3A_971 : i32 to index
          %swap3A_973 = tpu.vector_load %arg12[%swap3A_972] {strides = array<i32>} : memref<8192xf32, #tpu.memory_space<vmem>>, vector<16xf32>,
          tpu.vector_store %arg12[%swap3A_972], %unpack3A_961 {strides = array<i32>} : memref<8192xf32, #tpu.memory_space<vmem>>, vector<16xf32>,
          %broadcast_in_dim3A_974 = arith.constant 2 : i32
          %broadcast_in_dim3A_975 = vector.broadcast %broadcast_in_dim3A_974 : i32 to vector<16xi32>
          %gather3A_976 = tpu.vector_load_idx %arg11[%broadcast_in_dim3A_975, %get3A_937] : memref<4x1000xi32, #tpu.memory_space<vmem>>[vector<16xi32>, vector<16xi32>], vector<16xi32>,
          %bitcast3A_977 = vector.bitcast %gather3A_976 : vector<16xi32> to vector<32xbf16>
          %unpack3A_978 = tpu.unpack_subelements %bitcast3A_977, 0 {pack_format = #tpu.pack_format<interleaved>} : vector<32xbf16> -> vector<16xf32>
          %unpack3A_979 = tpu.unpack_subelements %bitcast3A_977, 1 {pack_format = #tpu.pack_format<interleaved>} : vector<32xbf16> -> vector<16xf32>
          %add3A_980 = arith.constant 512 : i32
          %add3A_981 = arith.addi %mul3A_474, %add3A_980 : i32
          %add3A_982 = arith.constant 96 : i32
          %add3A_983 = arith.addi %add3A_981, %add3A_982 : i32
          %swap3A_984 = arith.index_cast %add3A_983 : i32 to index
          %swap3A_985 = tpu.vector_load %arg12[%swap3A_984] {strides = array<i32>} : memref<8192xf32, #tpu.memory_space<vmem>>, vector<16xf32>,
          tpu.vector_store %arg12[%swap3A_984], %unpack3A_978 {strides = array<i32>} : memref<8192xf32, #tpu.memory_space<vmem>>, vector<16xf32>,
          %add3A_986 = arith.constant 640 : i32
          %add3A_987 = arith.addi %mul3A_474, %add3A_986 : i32
          %add3A_988 = arith.constant 96 : i32
          %add3A_989 = arith.addi %add3A_987, %add3A_988 : i32
          %swap3A_990 = arith.index_cast %add3A_989 : i32 to index
          %swap3A_991 = tpu.vector_load %arg12[%swap3A_990] {strides = array<i32>} : memref<8192xf32, #tpu.memory_space<vmem>>, vector<16xf32>,
          tpu.vector_store %arg12[%swap3A_990], %unpack3A_979 {strides = array<i32>} : memref<8192xf32, #tpu.memory_space<vmem>>, vector<16xf32>,
          %broadcast_in_dim3A_992 = arith.constant 3 : i32
          %broadcast_in_dim3A_993 = vector.broadcast %broadcast_in_dim3A_992 : i32 to vector<16xi32>
          %gather3A_994 = tpu.vector_load_idx %arg11[%broadcast_in_dim3A_993, %get3A_937] : memref<4x1000xi32, #tpu.memory_space<vmem>>[vector<16xi32>, vector<16xi32>], vector<16xi32>,
          %bitcast3A_995 = vector.bitcast %gather3A_994 : vector<16xi32> to vector<32xbf16>
          %unpack3A_996 = tpu.unpack_subelements %bitcast3A_995, 0 {pack_format = #tpu.pack_format<interleaved>} : vector<32xbf16> -> vector<16xf32>
          %unpack3A_997 = tpu.unpack_subelements %bitcast3A_995, 1 {pack_format = #tpu.pack_format<interleaved>} : vector<32xbf16> -> vector<16xf32>
          %add3A_998 = arith.constant 768 : i32
          %add3A_999 = arith.addi %mul3A_474, %add3A_998 : i32
          %add3A_1000 = arith.constant 96 : i32
          %add3A_1001 = arith.addi %add3A_999, %add3A_1000 : i32
          %swap3A_1002 = arith.index_cast %add3A_1001 : i32 to index
          %swap3A_1003 = tpu.vector_load %arg12[%swap3A_1002] {strides = array<i32>} : memref<8192xf32, #tpu.memory_space<vmem>>, vector<16xf32>,
          tpu.vector_store %arg12[%swap3A_1002], %unpack3A_996 {strides = array<i32>} : memref<8192xf32, #tpu.memory_space<vmem>>, vector<16xf32>,
          %add3A_1004 = arith.constant 896 : i32
          %add3A_1005 = arith.addi %mul3A_474, %add3A_1004 : i32
          %add3A_1006 = arith.constant 96 : i32
          %add3A_1007 = arith.addi %add3A_1005, %add3A_1006 : i32
          %swap3A_1008 = arith.index_cast %add3A_1007 : i32 to index
          %swap3A_1009 = tpu.vector_load %arg12[%swap3A_1008] {strides = array<i32>} : memref<8192xf32, #tpu.memory_space<vmem>>, vector<16xf32>,
          tpu.vector_store %arg12[%swap3A_1008], %unpack3A_997 {strides = array<i32>} : memref<8192xf32, #tpu.memory_space<vmem>>, vector<16xf32>,
          %add3A_1010 = arith.constant 112 : i32
          %add3A_1011 = arith.addi %mul3A_472, %add3A_1010 : i32
          %get3A_1012 = arith.index_cast %select_n3A_445 : i32 to index
          %get3A_1013 = arith.index_cast %add3A_1011 : i32 to index
          %get3A_1014 = tpu.vector_load %arg10[%get3A_1012, %get3A_1013] {strides = array<i32>} : memref<50x1024xi32, #tpu.memory_space<vmem>>, vector<16xi32>,
          %broadcast_in_dim3A_1015 = arith.constant 0 : i32
          %broadcast_in_dim3A_1016 = vector.broadcast %broadcast_in_dim3A_1015 : i32 to vector<16xi32>
          %gather3A_1017 = tpu.vector_load_idx %arg11[%broadcast_in_dim3A_1016, %get3A_1014] : memref<4x1000xi32, #tpu.memory_space<vmem>>[vector<16xi32>, vector<16xi32>], vector<16xi32>,
          %bitcast3A_1018 = vector.bitcast %gather3A_1017 : vector<16xi32> to vector<32xbf16>
          %unpack3A_1019 = tpu.unpack_subelements %bitcast3A_1018, 0 {pack_format = #tpu.pack_format<interleaved>} : vector<32xbf16> -> vector<16xf32>
          %unpack3A_1020 = tpu.unpack_subelements %bitcast3A_1018, 1 {pack_format = #tpu.pack_format<interleaved>} : vector<32xbf16> -> vector<16xf32>
          %add3A_1021 = arith.constant 0 : i32
          %add3A_1022 = arith.addi %mul3A_474, %add3A_1021 : i32
          %add3A_1023 = arith.constant 112 : i32
          %add3A_1024 = arith.addi %add3A_1022, %add3A_1023 : i32
          %swap3A_1025 = arith.index_cast %add3A_1024 : i32 to index
          %swap3A_1026 = tpu.vector_load %arg12[%swap3A_1025] {strides = array<i32>} : memref<8192xf32, #tpu.memory_space<vmem>>, vector<16xf32>,
          tpu.vector_store %arg12[%swap3A_1025], %unpack3A_1019 {strides = array<i32>} : memref<8192xf32, #tpu.memory_space<vmem>>, vector<16xf32>,
          %add3A_1027 = arith.constant 128 : i32
          %add3A_1028 = arith.addi %mul3A_474, %add3A_1027 : i32
          %add3A_1029 = arith.constant 112 : i32
          %add3A_1030 = arith.addi %add3A_1028, %add3A_1029 : i32
          %swap3A_1031 = arith.index_cast %add3A_1030 : i32 to index
          %swap3A_1032 = tpu.vector_load %arg12[%swap3A_1031] {strides = array<i32>} : memref<8192xf32, #tpu.memory_space<vmem>>, vector<16xf32>,
          tpu.vector_store %arg12[%swap3A_1031], %unpack3A_1020 {strides = array<i32>} : memref<8192xf32, #tpu.memory_space<vmem>>, vector<16xf32>,
          %broadcast_in_dim3A_1033 = arith.constant 1 : i32
          %broadcast_in_dim3A_1034 = vector.broadcast %broadcast_in_dim3A_1033 : i32 to vector<16xi32>
          %gather3A_1035 = tpu.vector_load_idx %arg11[%broadcast_in_dim3A_1034, %get3A_1014] : memref<4x1000xi32, #tpu.memory_space<vmem>>[vector<16xi32>, vector<16xi32>], vector<16xi32>,
          %bitcast3A_1036 = vector.bitcast %gather3A_1035 : vector<16xi32> to vector<32xbf16>
          %unpack3A_1037 = tpu.unpack_subelements %bitcast3A_1036, 0 {pack_format = #tpu.pack_format<interleaved>} : vector<32xbf16> -> vector<16xf32>
          %unpack3A_1038 = tpu.unpack_subelements %bitcast3A_1036, 1 {pack_format = #tpu.pack_format<interleaved>} : vector<32xbf16> -> vector<16xf32>
          %add3A_1039 = arith.constant 256 : i32
          %add3A_1040 = arith.addi %mul3A_474, %add3A_1039 : i32
          %add3A_1041 = arith.constant 112 : i32
          %add3A_1042 = arith.addi %add3A_1040, %add3A_1041 : i32
          %swap3A_1043 = arith.index_cast %add3A_1042 : i32 to index
          %swap3A_1044 = tpu.vector_load %arg12[%swap3A_1043] {strides = array<i32>} : memref<8192xf32, #tpu.memory_space<vmem>>, vector<16xf32>,
          tpu.vector_store %arg12[%swap3A_1043], %unpack3A_1037 {strides = array<i32>} : memref<8192xf32, #tpu.memory_space<vmem>>, vector<16xf32>,
          %add3A_1045 = arith.constant 384 : i32
          %add3A_1046 = arith.addi %mul3A_474, %add3A_1045 : i32
          %add3A_1047 = arith.constant 112 : i32
          %add3A_1048 = arith.addi %add3A_1046, %add3A_1047 : i32
          %swap3A_1049 = arith.index_cast %add3A_1048 : i32 to index
          %swap3A_1050 = tpu.vector_load %arg12[%swap3A_1049] {strides = array<i32>} : memref<8192xf32, #tpu.memory_space<vmem>>, vector<16xf32>,
          tpu.vector_store %arg12[%swap3A_1049], %unpack3A_1038 {strides = array<i32>} : memref<8192xf32, #tpu.memory_space<vmem>>, vector<16xf32>,
          %broadcast_in_dim3A_1051 = arith.constant 2 : i32
          %broadcast_in_dim3A_1052 = vector.broadcast %broadcast_in_dim3A_1051 : i32 to vector<16xi32>
          %gather3A_1053 = tpu.vector_load_idx %arg11[%broadcast_in_dim3A_1052, %get3A_1014] : memref<4x1000xi32, #tpu.memory_space<vmem>>[vector<16xi32>, vector<16xi32>], vector<16xi32>,
          %bitcast3A_1054 = vector.bitcast %gather3A_1053 : vector<16xi32> to vector<32xbf16>
          %unpack3A_1055 = tpu.unpack_subelements %bitcast3A_1054, 0 {pack_format = #tpu.pack_format<interleaved>} : vector<32xbf16> -> vector<16xf32>
          %unpack3A_1056 = tpu.unpack_subelements %bitcast3A_1054, 1 {pack_format = #tpu.pack_format<interleaved>} : vector<32xbf16> -> vector<16xf32>
          %add3A_1057 = arith.constant 512 : i32
          %add3A_1058 = arith.addi %mul3A_474, %add3A_1057 : i32
          %add3A_1059 = arith.constant 112 : i32
          %add3A_1060 = arith.addi %add3A_1058, %add3A_1059 : i32
          %swap3A_1061 = arith.index_cast %add3A_1060 : i32 to index
          %swap3A_1062 = tpu.vector_load %arg12[%swap3A_1061] {strides = array<i32>} : memref<8192xf32, #tpu.memory_space<vmem>>, vector<16xf32>,
          tpu.vector_store %arg12[%swap3A_1061], %unpack3A_1055 {strides = array<i32>} : memref<8192xf32, #tpu.memory_space<vmem>>, vector<16xf32>,
          %add3A_1063 = arith.constant 640 : i32
          %add3A_1064 = arith.addi %mul3A_474, %add3A_1063 : i32
          %add3A_1065 = arith.constant 112 : i32
          %add3A_1066 = arith.addi %add3A_1064, %add3A_1065 : i32
          %swap3A_1067 = arith.index_cast %add3A_1066 : i32 to index
          %swap3A_1068 = tpu.vector_load %arg12[%swap3A_1067] {strides = array<i32>} : memref<8192xf32, #tpu.memory_space<vmem>>, vector<16xf32>,
          tpu.vector_store %arg12[%swap3A_1067], %unpack3A_1056 {strides = array<i32>} : memref<8192xf32, #tpu.memory_space<vmem>>, vector<16xf32>,
          %broadcast_in_dim3A_1069 = arith.constant 3 : i32
          %broadcast_in_dim3A_1070 = vector.broadcast %broadcast_in_dim3A_1069 : i32 to vector<16xi32>
          %gather3A_1071 = tpu.vector_load_idx %arg11[%broadcast_in_dim3A_1070, %get3A_1014] : memref<4x1000xi32, #tpu.memory_space<vmem>>[vector<16xi32>, vector<16xi32>], vector<16xi32>,
          %bitcast3A_1072 = vector.bitcast %gather3A_1071 : vector<16xi32> to vector<32xbf16>
          %unpack3A_1073 = tpu.unpack_subelements %bitcast3A_1072, 0 {pack_format = #tpu.pack_format<interleaved>} : vector<32xbf16> -> vector<16xf32>
          %unpack3A_1074 = tpu.unpack_subelements %bitcast3A_1072, 1 {pack_format = #tpu.pack_format<interleaved>} : vector<32xbf16> -> vector<16xf32>
          %add3A_1075 = arith.constant 768 : i32
          %add3A_1076 = arith.addi %mul3A_474, %add3A_1075 : i32
          %add3A_1077 = arith.constant 112 : i32
          %add3A_1078 = arith.addi %add3A_1076, %add3A_1077 : i32
          %swap3A_1079 = arith.index_cast %add3A_1078 : i32 to index
          %swap3A_1080 = tpu.vector_load %arg12[%swap3A_1079] {strides = array<i32>} : memref<8192xf32, #tpu.memory_space<vmem>>, vector<16xf32>,
          tpu.vector_store %arg12[%swap3A_1079], %unpack3A_1073 {strides = array<i32>} : memref<8192xf32, #tpu.memory_space<vmem>>, vector<16xf32>,
          %add3A_1081 = arith.constant 896 : i32
          %add3A_1082 = arith.addi %mul3A_474, %add3A_1081 : i32
          %add3A_1083 = arith.constant 112 : i32
          %add3A_1084 = arith.addi %add3A_1082, %add3A_1083 : i32
          %swap3A_1085 = arith.index_cast %add3A_1084 : i32 to index
          %swap3A_1086 = tpu.vector_load %arg12[%swap3A_1085] {strides = array<i32>} : memref<8192xf32, #tpu.memory_space<vmem>>, vector<16xf32>,
          tpu.vector_store %arg12[%swap3A_1085], %unpack3A_1074 {strides = array<i32>} : memref<8192xf32, #tpu.memory_space<vmem>>, vector<16xf32>,
        }
        %scan3A_462 = arith.constant 8 : i32
        %mul3A_463 = arith.constant 125 : i32
        %mul3A_464 = arith.muli %select_n3A_445, %mul3A_463 : i32
        %add3A_465 = arith.addi %mul3A_464, %select_n3A_429 : i32
        %mul3A_466 = arith.constant 8192 : i32
        %mul3A_467 = arith.muli %add3A_465, %mul3A_466 : i32
        %dma_start3A_468 = tpu.memref_slice %arg8[%mul3A_467] : memref<51200000xf32, #tpu.memory_space<hbm>> -> memref<8192xf32, #tpu.memory_space<hbm>>
        %dma_start3A_469 = tpu.memref_slice %arg8[%mul3A_467] : memref<51200000xf32, #tpu.memory_space<hbm>> -> memref<8192xf32, #tpu.memory_space<hbm>>
        tpu.enqueue_dma source(%arg12 : memref<8192xf32, #tpu.memory_space<vmem>>) target(%dma_start3A_469 : memref<8192xf32, #tpu.memory_space<hbm>>) target_semaphore(%arg23 : memref<!tpu.dma_semaphore, #tpu.memory_space<semaphore_mem>>)
      } else {
      }
      %mul3A_397 = arith.constant 2 : i32
      %mul3A_398 = arith.muli %scan3A_389, %mul3A_397 : i32
      %add3A_399 = arith.constant 1 : i32
      %add3A_400 = arith.addi %mul3A_398, %add3A_399 : i32
      %lt3A_401 = arith.cmpi slt, %add3A_400, %sub3A_47 : i32
      %convert_element_type3A_402 = arith.extui %lt3A_401 : i1 to i32
      %cond3A_403 = arith.constant 0 : i32
      %cond3A_404 = arith.cmpi ne, %convert_element_type3A_402, %cond3A_403 : i32
      scf.if %cond3A_404 {
        %add3A_405 = arith.addi %select_n3A, %add3A_400 : i32
        %jit3A_406 = arith.constant 50 : i32
        %div3A_407 = arith.divsi %add3A_405, %jit3A_406 : i32
        %sign3A_408 = arith.constant 0 : i32
        %sign3A_409 = arith.cmpi sgt, %add3A_405, %sign3A_408 : i32
        %sign3A_410 = arith.extui %sign3A_409 : i1 to i32
        %sign3A_411 = arith.constant 0 : i32
        %sign3A_412 = arith.cmpi slt, %add3A_405, %sign3A_411 : i32
        %sign3A_413 = arith.extui %sign3A_412 : i1 to i32
        %sign3A_414 = arith.subi %sign3A_410, %sign3A_413 : i32
        %sign3A_415 = arith.constant 0 : i32
        %sign3A_416 = arith.cmpi sgt, %jit3A_406, %sign3A_415 : i32
        %sign3A_417 = arith.extui %sign3A_416 : i1 to i32
        %sign3A_418 = arith.constant 0 : i32
        %sign3A_419 = arith.cmpi slt, %jit3A_406, %sign3A_418 : i32
        %sign3A_420 = arith.extui %sign3A_419 : i1 to i32
        %sign3A_421 = arith.subi %sign3A_417, %sign3A_420 : i32
        %ne3A_422 = arith.cmpi ne, %sign3A_414, %sign3A_421 : i32
        %rem3A_423 = arith.remsi %add3A_405, %jit3A_406 : i32
        %ne3A_424 = arith.constant 0 : i32
        %ne3A_425 = arith.cmpi ne, %rem3A_423, %ne3A_424 : i32
        %and3A_426 = arith.andi %ne3A_422, %ne3A_425 : i1
        %sub3A_427 = arith.constant 1 : i32
        %sub3A_428 = arith.subi %div3A_407, %sub3A_427 : i32
        %select_n3A_429 = arith.select %and3A_426, %sub3A_428, %div3A_407 : i32
        %jit3A_430 = arith.constant 50 : i32
        %eq3A_431 = arith.constant 0 : i32
        %eq3A_432 = arith.cmpi eq, %jit3A_430, %eq3A_431 : i32
        %jit3A_433 = arith.constant 1 : i32
        %select_n3A_434 = arith.select %eq3A_432, %jit3A_433, %jit3A_430 : i32
        %rem3A_435 = arith.remsi %add3A_405, %select_n3A_434 : i32
        %ne3A_436 = arith.constant 0 : i32
        %ne3A_437 = arith.cmpi ne, %rem3A_435, %ne3A_436 : i32
        %lt3A_438 = arith.constant 0 : i32
        %lt3A_439 = arith.cmpi slt, %rem3A_435, %lt3A_438 : i32
        %lt3A_440 = arith.constant 0 : i32
        %lt3A_441 = arith.cmpi slt, %select_n3A_434, %lt3A_440 : i32
        %ne3A_442 = arith.xori %lt3A_439, %lt3A_441 : i1
        %and3A_443 = arith.andi %ne3A_442, %ne3A_437 : i1
        %add3A_444 = arith.addi %rem3A_435, %select_n3A_434 : i32
        %select_n3A_445 = arith.select %and3A_443, %add3A_444, %rem3A_435 : i32
        %eq3A_446 = arith.constant 0 : i32
        %eq3A_447 = arith.cmpi eq, %select_n3A_445, %eq3A_446 : i32
        %eq3A_448 = arith.constant 0 : i32
        %eq3A_449 = arith.cmpi eq, %add3A_400, %eq3A_448 : i32
        %or3A = arith.ori %eq3A_447, %eq3A_449 : i1
        %convert_element_type3A_450 = arith.extui %or3A : i1 to i32
        %cond3A_451 = arith.constant 0 : i32
        %cond3A_452 = arith.cmpi ne, %convert_element_type3A_450, %cond3A_451 : i32
        scf.if %cond3A_452 {
          %mul3A_470 = arith.constant 4 : i32
          %mul3A_471 = arith.muli %select_n3A_429, %mul3A_470 : i32
          "tpu.region"() ({
            %run_scoped3A = tpu.sem_alloc : memref<!tpu.dma_semaphore, #tpu.memory_space<semaphore_mem>>
            %dma_start3A_472 = arith.constant 0 : i32
            %dma_start3A_473 = tpu.memref_slice %arg3[%mul3A_471, %dma_start3A_472] : memref<500x1000xi32, #tpu.memory_space<hbm>> -> memref<4x1000xi32, #tpu.memory_space<hbm>>
            %dma_start3A_474 = arith.constant 0 : i32
            %dma_start3A_475 = tpu.memref_slice %arg3[%mul3A_471, %dma_start3A_474] : memref<500x1000xi32, #tpu.memory_space<hbm>> -> memref<4x1000xi32, #tpu.memory_space<hbm>>
            tpu.enqueue_dma source(%dma_start3A_475 : memref<4x1000xi32, #tpu.memory_space<hbm>>) target(%arg11 : memref<4x1000xi32, #tpu.memory_space<vmem>>) target_semaphore(%run_scoped3A : memref<!tpu.dma_semaphore, #tpu.memory_space<semaphore_mem>>)
            %dma_wait3A_476 = arith.constant 0 : i32
            %dma_wait3A_477 = tpu.memref_slice %arg3[%mul3A_471, %dma_wait3A_476] : memref<500x1000xi32, #tpu.memory_space<hbm>> -> memref<4x1000xi32, #tpu.memory_space<hbm>>
            %dma_wait3A_478 = arith.constant 0 : i32
            %dma_wait3A_479 = tpu.memref_slice %arg3[%mul3A_471, %dma_wait3A_478] : memref<500x1000xi32, #tpu.memory_space<hbm>> -> memref<4x1000xi32, #tpu.memory_space<hbm>>
            tpu.wait_dma2 semaphore(%run_scoped3A : memref<!tpu.dma_semaphore, #tpu.memory_space<semaphore_mem>>) src(%dma_wait3A_479 : memref<4x1000xi32, #tpu.memory_space<hbm>>) dst(%arg11 : memref<4x1000xi32, #tpu.memory_space<vmem>>)
            tpu.yield
          }) : () -> ()
        } else {
        }
        %ge3A = arith.constant 2 : i32
        %ge3A_453 = arith.cmpi sge, %add3A_400, %ge3A : i32
        %convert_element_type3A_454 = arith.extui %ge3A_453 : i1 to i32
        %cond3A_455 = arith.constant 0 : i32
        %cond3A_456 = arith.cmpi ne, %convert_element_type3A_454, %cond3A_455 : i32
        scf.if %cond3A_456 {
          %dma_wait3A_470 = arith.constant 0 : i32
          %dma_wait3A_471 = tpu.memref_slice %arg8[%dma_wait3A_470] : memref<51200000xf32, #tpu.memory_space<hbm>> -> memref<8192xf32, #tpu.memory_space<hbm>>
          %dma_wait3A_472 = arith.constant 0 : i32
          %dma_wait3A_473 = tpu.memref_slice %arg8[%dma_wait3A_472] : memref<51200000xf32, #tpu.memory_space<hbm>> -> memref<8192xf32, #tpu.memory_space<hbm>>
          tpu.wait_dma2 semaphore(%arg23 : memref<!tpu.dma_semaphore, #tpu.memory_space<semaphore_mem>>) src(%arg13 : memref<8192xf32, #tpu.memory_space<vmem>>) dst(%dma_wait3A_473 : memref<8192xf32, #tpu.memory_space<hbm>>)
        } else {
        }
        %scan3A_457 = arith.constant 0 : i32
        %scan3A_458 = arith.constant 0 : i32
        %scan3A_459 = arith.constant 8 : i32
        %scan3A_460 = arith.addi %scan3A_458, %scan3A_459 : i32
        %scan3A_461 = arith.constant 1 : i32
        scf.for %scan3A_470 = %scan3A_458 to %scan3A_460 step %scan3A_461  : i32 {
          %mul3A_471 = arith.constant 128 : i32
          %mul3A_472 = arith.muli %scan3A_470, %mul3A_471 : i32
          %mul3A_473 = arith.constant 1024 : i32
          %mul3A_474 = arith.muli %scan3A_470, %mul3A_473 : i32
          %add3A_475 = arith.constant 0 : i32
          %add3A_476 = arith.addi %mul3A_472, %add3A_475 : i32
          %get3A = arith.index_cast %select_n3A_445 : i32 to index
          %get3A_477 = arith.index_cast %add3A_476 : i32 to index
          %get3A_478 = tpu.vector_load %arg10[%get3A, %get3A_477] {strides = array<i32>} : memref<50x1024xi32, #tpu.memory_space<vmem>>, vector<16xi32>,
          %broadcast_in_dim3A_479 = arith.constant 0 : i32
          %broadcast_in_dim3A_480 = vector.broadcast %broadcast_in_dim3A_479 : i32 to vector<16xi32>
          %gather3A = tpu.vector_load_idx %arg11[%broadcast_in_dim3A_480, %get3A_478] : memref<4x1000xi32, #tpu.memory_space<vmem>>[vector<16xi32>, vector<16xi32>], vector<16xi32>,
          %bitcast3A = vector.bitcast %gather3A : vector<16xi32> to vector<32xbf16>
          %unpack3A = tpu.unpack_subelements %bitcast3A, 0 {pack_format = #tpu.pack_format<interleaved>} : vector<32xbf16> -> vector<16xf32>
          %unpack3A_481 = tpu.unpack_subelements %bitcast3A, 1 {pack_format = #tpu.pack_format<interleaved>} : vector<32xbf16> -> vector<16xf32>
          %add3A_482 = arith.constant 0 : i32
          %add3A_483 = arith.addi %mul3A_474, %add3A_482 : i32
          %add3A_484 = arith.constant 0 : i32
          %add3A_485 = arith.addi %add3A_483, %add3A_484 : i32
          %swap3A_486 = arith.index_cast %add3A_485 : i32 to index
          %swap3A_487 = tpu.vector_load %arg13[%swap3A_486] {strides = array<i32>} : memref<8192xf32, #tpu.memory_space<vmem>>, vector<16xf32>,
          tpu.vector_store %arg13[%swap3A_486], %unpack3A {strides = array<i32>} : memref<8192xf32, #tpu.memory_space<vmem>>, vector<16xf32>,
          %add3A_488 = arith.constant 128 : i32
          %add3A_489 = arith.addi %mul3A_474, %add3A_488 : i32
          %add3A_490 = arith.constant 0 : i32
          %add3A_491 = arith.addi %add3A_489, %add3A_490 : i32
          %swap3A_492 = arith.index_cast %add3A_491 : i32 to index
          %swap3A_493 = tpu.vector_load %arg13[%swap3A_492] {strides = array<i32>} : memref<8192xf32, #tpu.memory_space<vmem>>, vector<16xf32>,
          tpu.vector_store %arg13[%swap3A_492], %unpack3A_481 {strides = array<i32>} : memref<8192xf32, #tpu.memory_space<vmem>>, vector<16xf32>,
          %broadcast_in_dim3A_494 = arith.constant 1 : i32
          %broadcast_in_dim3A_495 = vector.broadcast %broadcast_in_dim3A_494 : i32 to vector<16xi32>
          %gather3A_496 = tpu.vector_load_idx %arg11[%broadcast_in_dim3A_495, %get3A_478] : memref<4x1000xi32, #tpu.memory_space<vmem>>[vector<16xi32>, vector<16xi32>], vector<16xi32>,
          %bitcast3A_497 = vector.bitcast %gather3A_496 : vector<16xi32> to vector<32xbf16>
          %unpack3A_498 = tpu.unpack_subelements %bitcast3A_497, 0 {pack_format = #tpu.pack_format<interleaved>} : vector<32xbf16> -> vector<16xf32>
          %unpack3A_499 = tpu.unpack_subelements %bitcast3A_497, 1 {pack_format = #tpu.pack_format<interleaved>} : vector<32xbf16> -> vector<16xf32>
          %add3A_500 = arith.constant 256 : i32
          %add3A_501 = arith.addi %mul3A_474, %add3A_500 : i32
          %add3A_502 = arith.constant 0 : i32
          %add3A_503 = arith.addi %add3A_501, %add3A_502 : i32
          %swap3A_504 = arith.index_cast %add3A_503 : i32 to index
          %swap3A_505 = tpu.vector_load %arg13[%swap3A_504] {strides = array<i32>} : memref<8192xf32, #tpu.memory_space<vmem>>, vector<16xf32>,
          tpu.vector_store %arg13[%swap3A_504], %unpack3A_498 {strides = array<i32>} : memref<8192xf32, #tpu.memory_space<vmem>>, vector<16xf32>,
          %add3A_506 = arith.constant 384 : i32
          %add3A_507 = arith.addi %mul3A_474, %add3A_506 : i32
          %add3A_508 = arith.constant 0 : i32
          %add3A_509 = arith.addi %add3A_507, %add3A_508 : i32
          %swap3A_510 = arith.index_cast %add3A_509 : i32 to index
          %swap3A_511 = tpu.vector_load %arg13[%swap3A_510] {strides = array<i32>} : memref<8192xf32, #tpu.memory_space<vmem>>, vector<16xf32>,
          tpu.vector_store %arg13[%swap3A_510], %unpack3A_499 {strides = array<i32>} : memref<8192xf32, #tpu.memory_space<vmem>>, vector<16xf32>,
          %broadcast_in_dim3A_512 = arith.constant 2 : i32
          %broadcast_in_dim3A_513 = vector.broadcast %broadcast_in_dim3A_512 : i32 to vector<16xi32>
          %gather3A_514 = tpu.vector_load_idx %arg11[%broadcast_in_dim3A_513, %get3A_478] : memref<4x1000xi32, #tpu.memory_space<vmem>>[vector<16xi32>, vector<16xi32>], vector<16xi32>,
          %bitcast3A_515 = vector.bitcast %gather3A_514 : vector<16xi32> to vector<32xbf16>
          %unpack3A_516 = tpu.unpack_subelements %bitcast3A_515, 0 {pack_format = #tpu.pack_format<interleaved>} : vector<32xbf16> -> vector<16xf32>
          %unpack3A_517 = tpu.unpack_subelements %bitcast3A_515, 1 {pack_format = #tpu.pack_format<interleaved>} : vector<32xbf16> -> vector<16xf32>
          %add3A_518 = arith.constant 512 : i32
          %add3A_519 = arith.addi %mul3A_474, %add3A_518 : i32
          %add3A_520 = arith.constant 0 : i32
          %add3A_521 = arith.addi %add3A_519, %add3A_520 : i32
          %swap3A_522 = arith.index_cast %add3A_521 : i32 to index
          %swap3A_523 = tpu.vector_load %arg13[%swap3A_522] {strides = array<i32>} : memref<8192xf32, #tpu.memory_space<vmem>>, vector<16xf32>,
          tpu.vector_store %arg13[%swap3A_522], %unpack3A_516 {strides = array<i32>} : memref<8192xf32, #tpu.memory_space<vmem>>, vector<16xf32>,
          %add3A_524 = arith.constant 640 : i32
          %add3A_525 = arith.addi %mul3A_474, %add3A_524 : i32
          %add3A_526 = arith.constant 0 : i32
          %add3A_527 = arith.addi %add3A_525, %add3A_526 : i32
          %swap3A_528 = arith.index_cast %add3A_527 : i32 to index
          %swap3A_529 = tpu.vector_load %arg13[%swap3A_528] {strides = array<i32>} : memref<8192xf32, #tpu.memory_space<vmem>>, vector<16xf32>,
          tpu.vector_store %arg13[%swap3A_528], %unpack3A_517 {strides = array<i32>} : memref<8192xf32, #tpu.memory_space<vmem>>, vector<16xf32>,
          %broadcast_in_dim3A_530 = arith.constant 3 : i32
          %broadcast_in_dim3A_531 = vector.broadcast %broadcast_in_dim3A_530 : i32 to vector<16xi32>
          %gather3A_532 = tpu.vector_load_idx %arg11[%broadcast_in_dim3A_531, %get3A_478] : memref<4x1000xi32, #tpu.memory_space<vmem>>[vector<16xi32>, vector<16xi32>], vector<16xi32>,
          %bitcast3A_533 = vector.bitcast %gather3A_532 : vector<16xi32> to vector<32xbf16>
          %unpack3A_534 = tpu.unpack_subelements %bitcast3A_533, 0 {pack_format = #tpu.pack_format<interleaved>} : vector<32xbf16> -> vector<16xf32>
          %unpack3A_535 = tpu.unpack_subelements %bitcast3A_533, 1 {pack_format = #tpu.pack_format<interleaved>} : vector<32xbf16> -> vector<16xf32>
          %add3A_536 = arith.constant 768 : i32
          %add3A_537 = arith.addi %mul3A_474, %add3A_536 : i32
          %add3A_538 = arith.constant 0 : i32
          %add3A_539 = arith.addi %add3A_537, %add3A_538 : i32
          %swap3A_540 = arith.index_cast %add3A_539 : i32 to index
          %swap3A_541 = tpu.vector_load %arg13[%swap3A_540] {strides = array<i32>} : memref<8192xf32, #tpu.memory_space<vmem>>, vector<16xf32>,
          tpu.vector_store %arg13[%swap3A_540], %unpack3A_534 {strides = array<i32>} : memref<8192xf32, #tpu.memory_space<vmem>>, vector<16xf32>,
          %add3A_542 = arith.constant 896 : i32
          %add3A_543 = arith.addi %mul3A_474, %add3A_542 : i32
          %add3A_544 = arith.constant 0 : i32
          %add3A_545 = arith.addi %add3A_543, %add3A_544 : i32
          %swap3A_546 = arith.index_cast %add3A_545 : i32 to index
          %swap3A_547 = tpu.vector_load %arg13[%swap3A_546] {strides = array<i32>} : memref<8192xf32, #tpu.memory_space<vmem>>, vector<16xf32>,
          tpu.vector_store %arg13[%swap3A_546], %unpack3A_535 {strides = array<i32>} : memref<8192xf32, #tpu.memory_space<vmem>>, vector<16xf32>,
          %add3A_548 = arith.constant 16 : i32
          %add3A_549 = arith.addi %mul3A_472, %add3A_548 : i32
          %get3A_550 = arith.index_cast %select_n3A_445 : i32 to index
          %get3A_551 = arith.index_cast %add3A_549 : i32 to index
          %get3A_552 = tpu.vector_load %arg10[%get3A_550, %get3A_551] {strides = array<i32>} : memref<50x1024xi32, #tpu.memory_space<vmem>>, vector<16xi32>,
          %broadcast_in_dim3A_553 = arith.constant 0 : i32
          %broadcast_in_dim3A_554 = vector.broadcast %broadcast_in_dim3A_553 : i32 to vector<16xi32>
          %gather3A_555 = tpu.vector_load_idx %arg11[%broadcast_in_dim3A_554, %get3A_552] : memref<4x1000xi32, #tpu.memory_space<vmem>>[vector<16xi32>, vector<16xi32>], vector<16xi32>,
          %bitcast3A_556 = vector.bitcast %gather3A_555 : vector<16xi32> to vector<32xbf16>
          %unpack3A_557 = tpu.unpack_subelements %bitcast3A_556, 0 {pack_format = #tpu.pack_format<interleaved>} : vector<32xbf16> -> vector<16xf32>
          %unpack3A_558 = tpu.unpack_subelements %bitcast3A_556, 1 {pack_format = #tpu.pack_format<interleaved>} : vector<32xbf16> -> vector<16xf32>
          %add3A_559 = arith.constant 0 : i32
          %add3A_560 = arith.addi %mul3A_474, %add3A_559 : i32
          %add3A_561 = arith.constant 16 : i32
          %add3A_562 = arith.addi %add3A_560, %add3A_561 : i32
          %swap3A_563 = arith.index_cast %add3A_562 : i32 to index
          %swap3A_564 = tpu.vector_load %arg13[%swap3A_563] {strides = array<i32>} : memref<8192xf32, #tpu.memory_space<vmem>>, vector<16xf32>,
          tpu.vector_store %arg13[%swap3A_563], %unpack3A_557 {strides = array<i32>} : memref<8192xf32, #tpu.memory_space<vmem>>, vector<16xf32>,
          %add3A_565 = arith.constant 128 : i32
          %add3A_566 = arith.addi %mul3A_474, %add3A_565 : i32
          %add3A_567 = arith.constant 16 : i32
          %add3A_568 = arith.addi %add3A_566, %add3A_567 : i32
          %swap3A_569 = arith.index_cast %add3A_568 : i32 to index
          %swap3A_570 = tpu.vector_load %arg13[%swap3A_569] {strides = array<i32>} : memref<8192xf32, #tpu.memory_space<vmem>>, vector<16xf32>,
          tpu.vector_store %arg13[%swap3A_569], %unpack3A_558 {strides = array<i32>} : memref<8192xf32, #tpu.memory_space<vmem>>, vector<16xf32>,
          %broadcast_in_dim3A_571 = arith.constant 1 : i32
          %broadcast_in_dim3A_572 = vector.broadcast %broadcast_in_dim3A_571 : i32 to vector<16xi32>
          %gather3A_573 = tpu.vector_load_idx %arg11[%broadcast_in_dim3A_572, %get3A_552] : memref<4x1000xi32, #tpu.memory_space<vmem>>[vector<16xi32>, vector<16xi32>], vector<16xi32>,
          %bitcast3A_574 = vector.bitcast %gather3A_573 : vector<16xi32> to vector<32xbf16>
          %unpack3A_575 = tpu.unpack_subelements %bitcast3A_574, 0 {pack_format = #tpu.pack_format<interleaved>} : vector<32xbf16> -> vector<16xf32>
          %unpack3A_576 = tpu.unpack_subelements %bitcast3A_574, 1 {pack_format = #tpu.pack_format<interleaved>} : vector<32xbf16> -> vector<16xf32>
          %add3A_577 = arith.constant 256 : i32
          %add3A_578 = arith.addi %mul3A_474, %add3A_577 : i32
          %add3A_579 = arith.constant 16 : i32
          %add3A_580 = arith.addi %add3A_578, %add3A_579 : i32
          %swap3A_581 = arith.index_cast %add3A_580 : i32 to index
          %swap3A_582 = tpu.vector_load %arg13[%swap3A_581] {strides = array<i32>} : memref<8192xf32, #tpu.memory_space<vmem>>, vector<16xf32>,
          tpu.vector_store %arg13[%swap3A_581], %unpack3A_575 {strides = array<i32>} : memref<8192xf32, #tpu.memory_space<vmem>>, vector<16xf32>,
          %add3A_583 = arith.constant 384 : i32
          %add3A_584 = arith.addi %mul3A_474, %add3A_583 : i32
          %add3A_585 = arith.constant 16 : i32
          %add3A_586 = arith.addi %add3A_584, %add3A_585 : i32
          %swap3A_587 = arith.index_cast %add3A_586 : i32 to index
          %swap3A_588 = tpu.vector_load %arg13[%swap3A_587] {strides = array<i32>} : memref<8192xf32, #tpu.memory_space<vmem>>, vector<16xf32>,
          tpu.vector_store %arg13[%swap3A_587], %unpack3A_576 {strides = array<i32>} : memref<8192xf32, #tpu.memory_space<vmem>>, vector<16xf32>,
          %broadcast_in_dim3A_589 = arith.constant 2 : i32
          %broadcast_in_dim3A_590 = vector.broadcast %broadcast_in_dim3A_589 : i32 to vector<16xi32>
          %gather3A_591 = tpu.vector_load_idx %arg11[%broadcast_in_dim3A_590, %get3A_552] : memref<4x1000xi32, #tpu.memory_space<vmem>>[vector<16xi32>, vector<16xi32>], vector<16xi32>,
          %bitcast3A_592 = vector.bitcast %gather3A_591 : vector<16xi32> to vector<32xbf16>
          %unpack3A_593 = tpu.unpack_subelements %bitcast3A_592, 0 {pack_format = #tpu.pack_format<interleaved>} : vector<32xbf16> -> vector<16xf32>
          %unpack3A_594 = tpu.unpack_subelements %bitcast3A_592, 1 {pack_format = #tpu.pack_format<interleaved>} : vector<32xbf16> -> vector<16xf32>
          %add3A_595 = arith.constant 512 : i32
          %add3A_596 = arith.addi %mul3A_474, %add3A_595 : i32
          %add3A_597 = arith.constant 16 : i32
          %add3A_598 = arith.addi %add3A_596, %add3A_597 : i32
          %swap3A_599 = arith.index_cast %add3A_598 : i32 to index
          %swap3A_600 = tpu.vector_load %arg13[%swap3A_599] {strides = array<i32>} : memref<8192xf32, #tpu.memory_space<vmem>>, vector<16xf32>,
          tpu.vector_store %arg13[%swap3A_599], %unpack3A_593 {strides = array<i32>} : memref<8192xf32, #tpu.memory_space<vmem>>, vector<16xf32>,
          %add3A_601 = arith.constant 640 : i32
          %add3A_602 = arith.addi %mul3A_474, %add3A_601 : i32
          %add3A_603 = arith.constant 16 : i32
          %add3A_604 = arith.addi %add3A_602, %add3A_603 : i32
          %swap3A_605 = arith.index_cast %add3A_604 : i32 to index
          %swap3A_606 = tpu.vector_load %arg13[%swap3A_605] {strides = array<i32>} : memref<8192xf32, #tpu.memory_space<vmem>>, vector<16xf32>,
          tpu.vector_store %arg13[%swap3A_605], %unpack3A_594 {strides = array<i32>} : memref<8192xf32, #tpu.memory_space<vmem>>, vector<16xf32>,
          %broadcast_in_dim3A_607 = arith.constant 3 : i32
          %broadcast_in_dim3A_608 = vector.broadcast %broadcast_in_dim3A_607 : i32 to vector<16xi32>
          %gather3A_609 = tpu.vector_load_idx %arg11[%broadcast_in_dim3A_608, %get3A_552] : memref<4x1000xi32, #tpu.memory_space<vmem>>[vector<16xi32>, vector<16xi32>], vector<16xi32>,
          %bitcast3A_610 = vector.bitcast %gather3A_609 : vector<16xi32> to vector<32xbf16>
          %unpack3A_611 = tpu.unpack_subelements %bitcast3A_610, 0 {pack_format = #tpu.pack_format<interleaved>} : vector<32xbf16> -> vector<16xf32>
          %unpack3A_612 = tpu.unpack_subelements %bitcast3A_610, 1 {pack_format = #tpu.pack_format<interleaved>} : vector<32xbf16> -> vector<16xf32>
          %add3A_613 = arith.constant 768 : i32
          %add3A_614 = arith.addi %mul3A_474, %add3A_613 : i32
          %add3A_615 = arith.constant 16 : i32
          %add3A_616 = arith.addi %add3A_614, %add3A_615 : i32
          %swap3A_617 = arith.index_cast %add3A_616 : i32 to index
          %swap3A_618 = tpu.vector_load %arg13[%swap3A_617] {strides = array<i32>} : memref<8192xf32, #tpu.memory_space<vmem>>, vector<16xf32>,
          tpu.vector_store %arg13[%swap3A_617], %unpack3A_611 {strides = array<i32>} : memref<8192xf32, #tpu.memory_space<vmem>>, vector<16xf32>,
          %add3A_619 = arith.constant 896 : i32
          %add3A_620 = arith.addi %mul3A_474, %add3A_619 : i32
          %add3A_621 = arith.constant 16 : i32
          %add3A_622 = arith.addi %add3A_620, %add3A_621 : i32
          %swap3A_623 = arith.index_cast %add3A_622 : i32 to index
          %swap3A_624 = tpu.vector_load %arg13[%swap3A_623] {strides = array<i32>} : memref<8192xf32, #tpu.memory_space<vmem>>, vector<16xf32>,
          tpu.vector_store %arg13[%swap3A_623], %unpack3A_612 {strides = array<i32>} : memref<8192xf32, #tpu.memory_space<vmem>>, vector<16xf32>,
          %add3A_625 = arith.constant 32 : i32
          %add3A_626 = arith.addi %mul3A_472, %add3A_625 : i32
          %get3A_627 = arith.index_cast %select_n3A_445 : i32 to index
          %get3A_628 = arith.index_cast %add3A_626 : i32 to index
          %get3A_629 = tpu.vector_load %arg10[%get3A_627, %get3A_628] {strides = array<i32>} : memref<50x1024xi32, #tpu.memory_space<vmem>>, vector<16xi32>,
          %broadcast_in_dim3A_630 = arith.constant 0 : i32
          %broadcast_in_dim3A_631 = vector.broadcast %broadcast_in_dim3A_630 : i32 to vector<16xi32>
          %gather3A_632 = tpu.vector_load_idx %arg11[%broadcast_in_dim3A_631, %get3A_629] : memref<4x1000xi32, #tpu.memory_space<vmem>>[vector<16xi32>, vector<16xi32>], vector<16xi32>,
          %bitcast3A_633 = vector.bitcast %gather3A_632 : vector<16xi32> to vector<32xbf16>
          %unpack3A_634 = tpu.unpack_subelements %bitcast3A_633, 0 {pack_format = #tpu.pack_format<interleaved>} : vector<32xbf16> -> vector<16xf32>
          %unpack3A_635 = tpu.unpack_subelements %bitcast3A_633, 1 {pack_format = #tpu.pack_format<interleaved>} : vector<32xbf16> -> vector<16xf32>
          %add3A_636 = arith.constant 0 : i32
          %add3A_637 = arith.addi %mul3A_474, %add3A_636 : i32
          %add3A_638 = arith.constant 32 : i32
          %add3A_639 = arith.addi %add3A_637, %add3A_638 : i32
          %swap3A_640 = arith.index_cast %add3A_639 : i32 to index
          %swap3A_641 = tpu.vector_load %arg13[%swap3A_640] {strides = array<i32>} : memref<8192xf32, #tpu.memory_space<vmem>>, vector<16xf32>,
          tpu.vector_store %arg13[%swap3A_640], %unpack3A_634 {strides = array<i32>} : memref<8192xf32, #tpu.memory_space<vmem>>, vector<16xf32>,
          %add3A_642 = arith.constant 128 : i32
          %add3A_643 = arith.addi %mul3A_474, %add3A_642 : i32
          %add3A_644 = arith.constant 32 : i32
          %add3A_645 = arith.addi %add3A_643, %add3A_644 : i32
          %swap3A_646 = arith.index_cast %add3A_645 : i32 to index
          %swap3A_647 = tpu.vector_load %arg13[%swap3A_646] {strides = array<i32>} : memref<8192xf32, #tpu.memory_space<vmem>>, vector<16xf32>,
          tpu.vector_store %arg13[%swap3A_646], %unpack3A_635 {strides = array<i32>} : memref<8192xf32, #tpu.memory_space<vmem>>, vector<16xf32>,
          %broadcast_in_dim3A_648 = arith.constant 1 : i32
          %broadcast_in_dim3A_649 = vector.broadcast %broadcast_in_dim3A_648 : i32 to vector<16xi32>
          %gather3A_650 = tpu.vector_load_idx %arg11[%broadcast_in_dim3A_649, %get3A_629] : memref<4x1000xi32, #tpu.memory_space<vmem>>[vector<16xi32>, vector<16xi32>], vector<16xi32>,
          %bitcast3A_651 = vector.bitcast %gather3A_650 : vector<16xi32> to vector<32xbf16>
          %unpack3A_652 = tpu.unpack_subelements %bitcast3A_651, 0 {pack_format = #tpu.pack_format<interleaved>} : vector<32xbf16> -> vector<16xf32>
          %unpack3A_653 = tpu.unpack_subelements %bitcast3A_651, 1 {pack_format = #tpu.pack_format<interleaved>} : vector<32xbf16> -> vector<16xf32>
          %add3A_654 = arith.constant 256 : i32
          %add3A_655 = arith.addi %mul3A_474, %add3A_654 : i32
          %add3A_656 = arith.constant 32 : i32
          %add3A_657 = arith.addi %add3A_655, %add3A_656 : i32
          %swap3A_658 = arith.index_cast %add3A_657 : i32 to index
          %swap3A_659 = tpu.vector_load %arg13[%swap3A_658] {strides = array<i32>} : memref<8192xf32, #tpu.memory_space<vmem>>, vector<16xf32>,
          tpu.vector_store %arg13[%swap3A_658], %unpack3A_652 {strides = array<i32>} : memref<8192xf32, #tpu.memory_space<vmem>>, vector<16xf32>,
          %add3A_660 = arith.constant 384 : i32
          %add3A_661 = arith.addi %mul3A_474, %add3A_660 : i32
          %add3A_662 = arith.constant 32 : i32
          %add3A_663 = arith.addi %add3A_661, %add3A_662 : i32
          %swap3A_664 = arith.index_cast %add3A_663 : i32 to index
          %swap3A_665 = tpu.vector_load %arg13[%swap3A_664] {strides = array<i32>} : memref<8192xf32, #tpu.memory_space<vmem>>, vector<16xf32>,
          tpu.vector_store %arg13[%swap3A_664], %unpack3A_653 {strides = array<i32>} : memref<8192xf32, #tpu.memory_space<vmem>>, vector<16xf32>,
          %broadcast_in_dim3A_666 = arith.constant 2 : i32
          %broadcast_in_dim3A_667 = vector.broadcast %broadcast_in_dim3A_666 : i32 to vector<16xi32>
          %gather3A_668 = tpu.vector_load_idx %arg11[%broadcast_in_dim3A_667, %get3A_629] : memref<4x1000xi32, #tpu.memory_space<vmem>>[vector<16xi32>, vector<16xi32>], vector<16xi32>,
          %bitcast3A_669 = vector.bitcast %gather3A_668 : vector<16xi32> to vector<32xbf16>
          %unpack3A_670 = tpu.unpack_subelements %bitcast3A_669, 0 {pack_format = #tpu.pack_format<interleaved>} : vector<32xbf16> -> vector<16xf32>
          %unpack3A_671 = tpu.unpack_subelements %bitcast3A_669, 1 {pack_format = #tpu.pack_format<interleaved>} : vector<32xbf16> -> vector<16xf32>
          %add3A_672 = arith.constant 512 : i32
          %add3A_673 = arith.addi %mul3A_474, %add3A_672 : i32
          %add3A_674 = arith.constant 32 : i32
          %add3A_675 = arith.addi %add3A_673, %add3A_674 : i32
          %swap3A_676 = arith.index_cast %add3A_675 : i32 to index
          %swap3A_677 = tpu.vector_load %arg13[%swap3A_676] {strides = array<i32>} : memref<8192xf32, #tpu.memory_space<vmem>>, vector<16xf32>,
          tpu.vector_store %arg13[%swap3A_676], %unpack3A_670 {strides = array<i32>} : memref<8192xf32, #tpu.memory_space<vmem>>, vector<16xf32>,
          %add3A_678 = arith.constant 640 : i32
          %add3A_679 = arith.addi %mul3A_474, %add3A_678 : i32
          %add3A_680 = arith.constant 32 : i32
          %add3A_681 = arith.addi %add3A_679, %add3A_680 : i32
          %swap3A_682 = arith.index_cast %add3A_681 : i32 to index
          %swap3A_683 = tpu.vector_load %arg13[%swap3A_682] {strides = array<i32>} : memref<8192xf32, #tpu.memory_space<vmem>>, vector<16xf32>,
          tpu.vector_store %arg13[%swap3A_682], %unpack3A_671 {strides = array<i32>} : memref<8192xf32, #tpu.memory_space<vmem>>, vector<16xf32>,
          %broadcast_in_dim3A_684 = arith.constant 3 : i32
          %broadcast_in_dim3A_685 = vector.broadcast %broadcast_in_dim3A_684 : i32 to vector<16xi32>
          %gather3A_686 = tpu.vector_load_idx %arg11[%broadcast_in_dim3A_685, %get3A_629] : memref<4x1000xi32, #tpu.memory_space<vmem>>[vector<16xi32>, vector<16xi32>], vector<16xi32>,
          %bitcast3A_687 = vector.bitcast %gather3A_686 : vector<16xi32> to vector<32xbf16>
          %unpack3A_688 = tpu.unpack_subelements %bitcast3A_687, 0 {pack_format = #tpu.pack_format<interleaved>} : vector<32xbf16> -> vector<16xf32>
          %unpack3A_689 = tpu.unpack_subelements %bitcast3A_687, 1 {pack_format = #tpu.pack_format<interleaved>} : vector<32xbf16> -> vector<16xf32>
          %add3A_690 = arith.constant 768 : i32
          %add3A_691 = arith.addi %mul3A_474, %add3A_690 : i32
          %add3A_692 = arith.constant 32 : i32
          %add3A_693 = arith.addi %add3A_691, %add3A_692 : i32
          %swap3A_694 = arith.index_cast %add3A_693 : i32 to index
          %swap3A_695 = tpu.vector_load %arg13[%swap3A_694] {strides = array<i32>} : memref<8192xf32, #tpu.memory_space<vmem>>, vector<16xf32>,
          tpu.vector_store %arg13[%swap3A_694], %unpack3A_688 {strides = array<i32>} : memref<8192xf32, #tpu.memory_space<vmem>>, vector<16xf32>,
          %add3A_696 = arith.constant 896 : i32
          %add3A_697 = arith.addi %mul3A_474, %add3A_696 : i32
          %add3A_698 = arith.constant 32 : i32
          %add3A_699 = arith.addi %add3A_697, %add3A_698 : i32
          %swap3A_700 = arith.index_cast %add3A_699 : i32 to index
          %swap3A_701 = tpu.vector_load %arg13[%swap3A_700] {strides = array<i32>} : memref<8192xf32, #tpu.memory_space<vmem>>, vector<16xf32>,
          tpu.vector_store %arg13[%swap3A_700], %unpack3A_689 {strides = array<i32>} : memref<8192xf32, #tpu.memory_space<vmem>>, vector<16xf32>,
          %add3A_702 = arith.constant 48 : i32
          %add3A_703 = arith.addi %mul3A_472, %add3A_702 : i32
          %get3A_704 = arith.index_cast %select_n3A_445 : i32 to index
          %get3A_705 = arith.index_cast %add3A_703 : i32 to index
          %get3A_706 = tpu.vector_load %arg10[%get3A_704, %get3A_705] {strides = array<i32>} : memref<50x1024xi32, #tpu.memory_space<vmem>>, vector<16xi32>,
          %broadcast_in_dim3A_707 = arith.constant 0 : i32
          %broadcast_in_dim3A_708 = vector.broadcast %broadcast_in_dim3A_707 : i32 to vector<16xi32>
          %gather3A_709 = tpu.vector_load_idx %arg11[%broadcast_in_dim3A_708, %get3A_706] : memref<4x1000xi32, #tpu.memory_space<vmem>>[vector<16xi32>, vector<16xi32>], vector<16xi32>,
          %bitcast3A_710 = vector.bitcast %gather3A_709 : vector<16xi32> to vector<32xbf16>
          %unpack3A_711 = tpu.unpack_subelements %bitcast3A_710, 0 {pack_format = #tpu.pack_format<interleaved>} : vector<32xbf16> -> vector<16xf32>
          %unpack3A_712 = tpu.unpack_subelements %bitcast3A_710, 1 {pack_format = #tpu.pack_format<interleaved>} : vector<32xbf16> -> vector<16xf32>
          %add3A_713 = arith.constant 0 : i32
          %add3A_714 = arith.addi %mul3A_474, %add3A_713 : i32
          %add3A_715 = arith.constant 48 : i32
          %add3A_716 = arith.addi %add3A_714, %add3A_715 : i32
          %swap3A_717 = arith.index_cast %add3A_716 : i32 to index
          %swap3A_718 = tpu.vector_load %arg13[%swap3A_717] {strides = array<i32>} : memref<8192xf32, #tpu.memory_space<vmem>>, vector<16xf32>,
          tpu.vector_store %arg13[%swap3A_717], %unpack3A_711 {strides = array<i32>} : memref<8192xf32, #tpu.memory_space<vmem>>, vector<16xf32>,
          %add3A_719 = arith.constant 128 : i32
          %add3A_720 = arith.addi %mul3A_474, %add3A_719 : i32
          %add3A_721 = arith.constant 48 : i32
          %add3A_722 = arith.addi %add3A_720, %add3A_721 : i32
          %swap3A_723 = arith.index_cast %add3A_722 : i32 to index
          %swap3A_724 = tpu.vector_load %arg13[%swap3A_723] {strides = array<i32>} : memref<8192xf32, #tpu.memory_space<vmem>>, vector<16xf32>,
          tpu.vector_store %arg13[%swap3A_723], %unpack3A_712 {strides = array<i32>} : memref<8192xf32, #tpu.memory_space<vmem>>, vector<16xf32>,
          %broadcast_in_dim3A_725 = arith.constant 1 : i32
          %broadcast_in_dim3A_726 = vector.broadcast %broadcast_in_dim3A_725 : i32 to vector<16xi32>
          %gather3A_727 = tpu.vector_load_idx %arg11[%broadcast_in_dim3A_726, %get3A_706] : memref<4x1000xi32, #tpu.memory_space<vmem>>[vector<16xi32>, vector<16xi32>], vector<16xi32>,
          %bitcast3A_728 = vector.bitcast %gather3A_727 : vector<16xi32> to vector<32xbf16>
          %unpack3A_729 = tpu.unpack_subelements %bitcast3A_728, 0 {pack_format = #tpu.pack_format<interleaved>} : vector<32xbf16> -> vector<16xf32>
          %unpack3A_730 = tpu.unpack_subelements %bitcast3A_728, 1 {pack_format = #tpu.pack_format<interleaved>} : vector<32xbf16> -> vector<16xf32>
          %add3A_731 = arith.constant 256 : i32
          %add3A_732 = arith.addi %mul3A_474, %add3A_731 : i32
          %add3A_733 = arith.constant 48 : i32
          %add3A_734 = arith.addi %add3A_732, %add3A_733 : i32
          %swap3A_735 = arith.index_cast %add3A_734 : i32 to index
          %swap3A_736 = tpu.vector_load %arg13[%swap3A_735] {strides = array<i32>} : memref<8192xf32, #tpu.memory_space<vmem>>, vector<16xf32>,
          tpu.vector_store %arg13[%swap3A_735], %unpack3A_729 {strides = array<i32>} : memref<8192xf32, #tpu.memory_space<vmem>>, vector<16xf32>,
          %add3A_737 = arith.constant 384 : i32
          %add3A_738 = arith.addi %mul3A_474, %add3A_737 : i32
          %add3A_739 = arith.constant 48 : i32
          %add3A_740 = arith.addi %add3A_738, %add3A_739 : i32
          %swap3A_741 = arith.index_cast %add3A_740 : i32 to index
          %swap3A_742 = tpu.vector_load %arg13[%swap3A_741] {strides = array<i32>} : memref<8192xf32, #tpu.memory_space<vmem>>, vector<16xf32>,
          tpu.vector_store %arg13[%swap3A_741], %unpack3A_730 {strides = array<i32>} : memref<8192xf32, #tpu.memory_space<vmem>>, vector<16xf32>,
          %broadcast_in_dim3A_743 = arith.constant 2 : i32
          %broadcast_in_dim3A_744 = vector.broadcast %broadcast_in_dim3A_743 : i32 to vector<16xi32>
          %gather3A_745 = tpu.vector_load_idx %arg11[%broadcast_in_dim3A_744, %get3A_706] : memref<4x1000xi32, #tpu.memory_space<vmem>>[vector<16xi32>, vector<16xi32>], vector<16xi32>,
          %bitcast3A_746 = vector.bitcast %gather3A_745 : vector<16xi32> to vector<32xbf16>
          %unpack3A_747 = tpu.unpack_subelements %bitcast3A_746, 0 {pack_format = #tpu.pack_format<interleaved>} : vector<32xbf16> -> vector<16xf32>
          %unpack3A_748 = tpu.unpack_subelements %bitcast3A_746, 1 {pack_format = #tpu.pack_format<interleaved>} : vector<32xbf16> -> vector<16xf32>
          %add3A_749 = arith.constant 512 : i32
          %add3A_750 = arith.addi %mul3A_474, %add3A_749 : i32
          %add3A_751 = arith.constant 48 : i32
          %add3A_752 = arith.addi %add3A_750, %add3A_751 : i32
          %swap3A_753 = arith.index_cast %add3A_752 : i32 to index
          %swap3A_754 = tpu.vector_load %arg13[%swap3A_753] {strides = array<i32>} : memref<8192xf32, #tpu.memory_space<vmem>>, vector<16xf32>,
          tpu.vector_store %arg13[%swap3A_753], %unpack3A_747 {strides = array<i32>} : memref<8192xf32, #tpu.memory_space<vmem>>, vector<16xf32>,
          %add3A_755 = arith.constant 640 : i32
          %add3A_756 = arith.addi %mul3A_474, %add3A_755 : i32
          %add3A_757 = arith.constant 48 : i32
          %add3A_758 = arith.addi %add3A_756, %add3A_757 : i32
          %swap3A_759 = arith.index_cast %add3A_758 : i32 to index
          %swap3A_760 = tpu.vector_load %arg13[%swap3A_759] {strides = array<i32>} : memref<8192xf32, #tpu.memory_space<vmem>>, vector<16xf32>,
          tpu.vector_store %arg13[%swap3A_759], %unpack3A_748 {strides = array<i32>} : memref<8192xf32, #tpu.memory_space<vmem>>, vector<16xf32>,
          %broadcast_in_dim3A_761 = arith.constant 3 : i32
          %broadcast_in_dim3A_762 = vector.broadcast %broadcast_in_dim3A_761 : i32 to vector<16xi32>
          %gather3A_763 = tpu.vector_load_idx %arg11[%broadcast_in_dim3A_762, %get3A_706] : memref<4x1000xi32, #tpu.memory_space<vmem>>[vector<16xi32>, vector<16xi32>], vector<16xi32>,
          %bitcast3A_764 = vector.bitcast %gather3A_763 : vector<16xi32> to vector<32xbf16>
          %unpack3A_765 = tpu.unpack_subelements %bitcast3A_764, 0 {pack_format = #tpu.pack_format<interleaved>} : vector<32xbf16> -> vector<16xf32>
          %unpack3A_766 = tpu.unpack_subelements %bitcast3A_764, 1 {pack_format = #tpu.pack_format<interleaved>} : vector<32xbf16> -> vector<16xf32>
          %add3A_767 = arith.constant 768 : i32
          %add3A_768 = arith.addi %mul3A_474, %add3A_767 : i32
          %add3A_769 = arith.constant 48 : i32
          %add3A_770 = arith.addi %add3A_768, %add3A_769 : i32
          %swap3A_771 = arith.index_cast %add3A_770 : i32 to index
          %swap3A_772 = tpu.vector_load %arg13[%swap3A_771] {strides = array<i32>} : memref<8192xf32, #tpu.memory_space<vmem>>, vector<16xf32>,
          tpu.vector_store %arg13[%swap3A_771], %unpack3A_765 {strides = array<i32>} : memref<8192xf32, #tpu.memory_space<vmem>>, vector<16xf32>,
          %add3A_773 = arith.constant 896 : i32
          %add3A_774 = arith.addi %mul3A_474, %add3A_773 : i32
          %add3A_775 = arith.constant 48 : i32
          %add3A_776 = arith.addi %add3A_774, %add3A_775 : i32
          %swap3A_777 = arith.index_cast %add3A_776 : i32 to index
          %swap3A_778 = tpu.vector_load %arg13[%swap3A_777] {strides = array<i32>} : memref<8192xf32, #tpu.memory_space<vmem>>, vector<16xf32>,
          tpu.vector_store %arg13[%swap3A_777], %unpack3A_766 {strides = array<i32>} : memref<8192xf32, #tpu.memory_space<vmem>>, vector<16xf32>,
          %add3A_779 = arith.constant 64 : i32
          %add3A_780 = arith.addi %mul3A_472, %add3A_779 : i32
          %get3A_781 = arith.index_cast %select_n3A_445 : i32 to index
          %get3A_782 = arith.index_cast %add3A_780 : i32 to index
          %get3A_783 = tpu.vector_load %arg10[%get3A_781, %get3A_782] {strides = array<i32>} : memref<50x1024xi32, #tpu.memory_space<vmem>>, vector<16xi32>,
          %broadcast_in_dim3A_784 = arith.constant 0 : i32
          %broadcast_in_dim3A_785 = vector.broadcast %broadcast_in_dim3A_784 : i32 to vector<16xi32>
          %gather3A_786 = tpu.vector_load_idx %arg11[%broadcast_in_dim3A_785, %get3A_783] : memref<4x1000xi32, #tpu.memory_space<vmem>>[vector<16xi32>, vector<16xi32>], vector<16xi32>,
          %bitcast3A_787 = vector.bitcast %gather3A_786 : vector<16xi32> to vector<32xbf16>
          %unpack3A_788 = tpu.unpack_subelements %bitcast3A_787, 0 {pack_format = #tpu.pack_format<interleaved>} : vector<32xbf16> -> vector<16xf32>
          %unpack3A_789 = tpu.unpack_subelements %bitcast3A_787, 1 {pack_format = #tpu.pack_format<interleaved>} : vector<32xbf16> -> vector<16xf32>
          %add3A_790 = arith.constant 0 : i32
          %add3A_791 = arith.addi %mul3A_474, %add3A_790 : i32
          %add3A_792 = arith.constant 64 : i32
          %add3A_793 = arith.addi %add3A_791, %add3A_792 : i32
          %swap3A_794 = arith.index_cast %add3A_793 : i32 to index
          %swap3A_795 = tpu.vector_load %arg13[%swap3A_794] {strides = array<i32>} : memref<8192xf32, #tpu.memory_space<vmem>>, vector<16xf32>,
          tpu.vector_store %arg13[%swap3A_794], %unpack3A_788 {strides = array<i32>} : memref<8192xf32, #tpu.memory_space<vmem>>, vector<16xf32>,
          %add3A_796 = arith.constant 128 : i32
          %add3A_797 = arith.addi %mul3A_474, %add3A_796 : i32
          %add3A_798 = arith.constant 64 : i32
          %add3A_799 = arith.addi %add3A_797, %add3A_798 : i32
          %swap3A_800 = arith.index_cast %add3A_799 : i32 to index
          %swap3A_801 = tpu.vector_load %arg13[%swap3A_800] {strides = array<i32>} : memref<8192xf32, #tpu.memory_space<vmem>>, vector<16xf32>,
          tpu.vector_store %arg13[%swap3A_800], %unpack3A_789 {strides = array<i32>} : memref<8192xf32, #tpu.memory_space<vmem>>, vector<16xf32>,
          %broadcast_in_dim3A_802 = arith.constant 1 : i32
          %broadcast_in_dim3A_803 = vector.broadcast %broadcast_in_dim3A_802 : i32 to vector<16xi32>
          %gather3A_804 = tpu.vector_load_idx %arg11[%broadcast_in_dim3A_803, %get3A_783] : memref<4x1000xi32, #tpu.memory_space<vmem>>[vector<16xi32>, vector<16xi32>], vector<16xi32>,
          %bitcast3A_805 = vector.bitcast %gather3A_804 : vector<16xi32> to vector<32xbf16>
          %unpack3A_806 = tpu.unpack_subelements %bitcast3A_805, 0 {pack_format = #tpu.pack_format<interleaved>} : vector<32xbf16> -> vector<16xf32>
          %unpack3A_807 = tpu.unpack_subelements %bitcast3A_805, 1 {pack_format = #tpu.pack_format<interleaved>} : vector<32xbf16> -> vector<16xf32>
          %add3A_808 = arith.constant 256 : i32
          %add3A_809 = arith.addi %mul3A_474, %add3A_808 : i32
          %add3A_810 = arith.constant 64 : i32
          %add3A_811 = arith.addi %add3A_809, %add3A_810 : i32
          %swap3A_812 = arith.index_cast %add3A_811 : i32 to index
          %swap3A_813 = tpu.vector_load %arg13[%swap3A_812] {strides = array<i32>} : memref<8192xf32, #tpu.memory_space<vmem>>, vector<16xf32>,
          tpu.vector_store %arg13[%swap3A_812], %unpack3A_806 {strides = array<i32>} : memref<8192xf32, #tpu.memory_space<vmem>>, vector<16xf32>,
          %add3A_814 = arith.constant 384 : i32
          %add3A_815 = arith.addi %mul3A_474, %add3A_814 : i32
          %add3A_816 = arith.constant 64 : i32
          %add3A_817 = arith.addi %add3A_815, %add3A_816 : i32
          %swap3A_818 = arith.index_cast %add3A_817 : i32 to index
          %swap3A_819 = tpu.vector_load %arg13[%swap3A_818] {strides = array<i32>} : memref<8192xf32, #tpu.memory_space<vmem>>, vector<16xf32>,
          tpu.vector_store %arg13[%swap3A_818], %unpack3A_807 {strides = array<i32>} : memref<8192xf32, #tpu.memory_space<vmem>>, vector<16xf32>,
          %broadcast_in_dim3A_820 = arith.constant 2 : i32
          %broadcast_in_dim3A_821 = vector.broadcast %broadcast_in_dim3A_820 : i32 to vector<16xi32>
          %gather3A_822 = tpu.vector_load_idx %arg11[%broadcast_in_dim3A_821, %get3A_783] : memref<4x1000xi32, #tpu.memory_space<vmem>>[vector<16xi32>, vector<16xi32>], vector<16xi32>,
          %bitcast3A_823 = vector.bitcast %gather3A_822 : vector<16xi32> to vector<32xbf16>
          %unpack3A_824 = tpu.unpack_subelements %bitcast3A_823, 0 {pack_format = #tpu.pack_format<interleaved>} : vector<32xbf16> -> vector<16xf32>
          %unpack3A_825 = tpu.unpack_subelements %bitcast3A_823, 1 {pack_format = #tpu.pack_format<interleaved>} : vector<32xbf16> -> vector<16xf32>
          %add3A_826 = arith.constant 512 : i32
          %add3A_827 = arith.addi %mul3A_474, %add3A_826 : i32
          %add3A_828 = arith.constant 64 : i32
          %add3A_829 = arith.addi %add3A_827, %add3A_828 : i32
          %swap3A_830 = arith.index_cast %add3A_829 : i32 to index
          %swap3A_831 = tpu.vector_load %arg13[%swap3A_830] {strides = array<i32>} : memref<8192xf32, #tpu.memory_space<vmem>>, vector<16xf32>,
          tpu.vector_store %arg13[%swap3A_830], %unpack3A_824 {strides = array<i32>} : memref<8192xf32, #tpu.memory_space<vmem>>, vector<16xf32>,
          %add3A_832 = arith.constant 640 : i32
          %add3A_833 = arith.addi %mul3A_474, %add3A_832 : i32
          %add3A_834 = arith.constant 64 : i32
          %add3A_835 = arith.addi %add3A_833, %add3A_834 : i32
          %swap3A_836 = arith.index_cast %add3A_835 : i32 to index
          %swap3A_837 = tpu.vector_load %arg13[%swap3A_836] {strides = array<i32>} : memref<8192xf32, #tpu.memory_space<vmem>>, vector<16xf32>,
          tpu.vector_store %arg13[%swap3A_836], %unpack3A_825 {strides = array<i32>} : memref<8192xf32, #tpu.memory_space<vmem>>, vector<16xf32>,
          %broadcast_in_dim3A_838 = arith.constant 3 : i32
          %broadcast_in_dim3A_839 = vector.broadcast %broadcast_in_dim3A_838 : i32 to vector<16xi32>
          %gather3A_840 = tpu.vector_load_idx %arg11[%broadcast_in_dim3A_839, %get3A_783] : memref<4x1000xi32, #tpu.memory_space<vmem>>[vector<16xi32>, vector<16xi32>], vector<16xi32>,
          %bitcast3A_841 = vector.bitcast %gather3A_840 : vector<16xi32> to vector<32xbf16>
          %unpack3A_842 = tpu.unpack_subelements %bitcast3A_841, 0 {pack_format = #tpu.pack_format<interleaved>} : vector<32xbf16> -> vector<16xf32>
          %unpack3A_843 = tpu.unpack_subelements %bitcast3A_841, 1 {pack_format = #tpu.pack_format<interleaved>} : vector<32xbf16> -> vector<16xf32>
          %add3A_844 = arith.constant 768 : i32
          %add3A_845 = arith.addi %mul3A_474, %add3A_844 : i32
          %add3A_846 = arith.constant 64 : i32
          %add3A_847 = arith.addi %add3A_845, %add3A_846 : i32
          %swap3A_848 = arith.index_cast %add3A_847 : i32 to index
          %swap3A_849 = tpu.vector_load %arg13[%swap3A_848] {strides = array<i32>} : memref<8192xf32, #tpu.memory_space<vmem>>, vector<16xf32>,
          tpu.vector_store %arg13[%swap3A_848], %unpack3A_842 {strides = array<i32>} : memref<8192xf32, #tpu.memory_space<vmem>>, vector<16xf32>,
          %add3A_850 = arith.constant 896 : i32
          %add3A_851 = arith.addi %mul3A_474, %add3A_850 : i32
          %add3A_852 = arith.constant 64 : i32
          %add3A_853 = arith.addi %add3A_851, %add3A_852 : i32
          %swap3A_854 = arith.index_cast %add3A_853 : i32 to index
          %swap3A_855 = tpu.vector_load %arg13[%swap3A_854] {strides = array<i32>} : memref<8192xf32, #tpu.memory_space<vmem>>, vector<16xf32>,
          tpu.vector_store %arg13[%swap3A_854], %unpack3A_843 {strides = array<i32>} : memref<8192xf32, #tpu.memory_space<vmem>>, vector<16xf32>,
          %add3A_856 = arith.constant 80 : i32
          %add3A_857 = arith.addi %mul3A_472, %add3A_856 : i32
          %get3A_858 = arith.index_cast %select_n3A_445 : i32 to index
          %get3A_859 = arith.index_cast %add3A_857 : i32 to index
          %get3A_860 = tpu.vector_load %arg10[%get3A_858, %get3A_859] {strides = array<i32>} : memref<50x1024xi32, #tpu.memory_space<vmem>>, vector<16xi32>,
          %broadcast_in_dim3A_861 = arith.constant 0 : i32
          %broadcast_in_dim3A_862 = vector.broadcast %broadcast_in_dim3A_861 : i32 to vector<16xi32>
          %gather3A_863 = tpu.vector_load_idx %arg11[%broadcast_in_dim3A_862, %get3A_860] : memref<4x1000xi32, #tpu.memory_space<vmem>>[vector<16xi32>, vector<16xi32>], vector<16xi32>,
          %bitcast3A_864 = vector.bitcast %gather3A_863 : vector<16xi32> to vector<32xbf16>
          %unpack3A_865 = tpu.unpack_subelements %bitcast3A_864, 0 {pack_format = #tpu.pack_format<interleaved>} : vector<32xbf16> -> vector<16xf32>
          %unpack3A_866 = tpu.unpack_subelements %bitcast3A_864, 1 {pack_format = #tpu.pack_format<interleaved>} : vector<32xbf16> -> vector<16xf32>
          %add3A_867 = arith.constant 0 : i32
          %add3A_868 = arith.addi %mul3A_474, %add3A_867 : i32
          %add3A_869 = arith.constant 80 : i32
          %add3A_870 = arith.addi %add3A_868, %add3A_869 : i32
          %swap3A_871 = arith.index_cast %add3A_870 : i32 to index
          %swap3A_872 = tpu.vector_load %arg13[%swap3A_871] {strides = array<i32>} : memref<8192xf32, #tpu.memory_space<vmem>>, vector<16xf32>,
          tpu.vector_store %arg13[%swap3A_871], %unpack3A_865 {strides = array<i32>} : memref<8192xf32, #tpu.memory_space<vmem>>, vector<16xf32>,
          %add3A_873 = arith.constant 128 : i32
          %add3A_874 = arith.addi %mul3A_474, %add3A_873 : i32
          %add3A_875 = arith.constant 80 : i32
          %add3A_876 = arith.addi %add3A_874, %add3A_875 : i32
          %swap3A_877 = arith.index_cast %add3A_876 : i32 to index
          %swap3A_878 = tpu.vector_load %arg13[%swap3A_877] {strides = array<i32>} : memref<8192xf32, #tpu.memory_space<vmem>>, vector<16xf32>,
          tpu.vector_store %arg13[%swap3A_877], %unpack3A_866 {strides = array<i32>} : memref<8192xf32, #tpu.memory_space<vmem>>, vector<16xf32>,
          %broadcast_in_dim3A_879 = arith.constant 1 : i32
          %broadcast_in_dim3A_880 = vector.broadcast %broadcast_in_dim3A_879 : i32 to vector<16xi32>
          %gather3A_881 = tpu.vector_load_idx %arg11[%broadcast_in_dim3A_880, %get3A_860] : memref<4x1000xi32, #tpu.memory_space<vmem>>[vector<16xi32>, vector<16xi32>], vector<16xi32>,
          %bitcast3A_882 = vector.bitcast %gather3A_881 : vector<16xi32> to vector<32xbf16>
          %unpack3A_883 = tpu.unpack_subelements %bitcast3A_882, 0 {pack_format = #tpu.pack_format<interleaved>} : vector<32xbf16> -> vector<16xf32>
          %unpack3A_884 = tpu.unpack_subelements %bitcast3A_882, 1 {pack_format = #tpu.pack_format<interleaved>} : vector<32xbf16> -> vector<16xf32>
          %add3A_885 = arith.constant 256 : i32
          %add3A_886 = arith.addi %mul3A_474, %add3A_885 : i32
          %add3A_887 = arith.constant 80 : i32
          %add3A_888 = arith.addi %add3A_886, %add3A_887 : i32
          %swap3A_889 = arith.index_cast %add3A_888 : i32 to index
          %swap3A_890 = tpu.vector_load %arg13[%swap3A_889] {strides = array<i32>} : memref<8192xf32, #tpu.memory_space<vmem>>, vector<16xf32>,
          tpu.vector_store %arg13[%swap3A_889], %unpack3A_883 {strides = array<i32>} : memref<8192xf32, #tpu.memory_space<vmem>>, vector<16xf32>,
          %add3A_891 = arith.constant 384 : i32
          %add3A_892 = arith.addi %mul3A_474, %add3A_891 : i32
          %add3A_893 = arith.constant 80 : i32
          %add3A_894 = arith.addi %add3A_892, %add3A_893 : i32
          %swap3A_895 = arith.index_cast %add3A_894 : i32 to index
          %swap3A_896 = tpu.vector_load %arg13[%swap3A_895] {strides = array<i32>} : memref<8192xf32, #tpu.memory_space<vmem>>, vector<16xf32>,
          tpu.vector_store %arg13[%swap3A_895], %unpack3A_884 {strides = array<i32>} : memref<8192xf32, #tpu.memory_space<vmem>>, vector<16xf32>,
          %broadcast_in_dim3A_897 = arith.constant 2 : i32
          %broadcast_in_dim3A_898 = vector.broadcast %broadcast_in_dim3A_897 : i32 to vector<16xi32>
          %gather3A_899 = tpu.vector_load_idx %arg11[%broadcast_in_dim3A_898, %get3A_860] : memref<4x1000xi32, #tpu.memory_space<vmem>>[vector<16xi32>, vector<16xi32>], vector<16xi32>,
          %bitcast3A_900 = vector.bitcast %gather3A_899 : vector<16xi32> to vector<32xbf16>
          %unpack3A_901 = tpu.unpack_subelements %bitcast3A_900, 0 {pack_format = #tpu.pack_format<interleaved>} : vector<32xbf16> -> vector<16xf32>
          %unpack3A_902 = tpu.unpack_subelements %bitcast3A_900, 1 {pack_format = #tpu.pack_format<interleaved>} : vector<32xbf16> -> vector<16xf32>
          %add3A_903 = arith.constant 512 : i32
          %add3A_904 = arith.addi %mul3A_474, %add3A_903 : i32
          %add3A_905 = arith.constant 80 : i32
          %add3A_906 = arith.addi %add3A_904, %add3A_905 : i32
          %swap3A_907 = arith.index_cast %add3A_906 : i32 to index
          %swap3A_908 = tpu.vector_load %arg13[%swap3A_907] {strides = array<i32>} : memref<8192xf32, #tpu.memory_space<vmem>>, vector<16xf32>,
          tpu.vector_store %arg13[%swap3A_907], %unpack3A_901 {strides = array<i32>} : memref<8192xf32, #tpu.memory_space<vmem>>, vector<16xf32>,
          %add3A_909 = arith.constant 640 : i32
          %add3A_910 = arith.addi %mul3A_474, %add3A_909 : i32
          %add3A_911 = arith.constant 80 : i32
          %add3A_912 = arith.addi %add3A_910, %add3A_911 : i32
          %swap3A_913 = arith.index_cast %add3A_912 : i32 to index
          %swap3A_914 = tpu.vector_load %arg13[%swap3A_913] {strides = array<i32>} : memref<8192xf32, #tpu.memory_space<vmem>>, vector<16xf32>,
          tpu.vector_store %arg13[%swap3A_913], %unpack3A_902 {strides = array<i32>} : memref<8192xf32, #tpu.memory_space<vmem>>, vector<16xf32>,
          %broadcast_in_dim3A_915 = arith.constant 3 : i32
          %broadcast_in_dim3A_916 = vector.broadcast %broadcast_in_dim3A_915 : i32 to vector<16xi32>
          %gather3A_917 = tpu.vector_load_idx %arg11[%broadcast_in_dim3A_916, %get3A_860] : memref<4x1000xi32, #tpu.memory_space<vmem>>[vector<16xi32>, vector<16xi32>], vector<16xi32>,
          %bitcast3A_918 = vector.bitcast %gather3A_917 : vector<16xi32> to vector<32xbf16>
          %unpack3A_919 = tpu.unpack_subelements %bitcast3A_918, 0 {pack_format = #tpu.pack_format<interleaved>} : vector<32xbf16> -> vector<16xf32>
          %unpack3A_920 = tpu.unpack_subelements %bitcast3A_918, 1 {pack_format = #tpu.pack_format<interleaved>} : vector<32xbf16> -> vector<16xf32>
          %add3A_921 = arith.constant 768 : i32
          %add3A_922 = arith.addi %mul3A_474, %add3A_921 : i32
          %add3A_923 = arith.constant 80 : i32
          %add3A_924 = arith.addi %add3A_922, %add3A_923 : i32
          %swap3A_925 = arith.index_cast %add3A_924 : i32 to index
          %swap3A_926 = tpu.vector_load %arg13[%swap3A_925] {strides = array<i32>} : memref<8192xf32, #tpu.memory_space<vmem>>, vector<16xf32>,
          tpu.vector_store %arg13[%swap3A_925], %unpack3A_919 {strides = array<i32>} : memref<8192xf32, #tpu.memory_space<vmem>>, vector<16xf32>,
          %add3A_927 = arith.constant 896 : i32
          %add3A_928 = arith.addi %mul3A_474, %add3A_927 : i32
          %add3A_929 = arith.constant 80 : i32
          %add3A_930 = arith.addi %add3A_928, %add3A_929 : i32
          %swap3A_931 = arith.index_cast %add3A_930 : i32 to index
          %swap3A_932 = tpu.vector_load %arg13[%swap3A_931] {strides = array<i32>} : memref<8192xf32, #tpu.memory_space<vmem>>, vector<16xf32>,
          tpu.vector_store %arg13[%swap3A_931], %unpack3A_920 {strides = array<i32>} : memref<8192xf32, #tpu.memory_space<vmem>>, vector<16xf32>,
          %add3A_933 = arith.constant 96 : i32
          %add3A_934 = arith.addi %mul3A_472, %add3A_933 : i32
          %get3A_935 = arith.index_cast %select_n3A_445 : i32 to index
          %get3A_936 = arith.index_cast %add3A_934 : i32 to index
          %get3A_937 = tpu.vector_load %arg10[%get3A_935, %get3A_936] {strides = array<i32>} : memref<50x1024xi32, #tpu.memory_space<vmem>>, vector<16xi32>,
          %broadcast_in_dim3A_938 = arith.constant 0 : i32
          %broadcast_in_dim3A_939 = vector.broadcast %broadcast_in_dim3A_938 : i32 to vector<16xi32>
          %gather3A_940 = tpu.vector_load_idx %arg11[%broadcast_in_dim3A_939, %get3A_937] : memref<4x1000xi32, #tpu.memory_space<vmem>>[vector<16xi32>, vector<16xi32>], vector<16xi32>,
          %bitcast3A_941 = vector.bitcast %gather3A_940 : vector<16xi32> to vector<32xbf16>
          %unpack3A_942 = tpu.unpack_subelements %bitcast3A_941, 0 {pack_format = #tpu.pack_format<interleaved>} : vector<32xbf16> -> vector<16xf32>
          %unpack3A_943 = tpu.unpack_subelements %bitcast3A_941, 1 {pack_format = #tpu.pack_format<interleaved>} : vector<32xbf16> -> vector<16xf32>
          %add3A_944 = arith.constant 0 : i32
          %add3A_945 = arith.addi %mul3A_474, %add3A_944 : i32
          %add3A_946 = arith.constant 96 : i32
          %add3A_947 = arith.addi %add3A_945, %add3A_946 : i32
          %swap3A_948 = arith.index_cast %add3A_947 : i32 to index
          %swap3A_949 = tpu.vector_load %arg13[%swap3A_948] {strides = array<i32>} : memref<8192xf32, #tpu.memory_space<vmem>>, vector<16xf32>,
          tpu.vector_store %arg13[%swap3A_948], %unpack3A_942 {strides = array<i32>} : memref<8192xf32, #tpu.memory_space<vmem>>, vector<16xf32>,
          %add3A_950 = arith.constant 128 : i32
          %add3A_951 = arith.addi %mul3A_474, %add3A_950 : i32
          %add3A_952 = arith.constant 96 : i32
          %add3A_953 = arith.addi %add3A_951, %add3A_952 : i32
          %swap3A_954 = arith.index_cast %add3A_953 : i32 to index
          %swap3A_955 = tpu.vector_load %arg13[%swap3A_954] {strides = array<i32>} : memref<8192xf32, #tpu.memory_space<vmem>>, vector<16xf32>,
          tpu.vector_store %arg13[%swap3A_954], %unpack3A_943 {strides = array<i32>} : memref<8192xf32, #tpu.memory_space<vmem>>, vector<16xf32>,
          %broadcast_in_dim3A_956 = arith.constant 1 : i32
          %broadcast_in_dim3A_957 = vector.broadcast %broadcast_in_dim3A_956 : i32 to vector<16xi32>
          %gather3A_958 = tpu.vector_load_idx %arg11[%broadcast_in_dim3A_957, %get3A_937] : memref<4x1000xi32, #tpu.memory_space<vmem>>[vector<16xi32>, vector<16xi32>], vector<16xi32>,
          %bitcast3A_959 = vector.bitcast %gather3A_958 : vector<16xi32> to vector<32xbf16>
          %unpack3A_960 = tpu.unpack_subelements %bitcast3A_959, 0 {pack_format = #tpu.pack_format<interleaved>} : vector<32xbf16> -> vector<16xf32>
          %unpack3A_961 = tpu.unpack_subelements %bitcast3A_959, 1 {pack_format = #tpu.pack_format<interleaved>} : vector<32xbf16> -> vector<16xf32>
          %add3A_962 = arith.constant 256 : i32
          %add3A_963 = arith.addi %mul3A_474, %add3A_962 : i32
          %add3A_964 = arith.constant 96 : i32
          %add3A_965 = arith.addi %add3A_963, %add3A_964 : i32
          %swap3A_966 = arith.index_cast %add3A_965 : i32 to index
          %swap3A_967 = tpu.vector_load %arg13[%swap3A_966] {strides = array<i32>} : memref<8192xf32, #tpu.memory_space<vmem>>, vector<16xf32>,
          tpu.vector_store %arg13[%swap3A_966], %unpack3A_960 {strides = array<i32>} : memref<8192xf32, #tpu.memory_space<vmem>>, vector<16xf32>,
          %add3A_968 = arith.constant 384 : i32
          %add3A_969 = arith.addi %mul3A_474, %add3A_968 : i32
          %add3A_970 = arith.constant 96 : i32
          %add3A_971 = arith.addi %add3A_969, %add3A_970 : i32
          %swap3A_972 = arith.index_cast %add3A_971 : i32 to index
          %swap3A_973 = tpu.vector_load %arg13[%swap3A_972] {strides = array<i32>} : memref<8192xf32, #tpu.memory_space<vmem>>, vector<16xf32>,
          tpu.vector_store %arg13[%swap3A_972], %unpack3A_961 {strides = array<i32>} : memref<8192xf32, #tpu.memory_space<vmem>>, vector<16xf32>,
          %broadcast_in_dim3A_974 = arith.constant 2 : i32
          %broadcast_in_dim3A_975 = vector.broadcast %broadcast_in_dim3A_974 : i32 to vector<16xi32>
          %gather3A_976 = tpu.vector_load_idx %arg11[%broadcast_in_dim3A_975, %get3A_937] : memref<4x1000xi32, #tpu.memory_space<vmem>>[vector<16xi32>, vector<16xi32>], vector<16xi32>,
          %bitcast3A_977 = vector.bitcast %gather3A_976 : vector<16xi32> to vector<32xbf16>
          %unpack3A_978 = tpu.unpack_subelements %bitcast3A_977, 0 {pack_format = #tpu.pack_format<interleaved>} : vector<32xbf16> -> vector<16xf32>
          %unpack3A_979 = tpu.unpack_subelements %bitcast3A_977, 1 {pack_format = #tpu.pack_format<interleaved>} : vector<32xbf16> -> vector<16xf32>
          %add3A_980 = arith.constant 512 : i32
          %add3A_981 = arith.addi %mul3A_474, %add3A_980 : i32
          %add3A_982 = arith.constant 96 : i32
          %add3A_983 = arith.addi %add3A_981, %add3A_982 : i32
          %swap3A_984 = arith.index_cast %add3A_983 : i32 to index
          %swap3A_985 = tpu.vector_load %arg13[%swap3A_984] {strides = array<i32>} : memref<8192xf32, #tpu.memory_space<vmem>>, vector<16xf32>,
          tpu.vector_store %arg13[%swap3A_984], %unpack3A_978 {strides = array<i32>} : memref<8192xf32, #tpu.memory_space<vmem>>, vector<16xf32>,
          %add3A_986 = arith.constant 640 : i32
          %add3A_987 = arith.addi %mul3A_474, %add3A_986 : i32
          %add3A_988 = arith.constant 96 : i32
          %add3A_989 = arith.addi %add3A_987, %add3A_988 : i32
          %swap3A_990 = arith.index_cast %add3A_989 : i32 to index
          %swap3A_991 = tpu.vector_load %arg13[%swap3A_990] {strides = array<i32>} : memref<8192xf32, #tpu.memory_space<vmem>>, vector<16xf32>,
          tpu.vector_store %arg13[%swap3A_990], %unpack3A_979 {strides = array<i32>} : memref<8192xf32, #tpu.memory_space<vmem>>, vector<16xf32>,
          %broadcast_in_dim3A_992 = arith.constant 3 : i32
          %broadcast_in_dim3A_993 = vector.broadcast %broadcast_in_dim3A_992 : i32 to vector<16xi32>
          %gather3A_994 = tpu.vector_load_idx %arg11[%broadcast_in_dim3A_993, %get3A_937] : memref<4x1000xi32, #tpu.memory_space<vmem>>[vector<16xi32>, vector<16xi32>], vector<16xi32>,
          %bitcast3A_995 = vector.bitcast %gather3A_994 : vector<16xi32> to vector<32xbf16>
          %unpack3A_996 = tpu.unpack_subelements %bitcast3A_995, 0 {pack_format = #tpu.pack_format<interleaved>} : vector<32xbf16> -> vector<16xf32>
          %unpack3A_997 = tpu.unpack_subelements %bitcast3A_995, 1 {pack_format = #tpu.pack_format<interleaved>} : vector<32xbf16> -> vector<16xf32>
          %add3A_998 = arith.constant 768 : i32
          %add3A_999 = arith.addi %mul3A_474, %add3A_998 : i32
          %add3A_1000 = arith.constant 96 : i32
          %add3A_1001 = arith.addi %add3A_999, %add3A_1000 : i32
          %swap3A_1002 = arith.index_cast %add3A_1001 : i32 to index
          %swap3A_1003 = tpu.vector_load %arg13[%swap3A_1002] {strides = array<i32>} : memref<8192xf32, #tpu.memory_space<vmem>>, vector<16xf32>,
          tpu.vector_store %arg13[%swap3A_1002], %unpack3A_996 {strides = array<i32>} : memref<8192xf32, #tpu.memory_space<vmem>>, vector<16xf32>,
          %add3A_1004 = arith.constant 896 : i32
          %add3A_1005 = arith.addi %mul3A_474, %add3A_1004 : i32
          %add3A_1006 = arith.constant 96 : i32
          %add3A_1007 = arith.addi %add3A_1005, %add3A_1006 : i32
          %swap3A_1008 = arith.index_cast %add3A_1007 : i32 to index
          %swap3A_1009 = tpu.vector_load %arg13[%swap3A_1008] {strides = array<i32>} : memref<8192xf32, #tpu.memory_space<vmem>>, vector<16xf32>,
          tpu.vector_store %arg13[%swap3A_1008], %unpack3A_997 {strides = array<i32>} : memref<8192xf32, #tpu.memory_space<vmem>>, vector<16xf32>,
          %add3A_1010 = arith.constant 112 : i32
          %add3A_1011 = arith.addi %mul3A_472, %add3A_1010 : i32
          %get3A_1012 = arith.index_cast %select_n3A_445 : i32 to index
          %get3A_1013 = arith.index_cast %add3A_1011 : i32 to index
          %get3A_1014 = tpu.vector_load %arg10[%get3A_1012, %get3A_1013] {strides = array<i32>} : memref<50x1024xi32, #tpu.memory_space<vmem>>, vector<16xi32>,
          %broadcast_in_dim3A_1015 = arith.constant 0 : i32
          %broadcast_in_dim3A_1016 = vector.broadcast %broadcast_in_dim3A_1015 : i32 to vector<16xi32>
          %gather3A_1017 = tpu.vector_load_idx %arg11[%broadcast_in_dim3A_1016, %get3A_1014] : memref<4x1000xi32, #tpu.memory_space<vmem>>[vector<16xi32>, vector<16xi32>], vector<16xi32>,
          %bitcast3A_1018 = vector.bitcast %gather3A_1017 : vector<16xi32> to vector<32xbf16>
          %unpack3A_1019 = tpu.unpack_subelements %bitcast3A_1018, 0 {pack_format = #tpu.pack_format<interleaved>} : vector<32xbf16> -> vector<16xf32>
          %unpack3A_1020 = tpu.unpack_subelements %bitcast3A_1018, 1 {pack_format = #tpu.pack_format<interleaved>} : vector<32xbf16> -> vector<16xf32>
          %add3A_1021 = arith.constant 0 : i32
          %add3A_1022 = arith.addi %mul3A_474, %add3A_1021 : i32
          %add3A_1023 = arith.constant 112 : i32
          %add3A_1024 = arith.addi %add3A_1022, %add3A_1023 : i32
          %swap3A_1025 = arith.index_cast %add3A_1024 : i32 to index
          %swap3A_1026 = tpu.vector_load %arg13[%swap3A_1025] {strides = array<i32>} : memref<8192xf32, #tpu.memory_space<vmem>>, vector<16xf32>,
          tpu.vector_store %arg13[%swap3A_1025], %unpack3A_1019 {strides = array<i32>} : memref<8192xf32, #tpu.memory_space<vmem>>, vector<16xf32>,
          %add3A_1027 = arith.constant 128 : i32
          %add3A_1028 = arith.addi %mul3A_474, %add3A_1027 : i32
          %add3A_1029 = arith.constant 112 : i32
          %add3A_1030 = arith.addi %add3A_1028, %add3A_1029 : i32
          %swap3A_1031 = arith.index_cast %add3A_1030 : i32 to index
          %swap3A_1032 = tpu.vector_load %arg13[%swap3A_1031] {strides = array<i32>} : memref<8192xf32, #tpu.memory_space<vmem>>, vector<16xf32>,
          tpu.vector_store %arg13[%swap3A_1031], %unpack3A_1020 {strides = array<i32>} : memref<8192xf32, #tpu.memory_space<vmem>>, vector<16xf32>,
          %broadcast_in_dim3A_1033 = arith.constant 1 : i32
          %broadcast_in_dim3A_1034 = vector.broadcast %broadcast_in_dim3A_1033 : i32 to vector<16xi32>
          %gather3A_1035 = tpu.vector_load_idx %arg11[%broadcast_in_dim3A_1034, %get3A_1014] : memref<4x1000xi32, #tpu.memory_space<vmem>>[vector<16xi32>, vector<16xi32>], vector<16xi32>,
          %bitcast3A_1036 = vector.bitcast %gather3A_1035 : vector<16xi32> to vector<32xbf16>
          %unpack3A_1037 = tpu.unpack_subelements %bitcast3A_1036, 0 {pack_format = #tpu.pack_format<interleaved>} : vector<32xbf16> -> vector<16xf32>
          %unpack3A_1038 = tpu.unpack_subelements %bitcast3A_1036, 1 {pack_format = #tpu.pack_format<interleaved>} : vector<32xbf16> -> vector<16xf32>
          %add3A_1039 = arith.constant 256 : i32
          %add3A_1040 = arith.addi %mul3A_474, %add3A_1039 : i32
          %add3A_1041 = arith.constant 112 : i32
          %add3A_1042 = arith.addi %add3A_1040, %add3A_1041 : i32
          %swap3A_1043 = arith.index_cast %add3A_1042 : i32 to index
          %swap3A_1044 = tpu.vector_load %arg13[%swap3A_1043] {strides = array<i32>} : memref<8192xf32, #tpu.memory_space<vmem>>, vector<16xf32>,
          tpu.vector_store %arg13[%swap3A_1043], %unpack3A_1037 {strides = array<i32>} : memref<8192xf32, #tpu.memory_space<vmem>>, vector<16xf32>,
          %add3A_1045 = arith.constant 384 : i32
          %add3A_1046 = arith.addi %mul3A_474, %add3A_1045 : i32
          %add3A_1047 = arith.constant 112 : i32
          %add3A_1048 = arith.addi %add3A_1046, %add3A_1047 : i32
          %swap3A_1049 = arith.index_cast %add3A_1048 : i32 to index
          %swap3A_1050 = tpu.vector_load %arg13[%swap3A_1049] {strides = array<i32>} : memref<8192xf32, #tpu.memory_space<vmem>>, vector<16xf32>,
          tpu.vector_store %arg13[%swap3A_1049], %unpack3A_1038 {strides = array<i32>} : memref<8192xf32, #tpu.memory_space<vmem>>, vector<16xf32>,
          %broadcast_in_dim3A_1051 = arith.constant 2 : i32
          %broadcast_in_dim3A_1052 = vector.broadcast %broadcast_in_dim3A_1051 : i32 to vector<16xi32>
          %gather3A_1053 = tpu.vector_load_idx %arg11[%broadcast_in_dim3A_1052, %get3A_1014] : memref<4x1000xi32, #tpu.memory_space<vmem>>[vector<16xi32>, vector<16xi32>], vector<16xi32>,
          %bitcast3A_1054 = vector.bitcast %gather3A_1053 : vector<16xi32> to vector<32xbf16>
          %unpack3A_1055 = tpu.unpack_subelements %bitcast3A_1054, 0 {pack_format = #tpu.pack_format<interleaved>} : vector<32xbf16> -> vector<16xf32>
          %unpack3A_1056 = tpu.unpack_subelements %bitcast3A_1054, 1 {pack_format = #tpu.pack_format<interleaved>} : vector<32xbf16> -> vector<16xf32>
          %add3A_1057 = arith.constant 512 : i32
          %add3A_1058 = arith.addi %mul3A_474, %add3A_1057 : i32
          %add3A_1059 = arith.constant 112 : i32
          %add3A_1060 = arith.addi %add3A_1058, %add3A_1059 : i32
          %swap3A_1061 = arith.index_cast %add3A_1060 : i32 to index
          %swap3A_1062 = tpu.vector_load %arg13[%swap3A_1061] {strides = array<i32>} : memref<8192xf32, #tpu.memory_space<vmem>>, vector<16xf32>,
          tpu.vector_store %arg13[%swap3A_1061], %unpack3A_1055 {strides = array<i32>} : memref<8192xf32, #tpu.memory_space<vmem>>, vector<16xf32>,
          %add3A_1063 = arith.constant 640 : i32
          %add3A_1064 = arith.addi %mul3A_474, %add3A_1063 : i32
          %add3A_1065 = arith.constant 112 : i32
          %add3A_1066 = arith.addi %add3A_1064, %add3A_1065 : i32
          %swap3A_1067 = arith.index_cast %add3A_1066 : i32 to index
          %swap3A_1068 = tpu.vector_load %arg13[%swap3A_1067] {strides = array<i32>} : memref<8192xf32, #tpu.memory_space<vmem>>, vector<16xf32>,
          tpu.vector_store %arg13[%swap3A_1067], %unpack3A_1056 {strides = array<i32>} : memref<8192xf32, #tpu.memory_space<vmem>>, vector<16xf32>,
          %broadcast_in_dim3A_1069 = arith.constant 3 : i32
          %broadcast_in_dim3A_1070 = vector.broadcast %broadcast_in_dim3A_1069 : i32 to vector<16xi32>
          %gather3A_1071 = tpu.vector_load_idx %arg11[%broadcast_in_dim3A_1070, %get3A_1014] : memref<4x1000xi32, #tpu.memory_space<vmem>>[vector<16xi32>, vector<16xi32>], vector<16xi32>,
          %bitcast3A_1072 = vector.bitcast %gather3A_1071 : vector<16xi32> to vector<32xbf16>
          %unpack3A_1073 = tpu.unpack_subelements %bitcast3A_1072, 0 {pack_format = #tpu.pack_format<interleaved>} : vector<32xbf16> -> vector<16xf32>
          %unpack3A_1074 = tpu.unpack_subelements %bitcast3A_1072, 1 {pack_format = #tpu.pack_format<interleaved>} : vector<32xbf16> -> vector<16xf32>
          %add3A_1075 = arith.constant 768 : i32
          %add3A_1076 = arith.addi %mul3A_474, %add3A_1075 : i32
          %add3A_1077 = arith.constant 112 : i32
          %add3A_1078 = arith.addi %add3A_1076, %add3A_1077 : i32
          %swap3A_1079 = arith.index_cast %add3A_1078 : i32 to index
          %swap3A_1080 = tpu.vector_load %arg13[%swap3A_1079] {strides = array<i32>} : memref<8192xf32, #tpu.memory_space<vmem>>, vector<16xf32>,
          tpu.vector_store %arg13[%swap3A_1079], %unpack3A_1073 {strides = array<i32>} : memref<8192xf32, #tpu.memory_space<vmem>>, vector<16xf32>,
          %add3A_1081 = arith.constant 896 : i32
          %add3A_1082 = arith.addi %mul3A_474, %add3A_1081 : i32
          %add3A_1083 = arith.constant 112 : i32
          %add3A_1084 = arith.addi %add3A_1082, %add3A_1083 : i32
          %swap3A_1085 = arith.index_cast %add3A_1084 : i32 to index
          %swap3A_1086 = tpu.vector_load %arg13[%swap3A_1085] {strides = array<i32>} : memref<8192xf32, #tpu.memory_space<vmem>>, vector<16xf32>,
          tpu.vector_store %arg13[%swap3A_1085], %unpack3A_1074 {strides = array<i32>} : memref<8192xf32, #tpu.memory_space<vmem>>, vector<16xf32>,
        }
        %scan3A_462 = arith.constant 8 : i32
        %mul3A_463 = arith.constant 125 : i32
        %mul3A_464 = arith.muli %select_n3A_445, %mul3A_463 : i32
        %add3A_465 = arith.addi %mul3A_464, %select_n3A_429 : i32
        %mul3A_466 = arith.constant 8192 : i32
        %mul3A_467 = arith.muli %add3A_465, %mul3A_466 : i32
        %dma_start3A_468 = tpu.memref_slice %arg8[%mul3A_467] : memref<51200000xf32, #tpu.memory_space<hbm>> -> memref<8192xf32, #tpu.memory_space<hbm>>
        %dma_start3A_469 = tpu.memref_slice %arg8[%mul3A_467] : memref<51200000xf32, #tpu.memory_space<hbm>> -> memref<8192xf32, #tpu.memory_space<hbm>>
        tpu.enqueue_dma source(%arg13 : memref<8192xf32, #tpu.memory_space<vmem>>) target(%dma_start3A_469 : memref<8192xf32, #tpu.memory_space<hbm>>) target_semaphore(%arg23 : memref<!tpu.dma_semaphore, #tpu.memory_space<semaphore_mem>>)
      } else {
      }
    }
    %scan3A_215 = arith.constant 98 : i32
    %dma_wait3A = arith.constant 0 : i32
    %dma_wait3A_216 = tpu.memref_slice %arg8[%dma_wait3A] : memref<51200000xf32, #tpu.memory_space<hbm>> -> memref<8192xf32, #tpu.memory_space<hbm>>
    %dma_wait3A_217 = arith.constant 0 : i32
    %dma_wait3A_218 = tpu.memref_slice %arg8[%dma_wait3A_217] : memref<51200000xf32, #tpu.memory_space<hbm>> -> memref<8192xf32, #tpu.memory_space<hbm>>
    tpu.wait_dma2 semaphore(%arg23 : memref<!tpu.dma_semaphore, #tpu.memory_space<semaphore_mem>>) src(%arg12 : memref<8192xf32, #tpu.memory_space<vmem>>) dst(%dma_wait3A_218 : memref<8192xf32, #tpu.memory_space<hbm>>)
    %dma_wait3A_219 = arith.constant 0 : i32
    %dma_wait3A_220 = tpu.memref_slice %arg8[%dma_wait3A_219] : memref<51200000xf32, #tpu.memory_space<hbm>> -> memref<8192xf32, #tpu.memory_space<hbm>>
    %dma_wait3A_221 = arith.constant 0 : i32
    %dma_wait3A_222 = tpu.memref_slice %arg8[%dma_wait3A_221] : memref<51200000xf32, #tpu.memory_space<hbm>> -> memref<8192xf32, #tpu.memory_space<hbm>>
    tpu.wait_dma2 semaphore(%arg23 : memref<!tpu.dma_semaphore, #tpu.memory_space<semaphore_mem>>) src(%arg13 : memref<8192xf32, #tpu.memory_space<vmem>>) dst(%dma_wait3A_222 : memref<8192xf32, #tpu.memory_space<hbm>>)
    %dma_wait3A_223 = arith.constant 0 : i32
    %dma_wait3A_224 = tpu.memref_slice %arg17[%dma_wait3A_223] : memref<1600xf32, #tpu.memory_space<vmem>> -> memref<128xf32, #tpu.memory_space<vmem>>
    %dma_wait3A_225 = arith.constant 0 : i32
    %dma_wait3A_226 = tpu.memref_slice %arg16[%dma_wait3A_225] : memref<1600xi32, #tpu.memory_space<vmem>> -> memref<128xi32, #tpu.memory_space<vmem>>
    %dma_wait3A_227 = arith.constant 0 : i32
    %dma_wait3A_228 = tpu.memref_slice %arg6[%dma_wait3A_227] : memref<1000000xf32, #tpu.memory_space<hbm>> -> memref<1000000xf32, #tpu.memory_space<hbm>>
    tpu.wait_indirect_dma semaphore(%arg24 : memref<!tpu.dma_semaphore, #tpu.memory_space<semaphore_mem>>) src(%dma_wait3A_228 : memref<1000000xf32, #tpu.memory_space<hbm>>) dst(%dma_wait3A_224 : memref<128xf32, #tpu.memory_space<vmem>>)
    %dma_wait3A_229 = arith.constant 0 : i32
    %dma_wait3A_230 = tpu.memref_slice %arg18[%dma_wait3A_229] : memref<1600xf32, #tpu.memory_space<vmem>> -> memref<128xf32, #tpu.memory_space<vmem>>
    %dma_wait3A_231 = arith.constant 0 : i32
    %dma_wait3A_232 = tpu.memref_slice %arg14[%dma_wait3A_231] : memref<1600xi32, #tpu.memory_space<vmem>> -> memref<128xi32, #tpu.memory_space<vmem>>
    %dma_wait3A_233 = arith.constant 0 : i32
    %dma_wait3A_234 = tpu.memref_slice %arg7[%dma_wait3A_233] : memref<1000xf32, #tpu.memory_space<hbm>> -> memref<1000xf32, #tpu.memory_space<hbm>>
    tpu.wait_indirect_dma semaphore(%arg24 : memref<!tpu.dma_semaphore, #tpu.memory_space<semaphore_mem>>) src(%dma_wait3A_234 : memref<1000xf32, #tpu.memory_space<hbm>>) dst(%dma_wait3A_230 : memref<128xf32, #tpu.memory_space<vmem>>)
    %dma_wait3A_235 = arith.constant 128 : i32
    %dma_wait3A_236 = tpu.memref_slice %arg17[%dma_wait3A_235] : memref<1600xf32, #tpu.memory_space<vmem>> -> memref<128xf32, #tpu.memory_space<vmem>>
    %dma_wait3A_237 = arith.constant 128 : i32
    %dma_wait3A_238 = tpu.memref_slice %arg16[%dma_wait3A_237] : memref<1600xi32, #tpu.memory_space<vmem>> -> memref<128xi32, #tpu.memory_space<vmem>>
    %dma_wait3A_239 = arith.constant 0 : i32
    %dma_wait3A_240 = tpu.memref_slice %arg6[%dma_wait3A_239] : memref<1000000xf32, #tpu.memory_space<hbm>> -> memref<1000000xf32, #tpu.memory_space<hbm>>
    tpu.wait_indirect_dma semaphore(%arg24 : memref<!tpu.dma_semaphore, #tpu.memory_space<semaphore_mem>>) src(%dma_wait3A_240 : memref<1000000xf32, #tpu.memory_space<hbm>>) dst(%dma_wait3A_236 : memref<128xf32, #tpu.memory_space<vmem>>)
    %dma_wait3A_241 = arith.constant 128 : i32
    %dma_wait3A_242 = tpu.memref_slice %arg18[%dma_wait3A_241] : memref<1600xf32, #tpu.memory_space<vmem>> -> memref<128xf32, #tpu.memory_space<vmem>>
    %dma_wait3A_243 = arith.constant 128 : i32
    %dma_wait3A_244 = tpu.memref_slice %arg14[%dma_wait3A_243] : memref<1600xi32, #tpu.memory_space<vmem>> -> memref<128xi32, #tpu.memory_space<vmem>>
    %dma_wait3A_245 = arith.constant 0 : i32
    %dma_wait3A_246 = tpu.memref_slice %arg7[%dma_wait3A_245] : memref<1000xf32, #tpu.memory_space<hbm>> -> memref<1000xf32, #tpu.memory_space<hbm>>
    tpu.wait_indirect_dma semaphore(%arg24 : memref<!tpu.dma_semaphore, #tpu.memory_space<semaphore_mem>>) src(%dma_wait3A_246 : memref<1000xf32, #tpu.memory_space<hbm>>) dst(%dma_wait3A_242 : memref<128xf32, #tpu.memory_space<vmem>>)
    %dma_wait3A_247 = arith.constant 256 : i32
    %dma_wait3A_248 = tpu.memref_slice %arg17[%dma_wait3A_247] : memref<1600xf32, #tpu.memory_space<vmem>> -> memref<128xf32, #tpu.memory_space<vmem>>
    %dma_wait3A_249 = arith.constant 256 : i32
    %dma_wait3A_250 = tpu.memref_slice %arg16[%dma_wait3A_249] : memref<1600xi32, #tpu.memory_space<vmem>> -> memref<128xi32, #tpu.memory_space<vmem>>
    %dma_wait3A_251 = arith.constant 0 : i32
    %dma_wait3A_252 = tpu.memref_slice %arg6[%dma_wait3A_251] : memref<1000000xf32, #tpu.memory_space<hbm>> -> memref<1000000xf32, #tpu.memory_space<hbm>>
    tpu.wait_indirect_dma semaphore(%arg24 : memref<!tpu.dma_semaphore, #tpu.memory_space<semaphore_mem>>) src(%dma_wait3A_252 : memref<1000000xf32, #tpu.memory_space<hbm>>) dst(%dma_wait3A_248 : memref<128xf32, #tpu.memory_space<vmem>>)
    %dma_wait3A_253 = arith.constant 256 : i32
    %dma_wait3A_254 = tpu.memref_slice %arg18[%dma_wait3A_253] : memref<1600xf32, #tpu.memory_space<vmem>> -> memref<128xf32, #tpu.memory_space<vmem>>
    %dma_wait3A_255 = arith.constant 256 : i32
    %dma_wait3A_256 = tpu.memref_slice %arg14[%dma_wait3A_255] : memref<1600xi32, #tpu.memory_space<vmem>> -> memref<128xi32, #tpu.memory_space<vmem>>
    %dma_wait3A_257 = arith.constant 0 : i32
    %dma_wait3A_258 = tpu.memref_slice %arg7[%dma_wait3A_257] : memref<1000xf32, #tpu.memory_space<hbm>> -> memref<1000xf32, #tpu.memory_space<hbm>>
    tpu.wait_indirect_dma semaphore(%arg24 : memref<!tpu.dma_semaphore, #tpu.memory_space<semaphore_mem>>) src(%dma_wait3A_258 : memref<1000xf32, #tpu.memory_space<hbm>>) dst(%dma_wait3A_254 : memref<128xf32, #tpu.memory_space<vmem>>)
    %dma_wait3A_259 = arith.constant 384 : i32
    %dma_wait3A_260 = tpu.memref_slice %arg17[%dma_wait3A_259] : memref<1600xf32, #tpu.memory_space<vmem>> -> memref<128xf32, #tpu.memory_space<vmem>>
    %dma_wait3A_261 = arith.constant 384 : i32
    %dma_wait3A_262 = tpu.memref_slice %arg16[%dma_wait3A_261] : memref<1600xi32, #tpu.memory_space<vmem>> -> memref<128xi32, #tpu.memory_space<vmem>>
    %dma_wait3A_263 = arith.constant 0 : i32
    %dma_wait3A_264 = tpu.memref_slice %arg6[%dma_wait3A_263] : memref<1000000xf32, #tpu.memory_space<hbm>> -> memref<1000000xf32, #tpu.memory_space<hbm>>
    tpu.wait_indirect_dma semaphore(%arg24 : memref<!tpu.dma_semaphore, #tpu.memory_space<semaphore_mem>>) src(%dma_wait3A_264 : memref<1000000xf32, #tpu.memory_space<hbm>>) dst(%dma_wait3A_260 : memref<128xf32, #tpu.memory_space<vmem>>)
    %dma_wait3A_265 = arith.constant 384 : i32
    %dma_wait3A_266 = tpu.memref_slice %arg18[%dma_wait3A_265] : memref<1600xf32, #tpu.memory_space<vmem>> -> memref<128xf32, #tpu.memory_space<vmem>>
    %dma_wait3A_267 = arith.constant 384 : i32
    %dma_wait3A_268 = tpu.memref_slice %arg14[%dma_wait3A_267] : memref<1600xi32, #tpu.memory_space<vmem>> -> memref<128xi32, #tpu.memory_space<vmem>>
    %dma_wait3A_269 = arith.constant 0 : i32
    %dma_wait3A_270 = tpu.memref_slice %arg7[%dma_wait3A_269] : memref<1000xf32, #tpu.memory_space<hbm>> -> memref<1000xf32, #tpu.memory_space<hbm>>
    tpu.wait_indirect_dma semaphore(%arg24 : memref<!tpu.dma_semaphore, #tpu.memory_space<semaphore_mem>>) src(%dma_wait3A_270 : memref<1000xf32, #tpu.memory_space<hbm>>) dst(%dma_wait3A_266 : memref<128xf32, #tpu.memory_space<vmem>>)
    %dma_wait3A_271 = arith.constant 512 : i32
    %dma_wait3A_272 = tpu.memref_slice %arg17[%dma_wait3A_271] : memref<1600xf32, #tpu.memory_space<vmem>> -> memref<128xf32, #tpu.memory_space<vmem>>
    %dma_wait3A_273 = arith.constant 512 : i32
    %dma_wait3A_274 = tpu.memref_slice %arg16[%dma_wait3A_273] : memref<1600xi32, #tpu.memory_space<vmem>> -> memref<128xi32, #tpu.memory_space<vmem>>
    %dma_wait3A_275 = arith.constant 0 : i32
    %dma_wait3A_276 = tpu.memref_slice %arg6[%dma_wait3A_275] : memref<1000000xf32, #tpu.memory_space<hbm>> -> memref<1000000xf32, #tpu.memory_space<hbm>>
    tpu.wait_indirect_dma semaphore(%arg24 : memref<!tpu.dma_semaphore, #tpu.memory_space<semaphore_mem>>) src(%dma_wait3A_276 : memref<1000000xf32, #tpu.memory_space<hbm>>) dst(%dma_wait3A_272 : memref<128xf32, #tpu.memory_space<vmem>>)
    %dma_wait3A_277 = arith.constant 512 : i32
    %dma_wait3A_278 = tpu.memref_slice %arg18[%dma_wait3A_277] : memref<1600xf32, #tpu.memory_space<vmem>> -> memref<128xf32, #tpu.memory_space<vmem>>
    %dma_wait3A_279 = arith.constant 512 : i32
    %dma_wait3A_280 = tpu.memref_slice %arg14[%dma_wait3A_279] : memref<1600xi32, #tpu.memory_space<vmem>> -> memref<128xi32, #tpu.memory_space<vmem>>
    %dma_wait3A_281 = arith.constant 0 : i32
    %dma_wait3A_282 = tpu.memref_slice %arg7[%dma_wait3A_281] : memref<1000xf32, #tpu.memory_space<hbm>> -> memref<1000xf32, #tpu.memory_space<hbm>>
    tpu.wait_indirect_dma semaphore(%arg24 : memref<!tpu.dma_semaphore, #tpu.memory_space<semaphore_mem>>) src(%dma_wait3A_282 : memref<1000xf32, #tpu.memory_space<hbm>>) dst(%dma_wait3A_278 : memref<128xf32, #tpu.memory_space<vmem>>)
    %dma_wait3A_283 = arith.constant 640 : i32
    %dma_wait3A_284 = tpu.memref_slice %arg17[%dma_wait3A_283] : memref<1600xf32, #tpu.memory_space<vmem>> -> memref<128xf32, #tpu.memory_space<vmem>>
    %dma_wait3A_285 = arith.constant 640 : i32
    %dma_wait3A_286 = tpu.memref_slice %arg16[%dma_wait3A_285] : memref<1600xi32, #tpu.memory_space<vmem>> -> memref<128xi32, #tpu.memory_space<vmem>>
    %dma_wait3A_287 = arith.constant 0 : i32
    %dma_wait3A_288 = tpu.memref_slice %arg6[%dma_wait3A_287] : memref<1000000xf32, #tpu.memory_space<hbm>> -> memref<1000000xf32, #tpu.memory_space<hbm>>
    tpu.wait_indirect_dma semaphore(%arg24 : memref<!tpu.dma_semaphore, #tpu.memory_space<semaphore_mem>>) src(%dma_wait3A_288 : memref<1000000xf32, #tpu.memory_space<hbm>>) dst(%dma_wait3A_284 : memref<128xf32, #tpu.memory_space<vmem>>)
    %dma_wait3A_289 = arith.constant 640 : i32
    %dma_wait3A_290 = tpu.memref_slice %arg18[%dma_wait3A_289] : memref<1600xf32, #tpu.memory_space<vmem>> -> memref<128xf32, #tpu.memory_space<vmem>>
    %dma_wait3A_291 = arith.constant 640 : i32
    %dma_wait3A_292 = tpu.memref_slice %arg14[%dma_wait3A_291] : memref<1600xi32, #tpu.memory_space<vmem>> -> memref<128xi32, #tpu.memory_space<vmem>>
    %dma_wait3A_293 = arith.constant 0 : i32
    %dma_wait3A_294 = tpu.memref_slice %arg7[%dma_wait3A_293] : memref<1000xf32, #tpu.memory_space<hbm>> -> memref<1000xf32, #tpu.memory_space<hbm>>
    tpu.wait_indirect_dma semaphore(%arg24 : memref<!tpu.dma_semaphore, #tpu.memory_space<semaphore_mem>>) src(%dma_wait3A_294 : memref<1000xf32, #tpu.memory_space<hbm>>) dst(%dma_wait3A_290 : memref<128xf32, #tpu.memory_space<vmem>>)
    %dma_wait3A_295 = arith.constant 768 : i32
    %dma_wait3A_296 = tpu.memref_slice %arg17[%dma_wait3A_295] : memref<1600xf32, #tpu.memory_space<vmem>> -> memref<128xf32, #tpu.memory_space<vmem>>
    %dma_wait3A_297 = arith.constant 768 : i32
    %dma_wait3A_298 = tpu.memref_slice %arg16[%dma_wait3A_297] : memref<1600xi32, #tpu.memory_space<vmem>> -> memref<128xi32, #tpu.memory_space<vmem>>
    %dma_wait3A_299 = arith.constant 0 : i32
    %dma_wait3A_300 = tpu.memref_slice %arg6[%dma_wait3A_299] : memref<1000000xf32, #tpu.memory_space<hbm>> -> memref<1000000xf32, #tpu.memory_space<hbm>>
    tpu.wait_indirect_dma semaphore(%arg24 : memref<!tpu.dma_semaphore, #tpu.memory_space<semaphore_mem>>) src(%dma_wait3A_300 : memref<1000000xf32, #tpu.memory_space<hbm>>) dst(%dma_wait3A_296 : memref<128xf32, #tpu.memory_space<vmem>>)
    %dma_wait3A_301 = arith.constant 768 : i32
    %dma_wait3A_302 = tpu.memref_slice %arg18[%dma_wait3A_301] : memref<1600xf32, #tpu.memory_space<vmem>> -> memref<128xf32, #tpu.memory_space<vmem>>
    %dma_wait3A_303 = arith.constant 768 : i32
    %dma_wait3A_304 = tpu.memref_slice %arg14[%dma_wait3A_303] : memref<1600xi32, #tpu.memory_space<vmem>> -> memref<128xi32, #tpu.memory_space<vmem>>
    %dma_wait3A_305 = arith.constant 0 : i32
    %dma_wait3A_306 = tpu.memref_slice %arg7[%dma_wait3A_305] : memref<1000xf32, #tpu.memory_space<hbm>> -> memref<1000xf32, #tpu.memory_space<hbm>>
    tpu.wait_indirect_dma semaphore(%arg24 : memref<!tpu.dma_semaphore, #tpu.memory_space<semaphore_mem>>) src(%dma_wait3A_306 : memref<1000xf32, #tpu.memory_space<hbm>>) dst(%dma_wait3A_302 : memref<128xf32, #tpu.memory_space<vmem>>)
    %dma_wait3A_307 = arith.constant 896 : i32
    %dma_wait3A_308 = tpu.memref_slice %arg17[%dma_wait3A_307] : memref<1600xf32, #tpu.memory_space<vmem>> -> memref<128xf32, #tpu.memory_space<vmem>>
    %dma_wait3A_309 = arith.constant 896 : i32
    %dma_wait3A_310 = tpu.memref_slice %arg16[%dma_wait3A_309] : memref<1600xi32, #tpu.memory_space<vmem>> -> memref<128xi32, #tpu.memory_space<vmem>>
    %dma_wait3A_311 = arith.constant 0 : i32
    %dma_wait3A_312 = tpu.memref_slice %arg6[%dma_wait3A_311] : memref<1000000xf32, #tpu.memory_space<hbm>> -> memref<1000000xf32, #tpu.memory_space<hbm>>
    tpu.wait_indirect_dma semaphore(%arg24 : memref<!tpu.dma_semaphore, #tpu.memory_space<semaphore_mem>>) src(%dma_wait3A_312 : memref<1000000xf32, #tpu.memory_space<hbm>>) dst(%dma_wait3A_308 : memref<128xf32, #tpu.memory_space<vmem>>)
    %dma_wait3A_313 = arith.constant 896 : i32
    %dma_wait3A_314 = tpu.memref_slice %arg18[%dma_wait3A_313] : memref<1600xf32, #tpu.memory_space<vmem>> -> memref<128xf32, #tpu.memory_space<vmem>>
    %dma_wait3A_315 = arith.constant 896 : i32
    %dma_wait3A_316 = tpu.memref_slice %arg14[%dma_wait3A_315] : memref<1600xi32, #tpu.memory_space<vmem>> -> memref<128xi32, #tpu.memory_space<vmem>>
    %dma_wait3A_317 = arith.constant 0 : i32
    %dma_wait3A_318 = tpu.memref_slice %arg7[%dma_wait3A_317] : memref<1000xf32, #tpu.memory_space<hbm>> -> memref<1000xf32, #tpu.memory_space<hbm>>
    tpu.wait_indirect_dma semaphore(%arg24 : memref<!tpu.dma_semaphore, #tpu.memory_space<semaphore_mem>>) src(%dma_wait3A_318 : memref<1000xf32, #tpu.memory_space<hbm>>) dst(%dma_wait3A_314 : memref<128xf32, #tpu.memory_space<vmem>>)
    %dma_wait3A_319 = arith.constant 1024 : i32
    %dma_wait3A_320 = tpu.memref_slice %arg17[%dma_wait3A_319] : memref<1600xf32, #tpu.memory_space<vmem>> -> memref<128xf32, #tpu.memory_space<vmem>>
    %dma_wait3A_321 = arith.constant 1024 : i32
    %dma_wait3A_322 = tpu.memref_slice %arg16[%dma_wait3A_321] : memref<1600xi32, #tpu.memory_space<vmem>> -> memref<128xi32, #tpu.memory_space<vmem>>
    %dma_wait3A_323 = arith.constant 0 : i32
    %dma_wait3A_324 = tpu.memref_slice %arg6[%dma_wait3A_323] : memref<1000000xf32, #tpu.memory_space<hbm>> -> memref<1000000xf32, #tpu.memory_space<hbm>>
    tpu.wait_indirect_dma semaphore(%arg24 : memref<!tpu.dma_semaphore, #tpu.memory_space<semaphore_mem>>) src(%dma_wait3A_324 : memref<1000000xf32, #tpu.memory_space<hbm>>) dst(%dma_wait3A_320 : memref<128xf32, #tpu.memory_space<vmem>>)
    %dma_wait3A_325 = arith.constant 1024 : i32
    %dma_wait3A_326 = tpu.memref_slice %arg18[%dma_wait3A_325] : memref<1600xf32, #tpu.memory_space<vmem>> -> memref<128xf32, #tpu.memory_space<vmem>>
    %dma_wait3A_327 = arith.constant 1024 : i32
    %dma_wait3A_328 = tpu.memref_slice %arg14[%dma_wait3A_327] : memref<1600xi32, #tpu.memory_space<vmem>> -> memref<128xi32, #tpu.memory_space<vmem>>
    %dma_wait3A_329 = arith.constant 0 : i32
    %dma_wait3A_330 = tpu.memref_slice %arg7[%dma_wait3A_329] : memref<1000xf32, #tpu.memory_space<hbm>> -> memref<1000xf32, #tpu.memory_space<hbm>>
    tpu.wait_indirect_dma semaphore(%arg24 : memref<!tpu.dma_semaphore, #tpu.memory_space<semaphore_mem>>) src(%dma_wait3A_330 : memref<1000xf32, #tpu.memory_space<hbm>>) dst(%dma_wait3A_326 : memref<128xf32, #tpu.memory_space<vmem>>)
    %dma_wait3A_331 = arith.constant 1152 : i32
    %dma_wait3A_332 = tpu.memref_slice %arg17[%dma_wait3A_331] : memref<1600xf32, #tpu.memory_space<vmem>> -> memref<128xf32, #tpu.memory_space<vmem>>
    %dma_wait3A_333 = arith.constant 1152 : i32
    %dma_wait3A_334 = tpu.memref_slice %arg16[%dma_wait3A_333] : memref<1600xi32, #tpu.memory_space<vmem>> -> memref<128xi32, #tpu.memory_space<vmem>>
    %dma_wait3A_335 = arith.constant 0 : i32
    %dma_wait3A_336 = tpu.memref_slice %arg6[%dma_wait3A_335] : memref<1000000xf32, #tpu.memory_space<hbm>> -> memref<1000000xf32, #tpu.memory_space<hbm>>
    tpu.wait_indirect_dma semaphore(%arg24 : memref<!tpu.dma_semaphore, #tpu.memory_space<semaphore_mem>>) src(%dma_wait3A_336 : memref<1000000xf32, #tpu.memory_space<hbm>>) dst(%dma_wait3A_332 : memref<128xf32, #tpu.memory_space<vmem>>)
    %dma_wait3A_337 = arith.constant 1152 : i32
    %dma_wait3A_338 = tpu.memref_slice %arg18[%dma_wait3A_337] : memref<1600xf32, #tpu.memory_space<vmem>> -> memref<128xf32, #tpu.memory_space<vmem>>
    %dma_wait3A_339 = arith.constant 1152 : i32
    %dma_wait3A_340 = tpu.memref_slice %arg14[%dma_wait3A_339] : memref<1600xi32, #tpu.memory_space<vmem>> -> memref<128xi32, #tpu.memory_space<vmem>>
    %dma_wait3A_341 = arith.constant 0 : i32
    %dma_wait3A_342 = tpu.memref_slice %arg7[%dma_wait3A_341] : memref<1000xf32, #tpu.memory_space<hbm>> -> memref<1000xf32, #tpu.memory_space<hbm>>
    tpu.wait_indirect_dma semaphore(%arg24 : memref<!tpu.dma_semaphore, #tpu.memory_space<semaphore_mem>>) src(%dma_wait3A_342 : memref<1000xf32, #tpu.memory_space<hbm>>) dst(%dma_wait3A_338 : memref<128xf32, #tpu.memory_space<vmem>>)
    %dma_wait3A_343 = arith.constant 1280 : i32
    %dma_wait3A_344 = tpu.memref_slice %arg17[%dma_wait3A_343] : memref<1600xf32, #tpu.memory_space<vmem>> -> memref<128xf32, #tpu.memory_space<vmem>>
    %dma_wait3A_345 = arith.constant 1280 : i32
    %dma_wait3A_346 = tpu.memref_slice %arg16[%dma_wait3A_345] : memref<1600xi32, #tpu.memory_space<vmem>> -> memref<128xi32, #tpu.memory_space<vmem>>
    %dma_wait3A_347 = arith.constant 0 : i32
    %dma_wait3A_348 = tpu.memref_slice %arg6[%dma_wait3A_347] : memref<1000000xf32, #tpu.memory_space<hbm>> -> memref<1000000xf32, #tpu.memory_space<hbm>>
    tpu.wait_indirect_dma semaphore(%arg24 : memref<!tpu.dma_semaphore, #tpu.memory_space<semaphore_mem>>) src(%dma_wait3A_348 : memref<1000000xf32, #tpu.memory_space<hbm>>) dst(%dma_wait3A_344 : memref<128xf32, #tpu.memory_space<vmem>>)
    %dma_wait3A_349 = arith.constant 1280 : i32
    %dma_wait3A_350 = tpu.memref_slice %arg18[%dma_wait3A_349] : memref<1600xf32, #tpu.memory_space<vmem>> -> memref<128xf32, #tpu.memory_space<vmem>>
    %dma_wait3A_351 = arith.constant 1280 : i32
    %dma_wait3A_352 = tpu.memref_slice %arg14[%dma_wait3A_351] : memref<1600xi32, #tpu.memory_space<vmem>> -> memref<128xi32, #tpu.memory_space<vmem>>
    %dma_wait3A_353 = arith.constant 0 : i32
    %dma_wait3A_354 = tpu.memref_slice %arg7[%dma_wait3A_353] : memref<1000xf32, #tpu.memory_space<hbm>> -> memref<1000xf32, #tpu.memory_space<hbm>>
    tpu.wait_indirect_dma semaphore(%arg24 : memref<!tpu.dma_semaphore, #tpu.memory_space<semaphore_mem>>) src(%dma_wait3A_354 : memref<1000xf32, #tpu.memory_space<hbm>>) dst(%dma_wait3A_350 : memref<128xf32, #tpu.memory_space<vmem>>)
    %dma_wait3A_355 = arith.constant 1408 : i32
    %dma_wait3A_356 = tpu.memref_slice %arg17[%dma_wait3A_355] : memref<1600xf32, #tpu.memory_space<vmem>> -> memref<128xf32, #tpu.memory_space<vmem>>
    %dma_wait3A_357 = arith.constant 1408 : i32
    %dma_wait3A_358 = tpu.memref_slice %arg16[%dma_wait3A_357] : memref<1600xi32, #tpu.memory_space<vmem>> -> memref<128xi32, #tpu.memory_space<vmem>>
    %dma_wait3A_359 = arith.constant 0 : i32
    %dma_wait3A_360 = tpu.memref_slice %arg6[%dma_wait3A_359] : memref<1000000xf32, #tpu.memory_space<hbm>> -> memref<1000000xf32, #tpu.memory_space<hbm>>
    tpu.wait_indirect_dma semaphore(%arg24 : memref<!tpu.dma_semaphore, #tpu.memory_space<semaphore_mem>>) src(%dma_wait3A_360 : memref<1000000xf32, #tpu.memory_space<hbm>>) dst(%dma_wait3A_356 : memref<128xf32, #tpu.memory_space<vmem>>)
    %dma_wait3A_361 = arith.constant 1408 : i32
    %dma_wait3A_362 = tpu.memref_slice %arg18[%dma_wait3A_361] : memref<1600xf32, #tpu.memory_space<vmem>> -> memref<128xf32, #tpu.memory_space<vmem>>
    %dma_wait3A_363 = arith.constant 1408 : i32
    %dma_wait3A_364 = tpu.memref_slice %arg14[%dma_wait3A_363] : memref<1600xi32, #tpu.memory_space<vmem>> -> memref<128xi32, #tpu.memory_space<vmem>>
    %dma_wait3A_365 = arith.constant 0 : i32
    %dma_wait3A_366 = tpu.memref_slice %arg7[%dma_wait3A_365] : memref<1000xf32, #tpu.memory_space<hbm>> -> memref<1000xf32, #tpu.memory_space<hbm>>
    tpu.wait_indirect_dma semaphore(%arg24 : memref<!tpu.dma_semaphore, #tpu.memory_space<semaphore_mem>>) src(%dma_wait3A_366 : memref<1000xf32, #tpu.memory_space<hbm>>) dst(%dma_wait3A_362 : memref<128xf32, #tpu.memory_space<vmem>>)
    %dma_wait3A_367 = arith.constant 1536 : i32
    %dma_wait3A_368 = tpu.memref_slice %arg17[%dma_wait3A_367] : memref<1600xf32, #tpu.memory_space<vmem>> -> memref<64xf32, #tpu.memory_space<vmem>>
    %dma_wait3A_369 = arith.constant 1536 : i32
    %dma_wait3A_370 = tpu.memref_slice %arg16[%dma_wait3A_369] : memref<1600xi32, #tpu.memory_space<vmem>> -> memref<64xi32, #tpu.memory_space<vmem>>
    %dma_wait3A_371 = arith.constant 0 : i32
    %dma_wait3A_372 = tpu.memref_slice %arg6[%dma_wait3A_371] : memref<1000000xf32, #tpu.memory_space<hbm>> -> memref<1000000xf32, #tpu.memory_space<hbm>>
    tpu.wait_indirect_dma semaphore(%arg24 : memref<!tpu.dma_semaphore, #tpu.memory_space<semaphore_mem>>) src(%dma_wait3A_372 : memref<1000000xf32, #tpu.memory_space<hbm>>) dst(%dma_wait3A_368 : memref<64xf32, #tpu.memory_space<vmem>>)
    %dma_wait3A_373 = arith.constant 1536 : i32
    %dma_wait3A_374 = tpu.memref_slice %arg18[%dma_wait3A_373] : memref<1600xf32, #tpu.memory_space<vmem>> -> memref<64xf32, #tpu.memory_space<vmem>>
    %dma_wait3A_375 = arith.constant 1536 : i32
    %dma_wait3A_376 = tpu.memref_slice %arg14[%dma_wait3A_375] : memref<1600xi32, #tpu.memory_space<vmem>> -> memref<64xi32, #tpu.memory_space<vmem>>
    %dma_wait3A_377 = arith.constant 0 : i32
    %dma_wait3A_378 = tpu.memref_slice %arg7[%dma_wait3A_377] : memref<1000xf32, #tpu.memory_space<hbm>> -> memref<1000xf32, #tpu.memory_space<hbm>>
    tpu.wait_indirect_dma semaphore(%arg24 : memref<!tpu.dma_semaphore, #tpu.memory_space<semaphore_mem>>) src(%dma_wait3A_378 : memref<1000xf32, #tpu.memory_space<hbm>>) dst(%dma_wait3A_374 : memref<64xf32, #tpu.memory_space<vmem>>)
    %broadcast_in_dim3A = arith.constant 0.000000e+00 : f32
    %broadcast_in_dim3A_379 = vector.broadcast %broadcast_in_dim3A : f32 to vector<16xf32>
    %scan3A_380 = arith.constant 0 : i32
    %scan3A_381 = arith.constant 100 : i32
    %scan3A_382 = arith.addi %scan3A_380, %scan3A_381 : i32
    %scan3A_383 = arith.constant 1 : i32
    %scan3A_384 = scf.for %scan3A_389 = %scan3A_380 to %scan3A_382 step %scan3A_383 iter_args(%scan3A_390 = %broadcast_in_dim3A_379) -> (vector<16xf32>)  : i32 {
      %mul3A_391 = arith.constant 16 : i32
      %mul3A_392 = arith.muli %scan3A_389, %mul3A_391 : i32
      %get3A = arith.index_cast %mul3A_392 : i32 to index
      %get3A_393 = tpu.vector_load %arg18[%get3A] {strides = array<i32>} : memref<1600xf32, #tpu.memory_space<vmem>>, vector<16xf32>,
      %add3A_394 = arith.addf %scan3A_390, %get3A_393 : vector<16xf32>
      %get3A_395 = arith.index_cast %mul3A_392 : i32 to index
      %get3A_396 = tpu.vector_load %arg17[%get3A_395] {strides = array<i32>} : memref<1600xf32, #tpu.memory_space<vmem>>, vector<16xf32>,
      %sub3A_397 = arith.subf %add3A_394, %get3A_396 : vector<16xf32>
      scf.yield %sub3A_397 : vector<16xf32>
    }
    %scan3A_385 = arith.constant 100 : i32
    %swap3A = arith.constant 0 : index
    %swap3A_386 = tpu.vector_load %arg19[%swap3A] {strides = array<i32>} : memref<16xf32, #tpu.memory_space<vmem>>, vector<16xf32>,
    tpu.vector_store %arg19[%swap3A], %scan3A_384 {strides = array<i32>} : memref<16xf32, #tpu.memory_space<vmem>>, vector<16xf32>,
    "tpu.region"() ({
      %run_scoped3A = tpu.sem_alloc : memref<!tpu.dma_semaphore, #tpu.memory_space<semaphore_mem>>
      %dma_start3A_389 = arith.constant 0 : i32
      %dma_start3A_390 = tpu.memref_slice %arg22[%arg1, %dma_start3A_389] : memref<16x16xf32, #tpu.memory_space<vmem_shared>> -> memref<1x16xf32, #tpu.memory_space<vmem_shared>>
      %dma_start3A_391 = tpu.memref_squeeze %dma_start3A_390 : memref<1x16xf32, #tpu.memory_space<vmem_shared>> -> memref<16xf32, #tpu.memory_space<vmem_shared>>
      %dma_start3A_392 = arith.constant 0 : i32
      %dma_start3A_393 = tpu.memref_slice %arg22[%arg1, %dma_start3A_392] : memref<16x16xf32, #tpu.memory_space<vmem_shared>> -> memref<1x16xf32, #tpu.memory_space<vmem_shared>>
      %dma_start3A_394 = tpu.memref_squeeze %dma_start3A_393 : memref<1x16xf32, #tpu.memory_space<vmem_shared>> -> memref<16xf32, #tpu.memory_space<vmem_shared>>
      tpu.enqueue_dma source(%arg19 : memref<16xf32, #tpu.memory_space<vmem>>) target(%dma_start3A_394 : memref<16xf32, #tpu.memory_space<vmem_shared>>) target_semaphore(%run_scoped3A : memref<!tpu.dma_semaphore, #tpu.memory_space<semaphore_mem>>)
      %dma_wait3A_395 = arith.constant 0 : i32
      %dma_wait3A_396 = tpu.memref_slice %arg22[%arg1, %dma_wait3A_395] : memref<16x16xf32, #tpu.memory_space<vmem_shared>> -> memref<1x16xf32, #tpu.memory_space<vmem_shared>>
      %dma_wait3A_397 = tpu.memref_squeeze %dma_wait3A_396 : memref<1x16xf32, #tpu.memory_space<vmem_shared>> -> memref<16xf32, #tpu.memory_space<vmem_shared>>
      %dma_wait3A_398 = arith.constant 0 : i32
      %dma_wait3A_399 = tpu.memref_slice %arg22[%arg1, %dma_wait3A_398] : memref<16x16xf32, #tpu.memory_space<vmem_shared>> -> memref<1x16xf32, #tpu.memory_space<vmem_shared>>
      %dma_wait3A_400 = tpu.memref_squeeze %dma_wait3A_399 : memref<1x16xf32, #tpu.memory_space<vmem_shared>> -> memref<16xf32, #tpu.memory_space<vmem_shared>>
      tpu.wait_dma2 semaphore(%run_scoped3A : memref<!tpu.dma_semaphore, #tpu.memory_space<semaphore_mem>>) src(%arg19 : memref<16xf32, #tpu.memory_space<vmem>>) dst(%dma_wait3A_400 : memref<16xf32, #tpu.memory_space<vmem_shared>>)
      tpu.yield
    }) : () -> ()
    %barrier3A = arith.constant 0 : index
    tpu.barrier barrier_id(%barrier3A)
    %eq3A = arith.constant 0 : i32
    %eq3A_387 = arith.cmpi eq, %arg1, %eq3A : i32
    %convert_element_type3A = arith.extui %eq3A_387 : i1 to i32
    %cond3A = arith.constant 0 : i32
    %cond3A_388 = arith.cmpi ne, %convert_element_type3A, %cond3A : i32
    scf.if %cond3A_388 {
      "tpu.region"() ({
        %run_scoped3A = tpu.sem_alloc : memref<!tpu.dma_semaphore, #tpu.memory_space<semaphore_mem>>
        tpu.enqueue_dma source(%arg22 : memref<16x16xf32, #tpu.memory_space<vmem_shared>>) target(%arg20 : memref<16x16xf32, #tpu.memory_space<vmem>>) target_semaphore(%run_scoped3A : memref<!tpu.dma_semaphore, #tpu.memory_space<semaphore_mem>>)
        tpu.wait_dma2 semaphore(%run_scoped3A : memref<!tpu.dma_semaphore, #tpu.memory_space<semaphore_mem>>) src(%arg22 : memref<16x16xf32, #tpu.memory_space<vmem_shared>>) dst(%arg20 : memref<16x16xf32, #tpu.memory_space<vmem>>)
        tpu.yield
      }) : () -> ()
      %get3A = arith.constant 0 : i32
      %get3A_389 = arith.index_cast %get3A : i32 to index
      %get3A_390 = arith.constant 0 : index
      %get3A_391 = tpu.vector_load %arg20[%get3A_389, %get3A_390] {strides = array<i32>} : memref<16x16xf32, #tpu.memory_space<vmem>>, vector<16xf32>,
      %get3A_392 = arith.constant 1 : i32
      %get3A_393 = arith.index_cast %get3A_392 : i32 to index
      %get3A_394 = arith.constant 0 : index
      %get3A_395 = tpu.vector_load %arg20[%get3A_393, %get3A_394] {strides = array<i32>} : memref<16x16xf32, #tpu.memory_space<vmem>>, vector<16xf32>,
      %add3A_396 = arith.addf %get3A_391, %get3A_395 : vector<16xf32>
      %get3A_397 = arith.constant 2 : i32
      %get3A_398 = arith.index_cast %get3A_397 : i32 to index
      %get3A_399 = arith.constant 0 : index
      %get3A_400 = tpu.vector_load %arg20[%get3A_398, %get3A_399] {strides = array<i32>} : memref<16x16xf32, #tpu.memory_space<vmem>>, vector<16xf32>,
      %add3A_401 = arith.addf %add3A_396, %get3A_400 : vector<16xf32>
      %get3A_402 = arith.constant 3 : i32
      %get3A_403 = arith.index_cast %get3A_402 : i32 to index
      %get3A_404 = arith.constant 0 : index
      %get3A_405 = tpu.vector_load %arg20[%get3A_403, %get3A_404] {strides = array<i32>} : memref<16x16xf32, #tpu.memory_space<vmem>>, vector<16xf32>,
      %add3A_406 = arith.addf %add3A_401, %get3A_405 : vector<16xf32>
      %get3A_407 = arith.constant 4 : i32
      %get3A_408 = arith.index_cast %get3A_407 : i32 to index
      %get3A_409 = arith.constant 0 : index
      %get3A_410 = tpu.vector_load %arg20[%get3A_408, %get3A_409] {strides = array<i32>} : memref<16x16xf32, #tpu.memory_space<vmem>>, vector<16xf32>,
      %add3A_411 = arith.addf %add3A_406, %get3A_410 : vector<16xf32>
      %get3A_412 = arith.constant 5 : i32
      %get3A_413 = arith.index_cast %get3A_412 : i32 to index
      %get3A_414 = arith.constant 0 : index
      %get3A_415 = tpu.vector_load %arg20[%get3A_413, %get3A_414] {strides = array<i32>} : memref<16x16xf32, #tpu.memory_space<vmem>>, vector<16xf32>,
      %add3A_416 = arith.addf %add3A_411, %get3A_415 : vector<16xf32>
      %get3A_417 = arith.constant 6 : i32
      %get3A_418 = arith.index_cast %get3A_417 : i32 to index
      %get3A_419 = arith.constant 0 : index
      %get3A_420 = tpu.vector_load %arg20[%get3A_418, %get3A_419] {strides = array<i32>} : memref<16x16xf32, #tpu.memory_space<vmem>>, vector<16xf32>,
      %add3A_421 = arith.addf %add3A_416, %get3A_420 : vector<16xf32>
      %get3A_422 = arith.constant 7 : i32
      %get3A_423 = arith.index_cast %get3A_422 : i32 to index
      %get3A_424 = arith.constant 0 : index
      %get3A_425 = tpu.vector_load %arg20[%get3A_423, %get3A_424] {strides = array<i32>} : memref<16x16xf32, #tpu.memory_space<vmem>>, vector<16xf32>,
      %add3A_426 = arith.addf %add3A_421, %get3A_425 : vector<16xf32>
      %get3A_427 = arith.constant 8 : i32
      %get3A_428 = arith.index_cast %get3A_427 : i32 to index
      %get3A_429 = arith.constant 0 : index
      %get3A_430 = tpu.vector_load %arg20[%get3A_428, %get3A_429] {strides = array<i32>} : memref<16x16xf32, #tpu.memory_space<vmem>>, vector<16xf32>,
      %add3A_431 = arith.addf %add3A_426, %get3A_430 : vector<16xf32>
      %get3A_432 = arith.constant 9 : i32
      %get3A_433 = arith.index_cast %get3A_432 : i32 to index
      %get3A_434 = arith.constant 0 : index
      %get3A_435 = tpu.vector_load %arg20[%get3A_433, %get3A_434] {strides = array<i32>} : memref<16x16xf32, #tpu.memory_space<vmem>>, vector<16xf32>,
      %add3A_436 = arith.addf %add3A_431, %get3A_435 : vector<16xf32>
      %get3A_437 = arith.constant 10 : i32
      %get3A_438 = arith.index_cast %get3A_437 : i32 to index
      %get3A_439 = arith.constant 0 : index
      %get3A_440 = tpu.vector_load %arg20[%get3A_438, %get3A_439] {strides = array<i32>} : memref<16x16xf32, #tpu.memory_space<vmem>>, vector<16xf32>,
      %add3A_441 = arith.addf %add3A_436, %get3A_440 : vector<16xf32>
      %get3A_442 = arith.constant 11 : i32
      %get3A_443 = arith.index_cast %get3A_442 : i32 to index
      %get3A_444 = arith.constant 0 : index
      %get3A_445 = tpu.vector_load %arg20[%get3A_443, %get3A_444] {strides = array<i32>} : memref<16x16xf32, #tpu.memory_space<vmem>>, vector<16xf32>,
      %add3A_446 = arith.addf %add3A_441, %get3A_445 : vector<16xf32>
      %get3A_447 = arith.constant 12 : i32
      %get3A_448 = arith.index_cast %get3A_447 : i32 to index
      %get3A_449 = arith.constant 0 : index
      %get3A_450 = tpu.vector_load %arg20[%get3A_448, %get3A_449] {strides = array<i32>} : memref<16x16xf32, #tpu.memory_space<vmem>>, vector<16xf32>,
      %add3A_451 = arith.addf %add3A_446, %get3A_450 : vector<16xf32>
      %get3A_452 = arith.constant 13 : i32
      %get3A_453 = arith.index_cast %get3A_452 : i32 to index
      %get3A_454 = arith.constant 0 : index
      %get3A_455 = tpu.vector_load %arg20[%get3A_453, %get3A_454] {strides = array<i32>} : memref<16x16xf32, #tpu.memory_space<vmem>>, vector<16xf32>,
      %add3A_456 = arith.addf %add3A_451, %get3A_455 : vector<16xf32>
      %get3A_457 = arith.constant 14 : i32
      %get3A_458 = arith.index_cast %get3A_457 : i32 to index
      %get3A_459 = arith.constant 0 : index
      %get3A_460 = tpu.vector_load %arg20[%get3A_458, %get3A_459] {strides = array<i32>} : memref<16x16xf32, #tpu.memory_space<vmem>>, vector<16xf32>,
      %add3A_461 = arith.addf %add3A_456, %get3A_460 : vector<16xf32>
      %get3A_462 = arith.constant 15 : i32
      %get3A_463 = arith.index_cast %get3A_462 : i32 to index
      %get3A_464 = arith.constant 0 : index
      %get3A_465 = tpu.vector_load %arg20[%get3A_463, %get3A_464] {strides = array<i32>} : memref<16x16xf32, #tpu.memory_space<vmem>>, vector<16xf32>,
      %add3A_466 = arith.addf %add3A_461, %get3A_465 : vector<16xf32>
      %mul3A_467 = arith.constant 1.95312496E-5 : f32
      %mul3A_468 = vector.broadcast %mul3A_467 : f32 to vector<16xf32>
      %mul3A_469 = arith.mulf %add3A_466, %mul3A_468 : vector<16xf32>
      %swap3A_470 = arith.constant 0 : index
      %swap3A_471 = tpu.vector_load %arg21[%swap3A_470] {strides = array<i32>} : memref<16xf32, #tpu.memory_space<vmem>>, vector<16xf32>,
      tpu.vector_store %arg21[%swap3A_470], %mul3A_469 {strides = array<i32>} : memref<16xf32, #tpu.memory_space<vmem>>, vector<16xf32>,
      "tpu.region"() ({
        %run_scoped3A = tpu.sem_alloc : memref<!tpu.dma_semaphore, #tpu.memory_space<semaphore_mem>>
        %dma_start3A_472 = arith.constant 0 : i32
        %dma_start3A_473 = tpu.memref_slice %arg9[%arg0, %dma_start3A_472] : memref<2x16xf32, #tpu.memory_space<hbm>> -> memref<1x16xf32, #tpu.memory_space<hbm>>
        %dma_start3A_474 = tpu.memref_squeeze %dma_start3A_473 : memref<1x16xf32, #tpu.memory_space<hbm>> -> memref<16xf32, #tpu.memory_space<hbm>>
        %dma_start3A_475 = arith.constant 0 : i32
        %dma_start3A_476 = tpu.memref_slice %arg9[%arg0, %dma_start3A_475] : memref<2x16xf32, #tpu.memory_space<hbm>> -> memref<1x16xf32, #tpu.memory_space<hbm>>
        %dma_start3A_477 = tpu.memref_squeeze %dma_start3A_476 : memref<1x16xf32, #tpu.memory_space<hbm>> -> memref<16xf32, #tpu.memory_space<hbm>>
        tpu.enqueue_dma source(%arg21 : memref<16xf32, #tpu.memory_space<vmem>>) target(%dma_start3A_477 : memref<16xf32, #tpu.memory_space<hbm>>) target_semaphore(%run_scoped3A : memref<!tpu.dma_semaphore, #tpu.memory_space<semaphore_mem>>)
        %dma_wait3A_478 = arith.constant 0 : i32
        %dma_wait3A_479 = tpu.memref_slice %arg9[%arg0, %dma_wait3A_478] : memref<2x16xf32, #tpu.memory_space<hbm>> -> memref<1x16xf32, #tpu.memory_space<hbm>>
        %dma_wait3A_480 = tpu.memref_squeeze %dma_wait3A_479 : memref<1x16xf32, #tpu.memory_space<hbm>> -> memref<16xf32, #tpu.memory_space<hbm>>
        %dma_wait3A_481 = arith.constant 0 : i32
        %dma_wait3A_482 = tpu.memref_slice %arg9[%arg0, %dma_wait3A_481] : memref<2x16xf32, #tpu.memory_space<hbm>> -> memref<1x16xf32, #tpu.memory_space<hbm>>
        %dma_wait3A_483 = tpu.memref_squeeze %dma_wait3A_482 : memref<1x16xf32, #tpu.memory_space<hbm>> -> memref<16xf32, #tpu.memory_space<hbm>>
        tpu.wait_dma2 semaphore(%run_scoped3A : memref<!tpu.dma_semaphore, #tpu.memory_space<semaphore_mem>>) src(%arg21 : memref<16xf32, #tpu.memory_space<vmem>>) dst(%dma_wait3A_483 : memref<16xf32, #tpu.memory_space<hbm>>)
        tpu.yield
      }) : () -> ()
    } else {
    }
    return
  }
}

module attributes {stable_mosaic.version = 14 : i64} {
  func.func @_lse_body(%arg0: memref<1000x1000xf32, #tpu.memory_space<vmem>>, %arg1: memref<1000xf32, #tpu.memory_space<vmem>>, %arg2: memref<500x1000xi32, #tpu.memory_space<vmem>>) attributes {dimension_semantics = [], scalar_prefetch = 0 : i64, scratch_operands = 0 : i64, tpu.core_type = #tpu.core_type<tc>} {
    %get3A = arith.constant 0 : index
    %get3A_0 = arith.constant 0 : index
    %get3A_1 = vector.load %arg0[%get3A, %get3A_0] : memref<1000x1000xf32, #tpu.memory_space<vmem>>, vector<1000x1000xf32>
    %reduce_max3A = arith.constant dense<0xFF800000> : vector<1000xf32>
    %reduce_max3A_2 = vector.multi_reduction <maximumf>, %get3A_1, %reduce_max3A [1] : vector<1000x1000xf32> to vector<1000xf32>
    %broadcast_in_dim3A = vector.shape_cast %reduce_max3A_2 : vector<1000xf32> to vector<1000x1xf32>
    %squeeze3A = vector.shape_cast %broadcast_in_dim3A : vector<1000x1xf32> to vector<1000xf32>
    %sub3A = vector.broadcast %broadcast_in_dim3A : vector<1000x1xf32> to vector<1000x1000xf32>
    %sub3A_3 = arith.subf %get3A_1, %sub3A : vector<1000x1000xf32>
    %exp3A = math.exp %sub3A_3 : vector<1000x1000xf32>
    %reduce_sum3A = arith.constant dense<0.000000e+00> : vector<1000xf32>
    %reduce_sum3A_4 = vector.multi_reduction <add>, %exp3A, %reduce_sum3A [1] : vector<1000x1000xf32> to vector<1000xf32>
    %log3A = math.log %reduce_sum3A_4 : vector<1000xf32>
    %add3A = arith.addf %squeeze3A, %log3A : vector<1000xf32>
    %swap3A = arith.constant 0 : index
    %swap3A_5 = vector.load %arg1[%swap3A] : memref<1000xf32, #tpu.memory_space<vmem>>, vector<1000xf32>
    tpu.vector_store %arg1[%swap3A], %add3A {strides = array<i32>} : memref<1000xf32, #tpu.memory_space<vmem>>, vector<1000xf32>,
    %transpose3A = tpu.transpose %get3A_1, [1, 0] : vector<1000x1000xf32> -> vector<1000x1000xf32>
    %convert_element_type3A = arith.truncf %transpose3A : vector<1000x1000xf32> to vector<1000x1000xbf16>
    %reshape3A = vector.shape_cast %convert_element_type3A : vector<1000x1000xbf16> to vector<500x2x1000xbf16>
    %slice3A = vector.extract_strided_slice %reshape3A {offsets = [0, 0, 0], sizes = [500, 1, 1000], strides = [1, 1, 1]} : vector<500x2x1000xbf16> to vector<500x1x1000xbf16>
    %squeeze3A_6 = vector.shape_cast %slice3A : vector<500x1x1000xbf16> to vector<500x1000xbf16>
    %bitcast_convert_type3A = tpu.bitcast %squeeze3A_6 : vector<500x1000xbf16> -> vector<500x1000xi16>
    %convert_element_type3A_7 = arith.extui %bitcast_convert_type3A : vector<500x1000xi16> to vector<500x1000xi32>
    %slice3A_8 = vector.extract_strided_slice %reshape3A {offsets = [0, 1, 0], sizes = [500, 1, 1000], strides = [1, 1, 1]} : vector<500x2x1000xbf16> to vector<500x1x1000xbf16>
    %squeeze3A_9 = vector.shape_cast %slice3A_8 : vector<500x1x1000xbf16> to vector<500x1000xbf16>
    %bitcast_convert_type3A_10 = tpu.bitcast %squeeze3A_9 : vector<500x1000xbf16> -> vector<500x1000xi16>
    %convert_element_type3A_11 = arith.extui %bitcast_convert_type3A_10 : vector<500x1000xi16> to vector<500x1000xi32>
    %shift_left3A = arith.constant 16 : i32
    %shift_left3A_12 = vector.broadcast %shift_left3A : i32 to vector<500x1000xi32>
    %shift_left3A_13 = arith.shli %convert_element_type3A_11, %shift_left3A_12 : vector<500x1000xi32>
    %or3A = arith.ori %convert_element_type3A_7, %shift_left3A_13 : vector<500x1000xi32>
    %bitcast_convert_type3A_14 = tpu.bitcast %or3A : vector<500x1000xi32> -> vector<500x1000xi32>
    %swap3A_15 = arith.constant 0 : index
    %swap3A_16 = arith.constant 0 : index
    %swap3A_17 = vector.load %arg2[%swap3A_15, %swap3A_16] : memref<500x1000xi32, #tpu.memory_space<vmem>>, vector<500x1000xi32>
    tpu.vector_store %arg2[%swap3A_15, %swap3A_16], %bitcast_convert_type3A_14 {strides = array<i32>} : memref<500x1000xi32, #tpu.memory_space<vmem>>, vector<500x1000xi32>,
    return
  }
}

</mosaic_0001>

<sc_bundles>
// kernel: kernel.4.cloned.1.call-start
scs
__scs_entry_jumppad:
0x0: {  	(pc) =	sbr.rel $0x88, $3  }
0x1: {  	(tag) =	ssettag $0x0;
	lr =	simm.s32 $0x1  }
0x2: {  	[smem:$0x3F9E] =	sst lr;
	_ =	strace $0xD0000000  }
0x3: {  	_ = 	snop  }
0x4: {  	_ = 	snop  }
0x5: {  	_ = 	snop  }
0x6: {  	_ = 	snop  }
0x7: {  	_ = 	snop  }
__scs_overlays_trampoline_lowered:
0x8: {  	[smem:$0x3FAD] =	sst s0  }
0x9: {  	[smem:$0x3FAE] =	sst s1  }
0xa: {  	[smem:$0x3FAF] =	sst s2  }
0xb: {  	[smem:$0x3FB0] =	sst s3  }
0xc: {  	[smem:$0x3FB1] =	sst s4  }
0xd: {  	[smem:$0x3FB2] =	sst s5  }
0xe: {  	[smem:$0x3FB3] =	sst s6  }
0xf: {  	[smem:$0x3FB4] =	sst s7  }
0x10: {  	[smem:$0x3FB5] =	sst s8  }
0x11: {  	[smem:$0x3FB6] =	sst s9;
	s0 =	simm.s32 @!p0 $0x0  }
0x12: {  	s1 =	sld [smem:$0x3F9C];
	s0 =	simm.s32 @p0 $0x1  }
0x13: {  	[smem:$0x3FB7] =	sst s0;
	s0 =	simm.s32 @!p1 $0x0  }
0x14: {  	s2 =	sld [smem:$0x3F9B];
	s0 =	simm.s32 @p1 $0x1  }
0x15: {  	[smem:$0x3FB8] =	sst s0;
	s0 =	simm.s32 @!p2 $0x0  }
0x16: {  	s3 =	sld [smem:$0x3FDB];
	s0 =	simm.s32 @p2 $0x1  }
0x17: {  	s4 =	simm.s32 $0x1BF5;
	[smem:$0x3FBA] =	sst s0  }
0x18: {  	s0 =	sld [smem:$0x3F9D];
	_ =	swait.ge [sflag:s4], $0x0  }
0x19: {  	s7 =	sld [smem:$0x3F9E]  }
0x1a: {  	s8 =	sadd.s32 $0xFFFFE003, lr  }
0x1b: {  	s9 =	sadd.s32 $0xFFFFFEF7, lr;
	s5 =	simm.s32 $0xFFFFFFFF;
	p2 =	slt.u32 s8, $0xFFFFF086  }
0x1c: {  	p1 =	slt.u32 s9, $0xF7A;
	s5 =	simm.s32 @!p2 $0x0  }
0x1d: {  	s5 =	simm.s32 @p1 $0x1;
	p0 =	seq.s32 s7, s2  }
0x1e: {  	s7 =	smul.u32 @!p0 $0xF7A, s2;
	p2 =	seq.s32 @!p0 s5, $0x0  }
0x1f: {  	s9 =	smul.u32 $0xF7A, s1;
	s8 =	simm.s32 @!p0 $0x1BF5;
	p2 =	por !p2, p0  }
0x20: {  	[sflag:s8] =	ssyncset.s32 @!p0 $0xFFFFF086;
	s6 =	sadd.s32 @!p0 s3, s7;
	s7 =	simm.s32 @!p0 $0x108  }
0x21: {  	s3 =	sadd.s32 s3, s9;
	s6 =	sadd.s32 @!p0 $0x88, s6;
	s7 =	simm.s32 @p2 $0x1082  }
0x22: {  	[simem:s7], [sflag:s8] =	dma.local @!p0 [hbm:s6], $0xF7A  }
0x23: {  	s9 =	sor.u32 $0xD0000000, s2;
	s6 =	simm.s32 $0x108;
	_ =	swait.ge @!p0 [sflag:s8], $0x0  }
0x24: {  	s3 =	sadd.s32 $0x88, s3;
	s6 =	simm.s32 @!p1 $0x1082;
	[sflag:s4] =	ssyncset.s32 $0xFFFFF086  }
0x25: {  	[simem:s6], [sflag:s4] =	dma.local [hbm:s3], $0xF7A  }
0x26: {  	[smem:$0x3F9E] =	sst s1;
	(tag) =	ssettag s2;
	_ =	strace s9  }
0x27: {  	s1 =	sld [smem:$0x3FAE]  }
0x28: {  	s2 =	sld [smem:$0x3FAF]  }
0x29: {  	s4 =	sld [smem:$0x3FB1]  }
0x2a: {  	p0 =	seq.s32 s5, $0x0;
	s5 =	sld [smem:$0x3FB2]  }
0x2b: {  	s6 =	sld [smem:$0x3FB3]  }
0x2c: {  	s7 =	sld [smem:$0x3FB4]  }
0x2d: {  	s3 =	simm.s32 $0x108;
	s8 =	sld [smem:$0x3FB5]  }
0x2e: {  	s3 =	simm.s32 @!p0 $0x1082;
	s9 =	sld [smem:$0x3FB6]  }
0x2f: {  	lr =	sadd.s32 s0, s3;
	s0 =	sld [smem:$0x3FAD]  }
0x30: {  	s3 =	sld [smem:$0x3FB0]  }
0x31: {  	[smem:$0x3FB9] =	sst s10  }
0x32: {  	s10 =	sld [smem:$0x3FB7];
	_ =	sdelay $0x3  }
0x33: {  	p0 =	seq.s32 s10, $0x1;
	s10 =	sld [smem:$0x3FB9];
	_ =	sdelay $0x3  }
0x34: {  	[smem:$0x3FB9] =	sst s10  }
0x35: {  	s10 =	sld [smem:$0x3FB8];
	_ =	sdelay $0x3  }
0x36: {  	p1 =	seq.s32 s10, $0x1;
	s10 =	sld [smem:$0x3FB9];
	_ =	sdelay $0x3  }
0x37: {  	[smem:$0x3FB9] =	sst s10  }
0x38: {  	s10 =	sld [smem:$0x3FBA]  }
0x39: {  	_ = 	snop;
	(pc) =	sbr.ind lr, $3  }
0x3a: {  	_ = 	snop  }
0x3b: {  	_ = 	snop  }
0x3c: {  	p2 =	seq.s32 s10, $0x1;
	s10 =	sld [smem:$0x3FB9]  }
0x3d: {  	_ =	shalt  }
0x3e: {  	_ =	shalt  }
0x3f: {  	_ =	shalt  }
0x40: {  	_ =	shalt  }
0x41: {  	_ =	shalt  }
0x42: {  	_ =	shalt  }
0x43: {  	_ =	shalt  }
0x44: {  	_ =	shalt  }
0x45: {  	_ =	shalt  }
0x46: {  	_ =	shalt  }
0x47: {  	_ =	shalt  }
0x48: {  	_ =	shalt  }
0x49: {  	_ =	shalt  }
0x4a: {  	_ =	shalt  }
0x4b: {  	_ =	shalt  }
0x4c: {  	_ =	shalt  }
0x4d: {  	_ =	shalt  }
0x4e: {  	_ =	shalt  }
0x4f: {  	_ =	shalt  }
0x50: {  	_ =	shalt  }
0x51: {  	_ =	shalt  }
0x52: {  	_ =	shalt  }
0x53: {  	_ =	shalt  }
0x54: {  	_ =	shalt  }
0x55: {  	_ =	shalt  }
0x56: {  	_ =	shalt  }
0x57: {  	_ =	shalt  }
0x58: {  	_ =	shalt  }
0x59: {  	_ =	shalt  }
0x5a: {  	_ =	shalt  }
0x5b: {  	_ =	shalt  }
0x5c: {  	_ =	shalt  }
0x5d: {  	_ =	shalt  }
0x5e: {  	_ =	shalt  }
0x5f: {  	_ =	shalt  }
0x60: {  	_ =	shalt  }
0x61: {  	_ =	shalt  }
0x62: {  	_ =	shalt  }
0x63: {  	_ =	shalt  }
0x64: {  	_ =	shalt  }
0x65: {  	_ =	shalt  }
0x66: {  	_ =	shalt  }
0x67: {  	_ =	shalt  }
0x68: {  	_ =	shalt  }
0x69: {  	_ =	shalt  }
0x6a: {  	_ =	shalt  }
0x6b: {  	_ =	shalt  }
0x6c: {  	_ =	shalt  }
0x6d: {  	_ =	shalt  }
0x6e: {  	_ =	shalt  }
0x6f: {  	_ =	shalt  }
0x70: {  	_ =	shalt  }
0x71: {  	_ =	shalt  }
0x72: {  	_ =	shalt  }
0x73: {  	_ =	shalt  }
0x74: {  	_ =	shalt  }
0x75: {  	_ =	shalt  }
0x76: {  	_ =	shalt  }
0x77: {  	_ =	shalt  }
0x78: {  	_ =	shalt  }
0x79: {  	_ =	shalt  }
0x7a: {  	_ =	shalt  }
0x7b: {  	_ =	shalt  }
0x7c: {  	_ =	shalt  }
0x7d: {  	_ =	shalt  }
0x7e: {  	_ =	shalt  }
0x7f: {  	_ =	shalt  }
0x80: {  	_ =	shalt  }
0x81: {  	_ =	shalt  }
0x82: {  	_ =	shalt  }
0x83: {  	_ =	shalt  }
0x84: {  	_ =	shalt  }
0x85: {  	_ =	shalt  }
0x86: {  	_ =	shalt  }
0x87: {  	_ =	shalt  }
.Lfunc_end0:
.L_simem_size_0:
called_computation_lowered:
.L_overlay_start_0:
0x88: {  	s2 =	sld [smem:$0x3FD9]  }
0x89: {  	s3 =	sld [smem:$0x3FFE];
	_ =	sdelay $0x1  }
0x8a: {  	s1 =	srdreg.scid  }
0x8b: {  	s0 =	sand.u32 $0x1, s1  }
0x8c: {  	s14 =	sshll.u32 s0, $0xA;
	s2 =	sadd.s32 s3, s2  }
0x8d: {  	s2 =	sadd.s32 s2, s14  }
0x8e: {  	[smem:$0x3FC5] =	sst s2  }
0x8f: {  	_ = 	snop  }
0x90: {  	s2 =	sld [smem:$0x3FD0];
	_ =	sdelay $0x2  }
0x91: {  	s15 =	simm.s32 $0xA;
	s4 =	simm.s32 $0x10  }
0x92: {  	[smem:s4], [sflag:s15] =	dma.local [hbm:s2], $0x1  }
0x93: {  	_ =	swait.eq [sflag:s15], $0x1  }
0x94: {  	[sflag:s15] =	ssyncset.done $0x0  }
0x95: {  	s16 =	sld [smem:$0x10];
	[sflag:s15] =	ssyncadd.s32 $0xFFFFFFFF  }
0x96: {  	s17 =	sld [smem:$0x11];
	(tm) =	ssettm $0x1  }
0x97: {  	s18 =	sld [smem:$0x3FFB];
	_ =	sdelay $0x3  }
0x98: {  	_ =	strace s18  }
0x99: {  	s4 =	sld [smem:$0x3FFC];
	_ =	sdelay $0x3  }
0x9a: {  	_ =	strace s4  }
0x9b: {  	s4 =	sld [smem:$0x3FFD];
	_ =	sdelay $0x3  }
0x9c: {  	_ =	strace s4  }
0x9d: {  	_ =	strace $0x8FFFFFFF  }
0x9e: {  	s19 =	sld [smem:$0x3FDB];
	_ =	sdelay $0x1  }
0x9f: {  	s5 =	simm.s32 $_scs_section_size  }
0xa0: {  	s6 =	simm.s32 $_size__tile_overlayer_lowered;
	s7 =	simm.s32 $_tile_overlayer_lowered  }
0xa1: {  	s22 =	simm.s32 $0x1BFF;
	s21 =	sshll.u32 s7, $0x1;
	s4 =	sadd.s32 s5, s19  }
0xa2: {  	s8 =	simm.s32 $0x0;
	s20 =	sshll.u32 s6, $0x1;
	s6 =	sadd.s32 s21, s4  }
0xa3: {  	[timem:s8], [sflag:s22] =	dma.local [hbm:s6], s20  }
0xa4: {  	_ =	swait.ge [sflag:s22], s20  }
0xa5: {  	s5 =	ssub.s32 $0x0, s20;
	[sflag:s22] =	ssyncset.done $0x0  }
0xa6: {  	[sflag:s22] =	ssyncadd.s32 s5;
	_ =	sdelay $0x1  }
0xa7: {  	s23 =	simm.s32 $0x1B8B  }
0xa8: {  	_ =	swait.ge [sflag:s23], $0x1  }
0xa9: {  	[sflag:s23] =	ssyncset.done $0x0  }
0xaa: {  	s25 =	simm.s32 $0x1B8E;
	s24 =	sld [smem:$0x3FFE];
	[sflag:s23] =	ssyncadd.s32 $0xFFFFFFFF  }
0xab: {  	s26 =	simm.s32 $execute0_lowered;
	[smem:$0x3FD2] =	sst s25  }
0xac: {  	s6 =	sshll.u32 s26, $0x1;
	_ =	strace $0x80000046;
	[dreg:$0x1] =	wrdreg $0xFFFFFFFF  }
0xad: {  	s28 =	simm.s32 $_size_execute0_lowered;
	s4 =	sadd.s32 s4, s6;
	[dreg:$0x0] =	wrdreg $0x0  }
0xae: {  	s6 =	sshll.u32 s28, $0x1;
	[dreg:$0x2] =	wrdreg s4  }
0xaf: {  	[dreg:$0x3] =	wrdreg s6  }
0xb0: {  	[dreg:$0x4] =	wrdreg $0xC0  }
0xb1: {  	_ =	task [dreg:s8], $0x5FFFF  }
0xb2: {  	[dreg:$0x1] =	wrdreg $0xFFFFFFFF  }
0xb3: {  	[dreg:$0x0] =	wrdreg $0x60  }
0xb4: {  	[dreg:$0x2] =	wrdreg s24  }
0xb5: {  	[dreg:$0x3] =	wrdreg s16  }
0xb6: {  	[dreg:$0x4] =	wrdreg s17  }
0xb7: {  	[dreg:$0x5] =	wrdreg $0x138000  }
0xb8: {  	[dreg:$0x6] =	wrdreg $0x9  }
0xb9: {  	_ =	task.clear_ibuf [dreg:s8], $0x7FFFF;
	_ =	strace $0x90000046  }
0xba: {  	s29 =	simm.s32 $0x9;
	_ =	strace $0x80000048  }
0xbb: {  	_ =	swait.ge [sflag:s29], $0x1  }
0xbc: {  	[sflag:s29] =	ssyncadd.s32 $0xFFFFFFFF  }
0xbd: {  	_ =	strace $0x90000048  }
0xbe: {  	_ =	sfence  }
0xbf: {  	s30 =	sld [smem:$0x0];
	_ =	sdelay $0x2  }
0xc0: {  	s31 =	sshll.u32 s1, $0xD;
	s1 =	sshrl.u32 s1, $0x2  }
0xc1: {  	s3 =	sand.u32 $0x4000, s31;
	s1 =	sadd.s32 s1, s30  }
0xc2: {  	s0 =	sor.u32 s3, s0;
	s1 =	sshll.u32 s1, $0x11  }
0xc3: {  	s0 =	sor.u32 s1, s0  }
0xc4: {  	s0 =	sadd.s32 $0x8F2B, s0  }
0xc5: {  	[sflag:s0] =	ssyncadd.remote.s32 $0x1  }
0xc6: {  	_ =	sfence.sel $0xFFFF  }
0xc7: {  	[dreg:$0x0] =	wrdreg $0xFFFFFFFF;
	(pc) =	sbr.abs _section_cstart, $3  }
0xc8: {  	[dreg:$0x1] =	wrdreg $0xFFFFFFFF  }
0xc9: {  	_ =	task.clear_ibuf [dreg:s8], $0x2FFFF;
	_ =	strace $0x9FFFFFFF  }
0xca: {  	(tm) =	ssettm $0x7FFFFFFF  }
0xcb: {  	_ =	shalt  }
tec
execute0_lowered:
.L_overlay_start_1:
0x0: {  	(tag) =	ssettag $0x1  }
0x1: {  	s0 =	rddreg [dreg:$0x0]  }
0x2: {  	s1 =	rddreg [dreg:$0x1]  }
0x3: {  	s2 =	rddreg [dreg:$0x2]  }
0x4: {  	s14 =	rddreg [dreg:$0x3]  }
0x5: {  	s4 =	srdreg.scid;
	s10 =	stileid.u32  }
0x6: {  	s3 =	simm.s32 $0x0;
	s18 =	simm.s32 $0x3;
	s21 =	simm.s32 $0x80  }
0x7: {  	s20 =	simm.s32 $0x40;
	s28 =	simm.s32 $0xD7A0;
	s29 =	simm.s32 $0x1  }
0x8: {  	s30 =	simm.s32 $0xF7A0;
	s31 =	simm.s32 $0x2;
	s4 =	sand.u32 $0x1, s4  }
0x9: {  	s5 =	sshll.u32 s10, $0x1;
	[smem:$0x7FF] =	sst s3;
	s22 =	sadd.s32 $0x1FA00, s0  }
0xa: {  	s13 =	smul.u32 $0x30D4, s10;
	s25 =	sshll.u32 s10, $0x4;
	p0 =	sne.s32 s10, $0x0  }
0xb: {  	s6 =	sor.u32 s4, s5;
	_ =	strace $0x80000047;
	s24 =	smul.u32 $0x186A, s4  }
0xc: {  	[dreg:$0x5] =	wrdreg s22;
	s5 =	sadd.s32 $0x24800, s0;
	s7 =	smul.u32 $0xC8, s6  }
0xd: {  	s9 =	ssub.s32 $0x2, s4;
	s4 =	sshll.u32 s4, $0x1;
	s8 =	smul.u32 $0x186A, s6  }
0xe: {  	s6 =	sadd.s32 $0x1000, s0;
	s23 =	sshrl.u32 s9, $0x1;
	s26 =	sadd.s32 s24, s13  }
0xf: {  	s13 =	sadd.s32 s2, s4;
	s2 =	simm.s32 $0x0;
	s11 =	sadd.s32 s7, s0  }
0x10: {  	s7 =	sadd.s32 $0xE00, s0;
	s12 =	sadd.s32 $0x186A, s8;
	s8 =	sshrl.u32 s8, $0x5  }
0x11: {  	s0 =	ssub.s32 s9, s23;
	s24 =	sshrl.u32 s26, $0x5;
	s26 =	simm.s32 $0xC800  }
0x12: {  	s12 =	sshrl.u32 s12, $0x5;
	s15 =	sadd.s32 $0x22E00, s11;
	s11 =	sadd.s32 $0x21400, s11  }
0x13: {  	s23 =	sadd.s32 $0x1, s24;
	s9 =	ssub.s32 s12, s8;
	[dreg:$0x6] =	wrdreg s15  }
0x14: {  	[dreg:$0x7] =	wrdreg s11;
	s11 =	sadd.s32 s25, s14;
	s14 =	smax.u32 s0, $0x1  }
0x15: {  	s25 =	sshll.u32 s24, $0xA;
	[dreg:$0x8] =	wrdreg s11;
	s11 =	simm.s32 $0x117A0  }
.LBB2_1:
0x16: {  	s0 =	rddreg [dreg:$0x5]  }
0x17: {  	[tilespmem:s3], [sflag:$0x3] =	stream.linear.gather [hbm4b:s0+s3], $0xC800, $0x38;
	[tilespmem:$0x13810] =	vst v63  }
0x18: {  	_ =	swait.ge [sflag:s18], $0xC800  }
0x19: {  	[sflag:s18] =	ssyncset.done $0x0  }
0x1a: {  	s19 =	rddreg [dreg:$0x6];
	[sflag:s18] =	ssyncadd.s32 $0xFFFF3800  }
0x1b: {  	[tilespmem:s11], [sflag:$0x3] =	stream.linear.gather [hbm4b:s19+s3], $0x640, $0x38;
	[tilespmem:$0x13810] =	vst v63  }
0x1c: {  	_ =	swait.ge [sflag:s18], $0x640  }
0x1d: {  	[sflag:s18] =	ssyncset.done $0x0  }
0x1e: {  	s4 =	simm.s32 $0x11DE0;
	s22 =	rddreg [dreg:$0x7];
	[sflag:s18] =	ssyncadd.s32 $0xFFFFF9C0  }
0x1f: {  	[tilespmem:s4], [sflag:$0x3] =	stream.linear.gather [hbm4b:s22+s3], $0x640, $0x38;
	[tilespmem:$0x13810] =	vst v63  }
0x20: {  	_ =	swait.ge [sflag:s18], $0x640  }
0x21: {  	[sflag:s18] =	ssyncset.done $0x0  }
0x22: {  	s0 =	simm.s32 $0x0;
	[sflag:s18] =	ssyncadd.s32 $0xFFFFF9C0  }
0x23: {  	v0 =	vld [tilespmem:s0+$0x117A0]  }
0x24: {  	s4 =	simm.s32 $0x40;
	v1 =	vld [tilespmem:s0+$0x11DE0]  }
.LBB2_2:
0x25: {  	_ = 	snop  }
0x26: {  	p1 =	sne.s32 s4, $0x18C0  }
.Ltmp0:
0x27: {  	_ = 	snop;
	(pc) =	sbr.rel @p1 .LBB2_2-.Ltmp0, $4  }
0x28: {  	v2 =	vmul.u32 $0x3E8, v0  }
0x29: {  	s10 =	sshra.s32 s4, $0x2  }
0x2a: {  	v0 =	vld [tilespmem:s10+$0x117A0];
	v2 =	vadd.s32 v1, v2  }
0x2b: {  	s4 =	sadd.s32 $0x40, s4;
	v1 =	vld [tilespmem:s10+$0x11DE0];
	[tilespmem:s0+$0x12420] =	vst v2;
	s0 =	smov.u32 s10  }
0x2c: {  	_ =	sdelay $0x2  }
0x2d: {  	v0 =	vmul.u32 $0x3E8, v0;
	_ =	sdelay $0x1  }
0x2e: {  	v0 =	vadd.s32 v1, v0  }
0x2f: {  	s22 =	simm.s32 $0x12420;
	s4 =	simm.s32 $0x12A60;
	[tilespmem:s0+$0x12420] =	vst v0  }
0x30: {  	[tilespmem:s4], [sflag:$0x2] =	stream.indirect.gather [hbm4b:s6+s21], $0x1, s22, s21, $0xb8;
	[tilespmem:$0x13810] =	vst v63  }
0x31: {  	s4 =	simm.s32 $0x130A0  }
0x32: {  	[tilespmem:s4], [sflag:$0x2] =	stream.indirect.gather [hbm4b:s7+s21], $0x1, s11, s21, $0xb8;
	[tilespmem:$0x13810] =	vst v63  }
0x33: {  	s10 =	simm.s32 $0x124A0;
	s11 =	simm.s32 $0x12AE0  }
0x34: {  	[tilespmem:s11], [sflag:$0x2] =	stream.indirect.gather [hbm4b:s6+s21], $0x1, s10, s21, $0xb8;
	[tilespmem:$0x13810] =	vst v63  }
0x35: {  	s12 =	simm.s32 $0x11820;
	s15 =	simm.s32 $0x13120  }
0x36: {  	[tilespmem:s15], [sflag:$0x2] =	stream.indirect.gather [hbm4b:s7+s21], $0x1, s12, s21, $0xb8;
	[tilespmem:$0x13810] =	vst v63  }
0x37: {  	s16 =	simm.s32 $0x12520;
	s17 =	simm.s32 $0x12B60  }
0x38: {  	[tilespmem:s17], [sflag:$0x2] =	stream.indirect.gather [hbm4b:s6+s21], $0x1, s16, s21, $0xb8;
	[tilespmem:$0x13810] =	vst v63  }
0x39: {  	s19 =	simm.s32 $0x118A0;
	s22 =	simm.s32 $0x131A0  }
0x3a: {  	[tilespmem:s22], [sflag:$0x2] =	stream.indirect.gather [hbm4b:s7+s21], $0x1, s19, s21, $0xb8;
	[tilespmem:$0x13810] =	vst v63  }
0x3b: {  	s10 =	simm.s32 $0x125A0;
	s11 =	simm.s32 $0x12BE0  }
0x3c: {  	[tilespmem:s11], [sflag:$0x2] =	stream.indirect.gather [hbm4b:s6+s21], $0x1, s10, s21, $0xb8;
	[tilespmem:$0x13810] =	vst v63  }
0x3d: {  	s12 =	simm.s32 $0x11920;
	s15 =	simm.s32 $0x13220  }
0x3e: {  	[tilespmem:s15], [sflag:$0x2] =	stream.indirect.gather [hbm4b:s7+s21], $0x1, s12, s21, $0xb8;
	[tilespmem:$0x13810] =	vst v63  }
0x3f: {  	s16 =	simm.s32 $0x12620;
	s17 =	simm.s32 $0x12C60  }
0x40: {  	[tilespmem:s17], [sflag:$0x2] =	stream.indirect.gather [hbm4b:s6+s21], $0x1, s16, s21, $0xb8;
	[tilespmem:$0x13810] =	vst v63  }
0x41: {  	s19 =	simm.s32 $0x119A0;
	s22 =	simm.s32 $0x132A0  }
0x42: {  	[tilespmem:s22], [sflag:$0x2] =	stream.indirect.gather [hbm4b:s7+s21], $0x1, s19, s21, $0xb8;
	[tilespmem:$0x13810] =	vst v63  }
0x43: {  	s10 =	simm.s32 $0x126A0;
	s11 =	simm.s32 $0x12CE0  }
0x44: {  	[tilespmem:s11], [sflag:$0x2] =	stream.indirect.gather [hbm4b:s6+s21], $0x1, s10, s21, $0xb8;
	[tilespmem:$0x13810] =	vst v63  }
0x45: {  	s12 =	simm.s32 $0x11A20;
	s15 =	simm.s32 $0x13320  }
0x46: {  	[tilespmem:s15], [sflag:$0x2] =	stream.indirect.gather [hbm4b:s7+s21], $0x1, s12, s21, $0xb8;
	[tilespmem:$0x13810] =	vst v63  }
0x47: {  	s16 =	simm.s32 $0x12720;
	s17 =	simm.s32 $0x12D60  }
0x48: {  	[tilespmem:s17], [sflag:$0x2] =	stream.indirect.gather [hbm4b:s6+s21], $0x1, s16, s21, $0xb8;
	[tilespmem:$0x13810] =	vst v63  }
0x49: {  	s19 =	simm.s32 $0x11AA0;
	s22 =	simm.s32 $0x133A0  }
0x4a: {  	[tilespmem:s22], [sflag:$0x2] =	stream.indirect.gather [hbm4b:s7+s21], $0x1, s19, s21, $0xb8;
	[tilespmem:$0x13810] =	vst v63  }
0x4b: {  	s10 =	simm.s32 $0x127A0;
	s11 =	simm.s32 $0x12DE0  }
0x4c: {  	[tilespmem:s11], [sflag:$0x2] =	stream.indirect.gather [hbm4b:s6+s21], $0x1, s10, s21, $0xb8;
	[tilespmem:$0x13810] =	vst v63  }
0x4d: {  	s12 =	simm.s32 $0x11B20;
	s15 =	simm.s32 $0x13420  }
0x4e: {  	[tilespmem:s15], [sflag:$0x2] =	stream.indirect.gather [hbm4b:s7+s21], $0x1, s12, s21, $0xb8;
	[tilespmem:$0x13810] =	vst v63  }
0x4f: {  	s16 =	simm.s32 $0x12820;
	s17 =	simm.s32 $0x12E60  }
0x50: {  	[tilespmem:s17], [sflag:$0x2] =	stream.indirect.gather [hbm4b:s6+s21], $0x1, s16, s21, $0xb8;
	[tilespmem:$0x13810] =	vst v63  }
0x51: {  	s19 =	simm.s32 $0x11BA0;
	s22 =	simm.s32 $0x134A0  }
0x52: {  	[tilespmem:s22], [sflag:$0x2] =	stream.indirect.gather [hbm4b:s7+s21], $0x1, s19, s21, $0xb8;
	[tilespmem:$0x13810] =	vst v63  }
0x53: {  	s10 =	simm.s32 $0x128A0;
	s11 =	simm.s32 $0x12EE0  }
0x54: {  	[tilespmem:s11], [sflag:$0x2] =	stream.indirect.gather [hbm4b:s6+s21], $0x1, s10, s21, $0xb8;
	[tilespmem:$0x13810] =	vst v63  }
0x55: {  	s12 =	simm.s32 $0x11C20;
	s15 =	simm.s32 $0x13520  }
0x56: {  	[tilespmem:s15], [sflag:$0x2] =	stream.indirect.gather [hbm4b:s7+s21], $0x1, s12, s21, $0xb8;
	[tilespmem:$0x13810] =	vst v63  }
0x57: {  	s16 =	simm.s32 $0x12920;
	s17 =	simm.s32 $0x12F60  }
0x58: {  	[tilespmem:s17], [sflag:$0x2] =	stream.indirect.gather [hbm4b:s6+s21], $0x1, s16, s21, $0xb8;
	[tilespmem:$0x13810] =	vst v63  }
0x59: {  	s19 =	simm.s32 $0x11CA0;
	s22 =	simm.s32 $0x135A0  }
0x5a: {  	[tilespmem:s22], [sflag:$0x2] =	stream.indirect.gather [hbm4b:s7+s21], $0x1, s19, s21, $0xb8;
	[tilespmem:$0x13810] =	vst v63  }
0x5b: {  	s10 =	simm.s32 $0x129A0;
	s11 =	simm.s32 $0x12FE0  }
0x5c: {  	[tilespmem:s11], [sflag:$0x2] =	stream.indirect.gather [hbm4b:s6+s21], $0x1, s10, s21, $0xb8;
	[tilespmem:$0x13810] =	vst v63  }
0x5d: {  	s12 =	simm.s32 $0x11D20;
	s15 =	simm.s32 $0x13620  }
0x5e: {  	[tilespmem:s15], [sflag:$0x2] =	stream.indirect.gather [hbm4b:s7+s21], $0x1, s12, s21, $0xb8;
	[tilespmem:$0x13810] =	vst v63  }
.Ltmp1:
0x5f: {  	s16 =	simm.s32 $0x12A20;
	s17 =	simm.s32 $0x13060;
	(pc) =	sbr.rel .LBB2_4-.Ltmp1, $4  }
0x60: {  	[tilespmem:s17], [sflag:$0x2] =	stream.indirect.gather [hbm4b:s6+s20], $0x1, s16, s20, $0xb8;
	[tilespmem:$0x13810] =	vst v63  }
0x61: {  	s19 =	simm.s32 $0x11DA0;
	s22 =	simm.s32 $0x136A0;
	s15 =	smov.u32 s24  }
0x62: {  	[tilespmem:s22], [sflag:$0x2] =	stream.indirect.gather [hbm4b:s7+s20], $0x1, s19, s20, $0xb8;
	[tilespmem:$0x13810] =	vst v63  }
0x63: {  	s17 =	smov.u32 s23;
	s16 =	smov.u32 s25;
	s22 =	simm.s32 $0x0  }
.LBB2_12:
0x64: {  	s22 =	sadd.s32 $0x1, s22  }
0x65: {  	p1 =	sne.s32 s22, $0x62  }
.Ltmp2:
0x66: {  	_ = 	snop;
	(pc) =	sbr.rel @!p1 .LBB2_13-.Ltmp2, $2  }
0x67: {  	_ =	sdelay $0x2  }
0x68: {  	s16 =	sadd.s32 $0x800, s16;
	s15 =	sadd.s32 $0x2, s15;
	s17 =	sadd.s32 $0x2, s17  }
.LBB2_4:
0x69: {  	s0 =	sshll.u32 s22, $0x1  }
0x6a: {  	p1 =	sge.s32 s0, s9  }
.Ltmp3:
0x6b: {  	_ = 	snop;
	(pc) =	sbr.rel @p1 .LBB2_8-.Ltmp3, $1  }
0x6c: {  	_ =	sdelay $0x3  }
0x6d: {  	s10 =	sadd.s32 s8, s0  }
0x6e: {  	s4 =	smulhi.u32 $0x51EB851F, s10;
	_ =	sdelay $0x1  }
0x6f: {  	s4 =	sshrl.u32 s4, $0x4  }
0x70: {  	s11 =	smul.u32 $0x32, s4;
	_ =	sdelay $0x1  }
0x71: {  	p1 =	seq.s32 s22, $0x0;
	s19 =	ssub.s32 s10, s11  }
0x72: {  	p2 =	sne.s32 @!p1 s19, $0x0  }
0x73: {  	p1 =	por p1, !p2  }
0x74: {  	s10 =	smul.u32 @p1 $0x1F4, s4;
	_ =	sdelay $0x1  }
0x75: {  	s11 =	simm.s32 @p1 $0x0;
	s12 =	simm.s32 @p1 $0xC800;
	s10 =	sadd.s32 @p1 s5, s10  }
0x76: {  	[tilespmem:s12], [sflag:$0x3] =	stream.linear.gather @p1 [hbm4b:s10+s11], $0xFA0, $0x38;
	[tilespmem:$0x13810] =	vst v63  }
0x77: {  	s10 =	simm.s32 @p1 $0x3  }
0x78: {  	s12 =	smulhi.u32 $0x51EB851F, s15;
	_ =	swait.ge @p1 [sflag:s10], $0xFA0  }
0x79: {  	[sflag:s10] =	ssyncset.done @p1 $0x0  }
0x7a: {  	[sflag:s10] =	ssyncadd.s32 @p1 $0xFFFFF060;
	s10 =	sshrl.u32 s12, $0x4  }
0x7b: {  	s10 =	smul.u32 $0xFFFCE000, s10;
	_ =	sdelay $0x1  }
0x7c: {  	s10 =	sshra.s32 s10, $0x2  }
0x7d: {  	p2 =	seq.s32 @p1 s22, $0x0;
	s12 =	sadd.s32 s10, s16  }
0x7e: {  	p2 =	por !p1, !p2;
	v0 =	vmov s12  }
0x7f: {  	_ =	swait.ge @p2 [sflag:s29], $0x2000  }
0x80: {  	[sflag:s29] =	ssyncset.done @p2 $0x0  }
0x81: {  	s11 =	simm.s32 $0xD9A0;
	[sflag:s29] =	ssyncadd.s32 @p2 $0xFFFFE000;
	s10 =	simm.s32 $0x0  }
.LBB2_6:
0x82: {  	s12 =	sshra.s32 s10, $0x2  }
0x83: {  	v1 =	vld.idx.msk [tilespmem:v0+s12+$0x0 ss:$0x1], $0xffff;
	_ =	sdelay $0x7  }
0x84: {  	v2 =	vld.idx.msk [tilespmem:v1+s26+$0x0], $0xffff;
	_ =	sdelay $0x2  }
0x85: {  	v3 =	vadd.s32 $0x3E8, v1;
	_ =	sdelay $0x1  }
0x86: {  	v4 =	vunpack.i.l.bf16.f32 v2  }
0x87: {  	v2 =	vunpack.i.u.bf16.f32 v2;
	[tilespmem:s11+$0xFFFFFE00] =	vst v4  }
0x88: {  	[tilespmem:s11+$0xFFFFFE80] =	vst v2  }
0x89: {  	v2 =	vld.idx.msk [tilespmem:v3+s26+$0x0], $0xffff;
	_ =	sdelay $0x2  }
0x8a: {  	v3 =	vadd.s32 $0x7D0, v1;
	_ =	sdelay $0x1  }
0x8b: {  	v49 =	vunpack.i.l.bf16.f32 v2  }
0x8c: {  	v2 =	vunpack.i.u.bf16.f32 v2;
	[tilespmem:s11+$0xFFFFFF00] =	vst v49  }
0x8d: {  	[tilespmem:s11+$0xFFFFFF80] =	vst v2  }
0x8e: {  	v2 =	vld.idx.msk [tilespmem:v3+s26+$0x0], $0xffff;
	_ =	sdelay $0x2  }
0x8f: {  	v1 =	vadd.s32 $0xBB8, v1;
	_ =	sdelay $0x1  }
0x90: {  	v3 =	vunpack.i.l.bf16.f32 v2  }
0x91: {  	v2 =	vunpack.i.u.bf16.f32 v2;
	[tilespmem:s11+$0x0] =	vst v3  }
0x92: {  	[tilespmem:s11+$0x80] =	vst v2  }
0x93: {  	v1 =	vld.idx.msk [tilespmem:v1+s26+$0x0], $0xffff;
	_ =	sdelay $0x4  }
0x94: {  	v2 =	vunpack.i.l.bf16.f32 v1  }
0x95: {  	v1 =	vunpack.i.u.bf16.f32 v1;
	[tilespmem:s11+$0x100] =	vst v2  }
0x96: {  	[tilespmem:s11+$0x180] =	vst v1  }
0x97: {  	v1 =	vld.idx.msk [tilespmem:v0+s12+$0x10 ss:$0x1], $0xffff;
	_ =	sdelay $0x7  }
0x98: {  	v2 =	vld.idx.msk [tilespmem:v1+s26+$0x0], $0xffff;
	_ =	sdelay $0x2  }
0x99: {  	v3 =	vadd.s32 $0x3E8, v1;
	_ =	sdelay $0x1  }
0x9a: {  	v50 =	vunpack.i.l.bf16.f32 v2  }
0x9b: {  	v2 =	vunpack.i.u.bf16.f32 v2;
	[tilespmem:s11+$0xFFFFFE10] =	vst v50  }
0x9c: {  	[tilespmem:s11+$0xFFFFFE90] =	vst v2  }
0x9d: {  	v2 =	vld.idx.msk [tilespmem:v3+s26+$0x0], $0xffff;
	_ =	sdelay $0x2  }
0x9e: {  	v3 =	vadd.s32 $0x7D0, v1;
	_ =	sdelay $0x1  }
0x9f: {  	v51 =	vunpack.i.l.bf16.f32 v2  }
0xa0: {  	v2 =	vunpack.i.u.bf16.f32 v2;
	[tilespmem:s11+$0xFFFFFF10] =	vst v51  }
0xa1: {  	[tilespmem:s11+$0xFFFFFF90] =	vst v2  }
0xa2: {  	v2 =	vld.idx.msk [tilespmem:v3+s26+$0x0], $0xffff;
	_ =	sdelay $0x2  }
0xa3: {  	v1 =	vadd.s32 $0xBB8, v1;
	_ =	sdelay $0x1  }
0xa4: {  	v3 =	vunpack.i.l.bf16.f32 v2  }
0xa5: {  	v2 =	vunpack.i.u.bf16.f32 v2;
	[tilespmem:s11+$0x10] =	vst v3  }
0xa6: {  	[tilespmem:s11+$0x90] =	vst v2  }
0xa7: {  	v1 =	vld.idx.msk [tilespmem:v1+s26+$0x0], $0xffff;
	_ =	sdelay $0x4  }
0xa8: {  	v2 =	vunpack.i.l.bf16.f32 v1  }
0xa9: {  	v1 =	vunpack.i.u.bf16.f32 v1;
	[tilespmem:s11+$0x110] =	vst v2  }
0xaa: {  	[tilespmem:s11+$0x190] =	vst v1  }
0xab: {  	v1 =	vld.idx.msk [tilespmem:v0+s12+$0x20 ss:$0x1], $0xffff;
	_ =	sdelay $0x7  }
0xac: {  	v2 =	vld.idx.msk [tilespmem:v1+s26+$0x0], $0xffff;
	_ =	sdelay $0x2  }
0xad: {  	v3 =	vadd.s32 $0x3E8, v1;
	_ =	sdelay $0x1  }
0xae: {  	v52 =	vunpack.i.l.bf16.f32 v2  }
0xaf: {  	v2 =	vunpack.i.u.bf16.f32 v2;
	[tilespmem:s11+$0xFFFFFE20] =	vst v52  }
0xb0: {  	[tilespmem:s11+$0xFFFFFEA0] =	vst v2  }
0xb1: {  	v2 =	vld.idx.msk [tilespmem:v3+s26+$0x0], $0xffff;
	_ =	sdelay $0x2  }
0xb2: {  	v3 =	vadd.s32 $0x7D0, v1;
	_ =	sdelay $0x1  }
0xb3: {  	v53 =	vunpack.i.l.bf16.f32 v2  }
0xb4: {  	v2 =	vunpack.i.u.bf16.f32 v2;
	[tilespmem:s11+$0xFFFFFF20] =	vst v53  }
0xb5: {  	[tilespmem:s11+$0xFFFFFFA0] =	vst v2  }
0xb6: {  	v2 =	vld.idx.msk [tilespmem:v3+s26+$0x0], $0xffff;
	_ =	sdelay $0x2  }
0xb7: {  	v1 =	vadd.s32 $0xBB8, v1;
	_ =	sdelay $0x1  }
0xb8: {  	v3 =	vunpack.i.l.bf16.f32 v2  }
0xb9: {  	v2 =	vunpack.i.u.bf16.f32 v2;
	[tilespmem:s11+$0x20] =	vst v3  }
0xba: {  	[tilespmem:s11+$0xA0] =	vst v2  }
0xbb: {  	v1 =	vld.idx.msk [tilespmem:v1+s26+$0x0], $0xffff;
	_ =	sdelay $0x4  }
0xbc: {  	v2 =	vunpack.i.l.bf16.f32 v1  }
0xbd: {  	v1 =	vunpack.i.u.bf16.f32 v1;
	[tilespmem:s11+$0x120] =	vst v2  }
0xbe: {  	[tilespmem:s11+$0x1A0] =	vst v1  }
0xbf: {  	v1 =	vld.idx.msk [tilespmem:v0+s12+$0x30 ss:$0x1], $0xffff;
	_ =	sdelay $0x7  }
0xc0: {  	v2 =	vld.idx.msk [tilespmem:v1+s26+$0x0], $0xffff;
	_ =	sdelay $0x2  }
0xc1: {  	v3 =	vadd.s32 $0x3E8, v1;
	_ =	sdelay $0x1  }
0xc2: {  	v54 =	vunpack.i.l.bf16.f32 v2  }
0xc3: {  	v2 =	vunpack.i.u.bf16.f32 v2;
	[tilespmem:s11+$0xFFFFFE30] =	vst v54  }
0xc4: {  	[tilespmem:s11+$0xFFFFFEB0] =	vst v2  }
0xc5: {  	v2 =	vld.idx.msk [tilespmem:v3+s26+$0x0], $0xffff;
	_ =	sdelay $0x2  }
0xc6: {  	v3 =	vadd.s32 $0x7D0, v1;
	_ =	sdelay $0x1  }
0xc7: {  	v55 =	vunpack.i.l.bf16.f32 v2  }
0xc8: {  	v2 =	vunpack.i.u.bf16.f32 v2;
	[tilespmem:s11+$0xFFFFFF30] =	vst v55  }
0xc9: {  	[tilespmem:s11+$0xFFFFFFB0] =	vst v2  }
0xca: {  	v2 =	vld.idx.msk [tilespmem:v3+s26+$0x0], $0xffff;
	_ =	sdelay $0x2  }
0xcb: {  	v1 =	vadd.s32 $0xBB8, v1;
	_ =	sdelay $0x1  }
0xcc: {  	v3 =	vunpack.i.l.bf16.f32 v2  }
0xcd: {  	v2 =	vunpack.i.u.bf16.f32 v2;
	[tilespmem:s11+$0x30] =	vst v3  }
0xce: {  	[tilespmem:s11+$0xB0] =	vst v2  }
0xcf: {  	v1 =	vld.idx.msk [tilespmem:v1+s26+$0x0], $0xffff;
	_ =	sdelay $0x4  }
0xd0: {  	v2 =	vunpack.i.l.bf16.f32 v1  }
0xd1: {  	v1 =	vunpack.i.u.bf16.f32 v1;
	[tilespmem:s11+$0x130] =	vst v2  }
0xd2: {  	[tilespmem:s11+$0x1B0] =	vst v1  }
0xd3: {  	v1 =	vld.idx.msk [tilespmem:v0+s12+$0x40 ss:$0x1], $0xffff;
	_ =	sdelay $0x7  }
0xd4: {  	v2 =	vld.idx.msk [tilespmem:v1+s26+$0x0], $0xffff;
	_ =	sdelay $0x2  }
0xd5: {  	v3 =	vadd.s32 $0x3E8, v1;
	_ =	sdelay $0x1  }
0xd6: {  	v56 =	vunpack.i.l.bf16.f32 v2  }
0xd7: {  	v2 =	vunpack.i.u.bf16.f32 v2;
	[tilespmem:s11+$0xFFFFFE40] =	vst v56  }
0xd8: {  	[tilespmem:s11+$0xFFFFFEC0] =	vst v2  }
0xd9: {  	v2 =	vld.idx.msk [tilespmem:v3+s26+$0x0], $0xffff;
	_ =	sdelay $0x2  }
0xda: {  	v3 =	vadd.s32 $0x7D0, v1;
	_ =	sdelay $0x1  }
0xdb: {  	v57 =	vunpack.i.l.bf16.f32 v2  }
0xdc: {  	v2 =	vunpack.i.u.bf16.f32 v2;
	[tilespmem:s11+$0xFFFFFF40] =	vst v57  }
0xdd: {  	[tilespmem:s11+$0xFFFFFFC0] =	vst v2  }
0xde: {  	v2 =	vld.idx.msk [tilespmem:v3+s26+$0x0], $0xffff;
	_ =	sdelay $0x2  }
0xdf: {  	v1 =	vadd.s32 $0xBB8, v1;
	_ =	sdelay $0x1  }
0xe0: {  	v3 =	vunpack.i.l.bf16.f32 v2  }
0xe1: {  	v2 =	vunpack.i.u.bf16.f32 v2;
	[tilespmem:s11+$0x40] =	vst v3  }
0xe2: {  	[tilespmem:s11+$0xC0] =	vst v2  }
0xe3: {  	v1 =	vld.idx.msk [tilespmem:v1+s26+$0x0], $0xffff;
	_ =	sdelay $0x4  }
0xe4: {  	v2 =	vunpack.i.l.bf16.f32 v1  }
0xe5: {  	v1 =	vunpack.i.u.bf16.f32 v1;
	[tilespmem:s11+$0x140] =	vst v2  }
0xe6: {  	[tilespmem:s11+$0x1C0] =	vst v1  }
0xe7: {  	v1 =	vld.idx.msk [tilespmem:v0+s12+$0x50 ss:$0x1], $0xffff;
	_ =	sdelay $0x7  }
0xe8: {  	v2 =	vld.idx.msk [tilespmem:v1+s26+$0x0], $0xffff;
	_ =	sdelay $0x2  }
0xe9: {  	v3 =	vadd.s32 $0x3E8, v1;
	_ =	sdelay $0x1  }
0xea: {  	v58 =	vunpack.i.l.bf16.f32 v2  }
0xeb: {  	v2 =	vunpack.i.u.bf16.f32 v2;
	[tilespmem:s11+$0xFFFFFE50] =	vst v58  }
0xec: {  	[tilespmem:s11+$0xFFFFFED0] =	vst v2  }
0xed: {  	v2 =	vld.idx.msk [tilespmem:v3+s26+$0x0], $0xffff;
	_ =	sdelay $0x2  }
0xee: {  	v3 =	vadd.s32 $0x7D0, v1;
	_ =	sdelay $0x1  }
0xef: {  	v59 =	vunpack.i.l.bf16.f32 v2  }
0xf0: {  	v2 =	vunpack.i.u.bf16.f32 v2;
	[tilespmem:s11+$0xFFFFFF50] =	vst v59  }
0xf1: {  	[tilespmem:s11+$0xFFFFFFD0] =	vst v2  }
0xf2: {  	v2 =	vld.idx.msk [tilespmem:v3+s26+$0x0], $0xffff;
	_ =	sdelay $0x2  }
0xf3: {  	v1 =	vadd.s32 $0xBB8, v1;
	_ =	sdelay $0x1  }
0xf4: {  	v3 =	vunpack.i.l.bf16.f32 v2  }
0xf5: {  	v2 =	vunpack.i.u.bf16.f32 v2;
	[tilespmem:s11+$0x50] =	vst v3  }
0xf6: {  	[tilespmem:s11+$0xD0] =	vst v2  }
0xf7: {  	v1 =	vld.idx.msk [tilespmem:v1+s26+$0x0], $0xffff;
	_ =	sdelay $0x4  }
0xf8: {  	v2 =	vunpack.i.l.bf16.f32 v1  }
0xf9: {  	v1 =	vunpack.i.u.bf16.f32 v1;
	[tilespmem:s11+$0x150] =	vst v2  }
0xfa: {  	[tilespmem:s11+$0x1D0] =	vst v1  }
0xfb: {  	v1 =	vld.idx.msk [tilespmem:v0+s12+$0x60 ss:$0x1], $0xffff;
	_ =	sdelay $0x7  }
0xfc: {  	v2 =	vld.idx.msk [tilespmem:v1+s26+$0x0], $0xffff;
	_ =	sdelay $0x2  }
0xfd: {  	v3 =	vadd.s32 $0x3E8, v1;
	_ =	sdelay $0x1  }
0xfe: {  	v60 =	vunpack.i.l.bf16.f32 v2  }
0xff: {  	v2 =	vunpack.i.u.bf16.f32 v2;
	[tilespmem:s11+$0xFFFFFE60] =	vst v60  }
0x100: {  	[tilespmem:s11+$0xFFFFFEE0] =	vst v2  }
0x101: {  	v2 =	vld.idx.msk [tilespmem:v3+s26+$0x0], $0xffff;
	_ =	sdelay $0x2  }
0x102: {  	v3 =	vadd.s32 $0x7D0, v1;
	_ =	sdelay $0x1  }
0x103: {  	v61 =	vunpack.i.l.bf16.f32 v2  }
0x104: {  	v2 =	vunpack.i.u.bf16.f32 v2;
	[tilespmem:s11+$0xFFFFFF60] =	vst v61  }
0x105: {  	[tilespmem:s11+$0xFFFFFFE0] =	vst v2  }
0x106: {  	v2 =	vld.idx.msk [tilespmem:v3+s26+$0x0], $0xffff;
	_ =	sdelay $0x2  }
0x107: {  	v1 =	vadd.s32 $0xBB8, v1;
	_ =	sdelay $0x1  }
0x108: {  	v3 =	vunpack.i.l.bf16.f32 v2  }
0x109: {  	v2 =	vunpack.i.u.bf16.f32 v2;
	[tilespmem:s11+$0x60] =	vst v3  }
0x10a: {  	[tilespmem:s11+$0xE0] =	vst v2  }
0x10b: {  	v1 =	vld.idx.msk [tilespmem:v1+s26+$0x0], $0xffff;
	_ =	sdelay $0x4  }
0x10c: {  	v2 =	vunpack.i.l.bf16.f32 v1  }
0x10d: {  	v1 =	vunpack.i.u.bf16.f32 v1;
	[tilespmem:s11+$0x160] =	vst v2  }
0x10e: {  	[tilespmem:s11+$0x1E0] =	vst v1  }
0x10f: {  	v1 =	vld.idx.msk [tilespmem:v0+s12+$0x70 ss:$0x1], $0xffff;
	_ =	sdelay $0x7  }
0x110: {  	v2 =	vld.idx.msk [tilespmem:v1+s26+$0x0], $0xffff;
	_ =	sdelay $0x2  }
0x111: {  	v3 =	vadd.s32 $0x3E8, v1;
	_ =	sdelay $0x1  }
0x112: {  	v62 =	vunpack.i.l.bf16.f32 v2  }
0x113: {  	v2 =	vunpack.i.u.bf16.f32 v2;
	[tilespmem:s11+$0xFFFFFE70] =	vst v62  }
0x114: {  	[tilespmem:s11+$0xFFFFFEF0] =	vst v2  }
0x115: {  	v2 =	vld.idx.msk [tilespmem:v3+s26+$0x0], $0xffff;
	_ =	sdelay $0x2  }
0x116: {  	v3 =	vadd.s32 $0x7D0, v1;
	_ =	sdelay $0x1  }
0x117: {  	v63 =	vunpack.i.l.bf16.f32 v2  }
0x118: {  	v2 =	vunpack.i.u.bf16.f32 v2;
	[tilespmem:s11+$0xFFFFFF70] =	vst v63  }
0x119: {  	[tilespmem:s11+$0xFFFFFFF0] =	vst v2  }
0x11a: {  	v2 =	vld.idx.msk [tilespmem:v3+s26+$0x0], $0xffff;
	_ =	sdelay $0x2  }
0x11b: {  	v1 =	vadd.s32 $0xBB8, v1;
	_ =	sdelay $0x1  }
0x11c: {  	v3 =	vunpack.i.l.bf16.f32 v2  }
0x11d: {  	v2 =	vunpack.i.u.bf16.f32 v2;
	[tilespmem:s11+$0x70] =	vst v3  }
0x11e: {  	[tilespmem:s11+$0xF0] =	vst v2  }
0x11f: {  	v1 =	vld.idx.msk [tilespmem:v1+s26+$0x0], $0xffff;
	_ =	sdelay $0x1  }
0x120: {  	p1 =	sne.s32 s10, $0xE00  }
.Ltmp4:
0x121: {  	_ = 	snop;
	(pc) =	sbr.rel @p1 .LBB2_6-.Ltmp4, $4  }
0x122: {  	_ = 	snop  }
0x123: {  	v2 =	vunpack.i.l.bf16.f32 v1  }
0x124: {  	v1 =	vunpack.i.u.bf16.f32 v1;
	[tilespmem:s11+$0x170] =	vst v2  }
0x125: {  	s10 =	sadd.s32 $0x200, s10;
	[tilespmem:s11+$0x1F0] =	vst v1;
	s11 =	sadd.s32 $0x400, s11  }
0x126: {  	s10 =	smul.u32 $0x7D, s19;
	_ =	sdelay $0x1  }
0x127: {  	s4 =	sadd.s32 s4, s10  }
0x128: {  	s4 =	sshll.u32 s4, $0xA  }
0x129: {  	s4 =	sand.u32 $0x1FFFFC00, s4  }
0x12a: {  	s4 =	sadd.s32 s1, s4  }
0x12b: {  	[hbm4b:s4+s3] =	stream.linear.scatter [tilespmem:s28], [sflag:$0x1], $0x2000, $0x38;
	[tilespmem:$0x13810] =	vst v63  }
.LBB2_8:
0x12c: {  	s0 =	sor.u32 $0x1, s0  }
0x12d: {  	p1 =	sge.s32 s0, s9  }
.Ltmp5:
0x12e: {  	_ = 	snop;
	(pc) =	sbr.rel @p1 .LBB2_12-.Ltmp5, $1  }
0x12f: {  	_ =	sdelay $0x3  }
0x130: {  	s4 =	sadd.s32 s8, s0  }
0x131: {  	s0 =	smulhi.u32 $0x51EB851F, s4;
	_ =	sdelay $0x1  }
0x132: {  	s0 =	sshrl.u32 s0, $0x4  }
0x133: {  	s10 =	smul.u32 $0x32, s0;
	_ =	sdelay $0x1  }
0x134: {  	s11 =	smulhi.u32 $0x51EB851F, s17;
	s4 =	ssub.s32 s4, s10  }
0x135: {  	p1 =	sne.s32 s4, $0x0  }
0x136: {  	s11 =	sshrl.u32 s11, $0x4;
	s10 =	smul.u32 @!p1 $0x1F4, s0  }
0x137: {  	s11 =	smul.u32 $0xFFFCE000, s11  }
0x138: {  	s12 =	simm.s32 @!p1 $0x0;
	s19 =	simm.s32 @!p1 $0xC800;
	s10 =	sadd.s32 @!p1 s5, s10  }
0x139: {  	[tilespmem:s19], [sflag:$0x3] =	stream.linear.gather @!p1 [hbm4b:s10+s12], $0xFA0, $0x38;
	[tilespmem:$0x13810] =	vst v63  }
0x13a: {  	s10 =	simm.s32 @!p1 $0x3  }
0x13b: {  	s11 =	sshra.s32 s11, $0x2;
	_ =	swait.ge @!p1 [sflag:s10], $0xFA0  }
0x13c: {  	p2 =	seq.s32 s22, $0x0;
	s19 =	sadd.s32 s11, s16;
	[sflag:s10] =	ssyncset.done @!p1 $0x0  }
0x13d: {  	v0 =	vmov s19;
	[sflag:s10] =	ssyncadd.s32 @!p1 $0xFFFFF060;
	s10 =	simm.s32 @!p2 $0x1  }
0x13e: {  	_ =	swait.ge @!p2 [sflag:s10], $0x2000  }
0x13f: {  	[sflag:s10] =	ssyncset.done @!p2 $0x0  }
0x140: {  	s11 =	simm.s32 $0xF9A0;
	[sflag:s10] =	ssyncadd.s32 @!p2 $0xFFFFE000;
	s10 =	simm.s32 $0x0  }
.LBB2_10:
0x141: {  	s12 =	sshra.s32 s10, $0x2  }
0x142: {  	v1 =	vld.idx.msk [tilespmem:v0+s12+$0x400 ss:$0x1], $0xffff;
	_ =	sdelay $0x7  }
0x143: {  	v2 =	vld.idx.msk [tilespmem:v1+s26+$0x0], $0xffff;
	_ =	sdelay $0x2  }
0x144: {  	v3 =	vadd.s32 $0x3E8, v1;
	_ =	sdelay $0x1  }
0x145: {  	v4 =	vunpack.i.l.bf16.f32 v2  }
0x146: {  	v2 =	vunpack.i.u.bf16.f32 v2;
	[tilespmem:s11+$0xFFFFFE00] =	vst v4  }
0x147: {  	[tilespmem:s11+$0xFFFFFE80] =	vst v2  }
0x148: {  	v2 =	vld.idx.msk [tilespmem:v3+s26+$0x0], $0xffff;
	_ =	sdelay $0x2  }
0x149: {  	v3 =	vadd.s32 $0x7D0, v1;
	_ =	sdelay $0x1  }
0x14a: {  	v49 =	vunpack.i.l.bf16.f32 v2  }
0x14b: {  	v2 =	vunpack.i.u.bf16.f32 v2;
	[tilespmem:s11+$0xFFFFFF00] =	vst v49  }
0x14c: {  	[tilespmem:s11+$0xFFFFFF80] =	vst v2  }
0x14d: {  	v2 =	vld.idx.msk [tilespmem:v3+s26+$0x0], $0xffff;
	_ =	sdelay $0x2  }
0x14e: {  	v1 =	vadd.s32 $0xBB8, v1;
	_ =	sdelay $0x1  }
0x14f: {  	v3 =	vunpack.i.l.bf16.f32 v2  }
0x150: {  	v2 =	vunpack.i.u.bf16.f32 v2;
	[tilespmem:s11+$0x0] =	vst v3  }
0x151: {  	[tilespmem:s11+$0x80] =	vst v2  }
0x152: {  	v1 =	vld.idx.msk [tilespmem:v1+s26+$0x0], $0xffff;
	_ =	sdelay $0x4  }
0x153: {  	v2 =	vunpack.i.l.bf16.f32 v1  }
0x154: {  	v1 =	vunpack.i.u.bf16.f32 v1;
	[tilespmem:s11+$0x100] =	vst v2  }
0x155: {  	[tilespmem:s11+$0x180] =	vst v1  }
0x156: {  	v1 =	vld.idx.msk [tilespmem:v0+s12+$0x410 ss:$0x1], $0xffff;
	_ =	sdelay $0x7  }
0x157: {  	v2 =	vld.idx.msk [tilespmem:v1+s26+$0x0], $0xffff;
	_ =	sdelay $0x2  }
0x158: {  	v3 =	vadd.s32 $0x3E8, v1;
	_ =	sdelay $0x1  }
0x159: {  	v50 =	vunpack.i.l.bf16.f32 v2  }
0x15a: {  	v2 =	vunpack.i.u.bf16.f32 v2;
	[tilespmem:s11+$0xFFFFFE10] =	vst v50  }
0x15b: {  	[tilespmem:s11+$0xFFFFFE90] =	vst v2  }
0x15c: {  	v2 =	vld.idx.msk [tilespmem:v3+s26+$0x0], $0xffff;
	_ =	sdelay $0x2  }
0x15d: {  	v3 =	vadd.s32 $0x7D0, v1;
	_ =	sdelay $0x1  }
0x15e: {  	v51 =	vunpack.i.l.bf16.f32 v2  }
0x15f: {  	v2 =	vunpack.i.u.bf16.f32 v2;
	[tilespmem:s11+$0xFFFFFF10] =	vst v51  }
0x160: {  	[tilespmem:s11+$0xFFFFFF90] =	vst v2  }
0x161: {  	v2 =	vld.idx.msk [tilespmem:v3+s26+$0x0], $0xffff;
	_ =	sdelay $0x2  }
0x162: {  	v1 =	vadd.s32 $0xBB8, v1;
	_ =	sdelay $0x1  }
0x163: {  	v3 =	vunpack.i.l.bf16.f32 v2  }
0x164: {  	v2 =	vunpack.i.u.bf16.f32 v2;
	[tilespmem:s11+$0x10] =	vst v3  }
0x165: {  	[tilespmem:s11+$0x90] =	vst v2  }
0x166: {  	v1 =	vld.idx.msk [tilespmem:v1+s26+$0x0], $0xffff;
	_ =	sdelay $0x4  }
0x167: {  	v2 =	vunpack.i.l.bf16.f32 v1  }
0x168: {  	v1 =	vunpack.i.u.bf16.f32 v1;
	[tilespmem:s11+$0x110] =	vst v2  }
0x169: {  	[tilespmem:s11+$0x190] =	vst v1  }
0x16a: {  	v1 =	vld.idx.msk [tilespmem:v0+s12+$0x420 ss:$0x1], $0xffff;
	_ =	sdelay $0x7  }
0x16b: {  	v2 =	vld.idx.msk [tilespmem:v1+s26+$0x0], $0xffff;
	_ =	sdelay $0x2  }
0x16c: {  	v3 =	vadd.s32 $0x3E8, v1;
	_ =	sdelay $0x1  }
0x16d: {  	v52 =	vunpack.i.l.bf16.f32 v2  }
0x16e: {  	v2 =	vunpack.i.u.bf16.f32 v2;
	[tilespmem:s11+$0xFFFFFE20] =	vst v52  }
0x16f: {  	[tilespmem:s11+$0xFFFFFEA0] =	vst v2  }
0x170: {  	v2 =	vld.idx.msk [tilespmem:v3+s26+$0x0], $0xffff;
	_ =	sdelay $0x2  }
0x171: {  	v3 =	vadd.s32 $0x7D0, v1;
	_ =	sdelay $0x1  }
0x172: {  	v53 =	vunpack.i.l.bf16.f32 v2  }
0x173: {  	v2 =	vunpack.i.u.bf16.f32 v2;
	[tilespmem:s11+$0xFFFFFF20] =	vst v53  }
0x174: {  	[tilespmem:s11+$0xFFFFFFA0] =	vst v2  }
0x175: {  	v2 =	vld.idx.msk [tilespmem:v3+s26+$0x0], $0xffff;
	_ =	sdelay $0x2  }
0x176: {  	v1 =	vadd.s32 $0xBB8, v1;
	_ =	sdelay $0x1  }
0x177: {  	v3 =	vunpack.i.l.bf16.f32 v2  }
0x178: {  	v2 =	vunpack.i.u.bf16.f32 v2;
	[tilespmem:s11+$0x20] =	vst v3  }
0x179: {  	[tilespmem:s11+$0xA0] =	vst v2  }
0x17a: {  	v1 =	vld.idx.msk [tilespmem:v1+s26+$0x0], $0xffff;
	_ =	sdelay $0x4  }
0x17b: {  	v2 =	vunpack.i.l.bf16.f32 v1  }
0x17c: {  	v1 =	vunpack.i.u.bf16.f32 v1;
	[tilespmem:s11+$0x120] =	vst v2  }
0x17d: {  	[tilespmem:s11+$0x1A0] =	vst v1  }
0x17e: {  	v1 =	vld.idx.msk [tilespmem:v0+s12+$0x430 ss:$0x1], $0xffff;
	_ =	sdelay $0x7  }
0x17f: {  	v2 =	vld.idx.msk [tilespmem:v1+s26+$0x0], $0xffff;
	_ =	sdelay $0x2  }
0x180: {  	v3 =	vadd.s32 $0x3E8, v1;
	_ =	sdelay $0x1  }
0x181: {  	v54 =	vunpack.i.l.bf16.f32 v2  }
0x182: {  	v2 =	vunpack.i.u.bf16.f32 v2;
	[tilespmem:s11+$0xFFFFFE30] =	vst v54  }
0x183: {  	[tilespmem:s11+$0xFFFFFEB0] =	vst v2  }
0x184: {  	v2 =	vld.idx.msk [tilespmem:v3+s26+$0x0], $0xffff;
	_ =	sdelay $0x2  }
0x185: {  	v3 =	vadd.s32 $0x7D0, v1;
	_ =	sdelay $0x1  }
0x186: {  	v55 =	vunpack.i.l.bf16.f32 v2  }
0x187: {  	v2 =	vunpack.i.u.bf16.f32 v2;
	[tilespmem:s11+$0xFFFFFF30] =	vst v55  }
0x188: {  	[tilespmem:s11+$0xFFFFFFB0] =	vst v2  }
0x189: {  	v2 =	vld.idx.msk [tilespmem:v3+s26+$0x0], $0xffff;
	_ =	sdelay $0x2  }
0x18a: {  	v1 =	vadd.s32 $0xBB8, v1;
	_ =	sdelay $0x1  }
0x18b: {  	v3 =	vunpack.i.l.bf16.f32 v2  }
0x18c: {  	v2 =	vunpack.i.u.bf16.f32 v2;
	[tilespmem:s11+$0x30] =	vst v3  }
0x18d: {  	[tilespmem:s11+$0xB0] =	vst v2  }
0x18e: {  	v1 =	vld.idx.msk [tilespmem:v1+s26+$0x0], $0xffff;
	_ =	sdelay $0x4  }
0x18f: {  	v2 =	vunpack.i.l.bf16.f32 v1  }
0x190: {  	v1 =	vunpack.i.u.bf16.f32 v1;
	[tilespmem:s11+$0x130] =	vst v2  }
0x191: {  	[tilespmem:s11+$0x1B0] =	vst v1  }
0x192: {  	v1 =	vld.idx.msk [tilespmem:v0+s12+$0x440 ss:$0x1], $0xffff;
	_ =	sdelay $0x7  }
0x193: {  	v2 =	vld.idx.msk [tilespmem:v1+s26+$0x0], $0xffff;
	_ =	sdelay $0x2  }
0x194: {  	v3 =	vadd.s32 $0x3E8, v1;
	_ =	sdelay $0x1  }
0x195: {  	v56 =	vunpack.i.l.bf16.f32 v2  }
0x196: {  	v2 =	vunpack.i.u.bf16.f32 v2;
	[tilespmem:s11+$0xFFFFFE40] =	vst v56  }
0x197: {  	[tilespmem:s11+$0xFFFFFEC0] =	vst v2  }
0x198: {  	v2 =	vld.idx.msk [tilespmem:v3+s26+$0x0], $0xffff;
	_ =	sdelay $0x2  }
0x199: {  	v3 =	vadd.s32 $0x7D0, v1;
	_ =	sdelay $0x1  }
0x19a: {  	v57 =	vunpack.i.l.bf16.f32 v2  }
0x19b: {  	v2 =	vunpack.i.u.bf16.f32 v2;
	[tilespmem:s11+$0xFFFFFF40] =	vst v57  }
0x19c: {  	[tilespmem:s11+$0xFFFFFFC0] =	vst v2  }
0x19d: {  	v2 =	vld.idx.msk [tilespmem:v3+s26+$0x0], $0xffff;
	_ =	sdelay $0x2  }
0x19e: {  	v1 =	vadd.s32 $0xBB8, v1;
	_ =	sdelay $0x1  }
0x19f: {  	v3 =	vunpack.i.l.bf16.f32 v2  }
0x1a0: {  	v2 =	vunpack.i.u.bf16.f32 v2;
	[tilespmem:s11+$0x40] =	vst v3  }
0x1a1: {  	[tilespmem:s11+$0xC0] =	vst v2  }
0x1a2: {  	v1 =	vld.idx.msk [tilespmem:v1+s26+$0x0], $0xffff;
	_ =	sdelay $0x4  }
0x1a3: {  	v2 =	vunpack.i.l.bf16.f32 v1  }
0x1a4: {  	v1 =	vunpack.i.u.bf16.f32 v1;
	[tilespmem:s11+$0x140] =	vst v2  }
0x1a5: {  	[tilespmem:s11+$0x1C0] =	vst v1  }
0x1a6: {  	v1 =	vld.idx.msk [tilespmem:v0+s12+$0x450 ss:$0x1], $0xffff;
	_ =	sdelay $0x7  }
0x1a7: {  	v2 =	vld.idx.msk [tilespmem:v1+s26+$0x0], $0xffff;
	_ =	sdelay $0x2  }
0x1a8: {  	v3 =	vadd.s32 $0x3E8, v1;
	_ =	sdelay $0x1  }
0x1a9: {  	v58 =	vunpack.i.l.bf16.f32 v2  }
0x1aa: {  	v2 =	vunpack.i.u.bf16.f32 v2;
	[tilespmem:s11+$0xFFFFFE50] =	vst v58  }
0x1ab: {  	[tilespmem:s11+$0xFFFFFED0] =	vst v2  }
0x1ac: {  	v2 =	vld.idx.msk [tilespmem:v3+s26+$0x0], $0xffff;
	_ =	sdelay $0x2  }
0x1ad: {  	v3 =	vadd.s32 $0x7D0, v1;
	_ =	sdelay $0x1  }
0x1ae: {  	v59 =	vunpack.i.l.bf16.f32 v2  }
0x1af: {  	v2 =	vunpack.i.u.bf16.f32 v2;
	[tilespmem:s11+$0xFFFFFF50] =	vst v59  }
0x1b0: {  	[tilespmem:s11+$0xFFFFFFD0] =	vst v2  }
0x1b1: {  	v2 =	vld.idx.msk [tilespmem:v3+s26+$0x0], $0xffff;
	_ =	sdelay $0x2  }
0x1b2: {  	v1 =	vadd.s32 $0xBB8, v1;
	_ =	sdelay $0x1  }
0x1b3: {  	v3 =	vunpack.i.l.bf16.f32 v2  }
0x1b4: {  	v2 =	vunpack.i.u.bf16.f32 v2;
	[tilespmem:s11+$0x50] =	vst v3  }
0x1b5: {  	[tilespmem:s11+$0xD0] =	vst v2  }
0x1b6: {  	v1 =	vld.idx.msk [tilespmem:v1+s26+$0x0], $0xffff;
	_ =	sdelay $0x4  }
0x1b7: {  	v2 =	vunpack.i.l.bf16.f32 v1  }
0x1b8: {  	v1 =	vunpack.i.u.bf16.f32 v1;
	[tilespmem:s11+$0x150] =	vst v2  }
0x1b9: {  	[tilespmem:s11+$0x1D0] =	vst v1  }
0x1ba: {  	v1 =	vld.idx.msk [tilespmem:v0+s12+$0x460 ss:$0x1], $0xffff;
	_ =	sdelay $0x7  }
0x1bb: {  	v2 =	vld.idx.msk [tilespmem:v1+s26+$0x0], $0xffff;
	_ =	sdelay $0x2  }
0x1bc: {  	v3 =	vadd.s32 $0x3E8, v1;
	_ =	sdelay $0x1  }
0x1bd: {  	v60 =	vunpack.i.l.bf16.f32 v2  }
0x1be: {  	v2 =	vunpack.i.u.bf16.f32 v2;
	[tilespmem:s11+$0xFFFFFE60] =	vst v60  }
0x1bf: {  	[tilespmem:s11+$0xFFFFFEE0] =	vst v2  }
0x1c0: {  	v2 =	vld.idx.msk [tilespmem:v3+s26+$0x0], $0xffff;
	_ =	sdelay $0x2  }
0x1c1: {  	v3 =	vadd.s32 $0x7D0, v1;
	_ =	sdelay $0x1  }
0x1c2: {  	v61 =	vunpack.i.l.bf16.f32 v2  }
0x1c3: {  	v2 =	vunpack.i.u.bf16.f32 v2;
	[tilespmem:s11+$0xFFFFFF60] =	vst v61  }
0x1c4: {  	[tilespmem:s11+$0xFFFFFFE0] =	vst v2  }
0x1c5: {  	v2 =	vld.idx.msk [tilespmem:v3+s26+$0x0], $0xffff;
	_ =	sdelay $0x2  }
0x1c6: {  	v1 =	vadd.s32 $0xBB8, v1;
	_ =	sdelay $0x1  }
0x1c7: {  	v3 =	vunpack.i.l.bf16.f32 v2  }
0x1c8: {  	v2 =	vunpack.i.u.bf16.f32 v2;
	[tilespmem:s11+$0x60] =	vst v3  }
0x1c9: {  	[tilespmem:s11+$0xE0] =	vst v2  }
0x1ca: {  	v1 =	vld.idx.msk [tilespmem:v1+s26+$0x0], $0xffff;
	_ =	sdelay $0x4  }
0x1cb: {  	v2 =	vunpack.i.l.bf16.f32 v1  }
0x1cc: {  	v1 =	vunpack.i.u.bf16.f32 v1;
	[tilespmem:s11+$0x160] =	vst v2  }
0x1cd: {  	[tilespmem:s11+$0x1E0] =	vst v1  }
0x1ce: {  	v1 =	vld.idx.msk [tilespmem:v0+s12+$0x470 ss:$0x1], $0xffff;
	_ =	sdelay $0x7  }
0x1cf: {  	v2 =	vld.idx.msk [tilespmem:v1+s26+$0x0], $0xffff;
	_ =	sdelay $0x2  }
0x1d0: {  	v3 =	vadd.s32 $0x3E8, v1;
	_ =	sdelay $0x1  }
0x1d1: {  	v62 =	vunpack.i.l.bf16.f32 v2  }
0x1d2: {  	v2 =	vunpack.i.u.bf16.f32 v2;
	[tilespmem:s11+$0xFFFFFE70] =	vst v62  }
0x1d3: {  	[tilespmem:s11+$0xFFFFFEF0] =	vst v2  }
0x1d4: {  	v2 =	vld.idx.msk [tilespmem:v3+s26+$0x0], $0xffff;
	_ =	sdelay $0x2  }
0x1d5: {  	v3 =	vadd.s32 $0x7D0, v1;
	_ =	sdelay $0x1  }
0x1d6: {  	v63 =	vunpack.i.l.bf16.f32 v2  }
0x1d7: {  	v2 =	vunpack.i.u.bf16.f32 v2;
	[tilespmem:s11+$0xFFFFFF70] =	vst v63  }
0x1d8: {  	[tilespmem:s11+$0xFFFFFFF0] =	vst v2  }
0x1d9: {  	v2 =	vld.idx.msk [tilespmem:v3+s26+$0x0], $0xffff;
	_ =	sdelay $0x2  }
0x1da: {  	v1 =	vadd.s32 $0xBB8, v1;
	_ =	sdelay $0x1  }
0x1db: {  	v3 =	vunpack.i.l.bf16.f32 v2  }
0x1dc: {  	v2 =	vunpack.i.u.bf16.f32 v2;
	[tilespmem:s11+$0x70] =	vst v3  }
0x1dd: {  	[tilespmem:s11+$0xF0] =	vst v2  }
0x1de: {  	v1 =	vld.idx.msk [tilespmem:v1+s26+$0x0], $0xffff;
	_ =	sdelay $0x1  }
0x1df: {  	p1 =	sne.s32 s10, $0xE00  }
.Ltmp6:
0x1e0: {  	_ = 	snop;
	(pc) =	sbr.rel @p1 .LBB2_10-.Ltmp6, $4  }
0x1e1: {  	_ = 	snop  }
0x1e2: {  	v2 =	vunpack.i.l.bf16.f32 v1  }
0x1e3: {  	v1 =	vunpack.i.u.bf16.f32 v1;
	[tilespmem:s11+$0x170] =	vst v2  }
0x1e4: {  	s10 =	sadd.s32 $0x200, s10;
	[tilespmem:s11+$0x1F0] =	vst v1;
	s11 =	sadd.s32 $0x400, s11  }
0x1e5: {  	s4 =	smul.u32 $0x7D, s4;
	_ =	sdelay $0x1  }
.Ltmp7:
0x1e6: {  	s0 =	sadd.s32 s0, s4;
	(pc) =	sbr.rel .LBB2_12-.Ltmp7, $4  }
0x1e7: {  	s0 =	sshll.u32 s0, $0xA  }
0x1e8: {  	s0 =	sand.u32 $0x1FFFFC00, s0  }
0x1e9: {  	s0 =	sadd.s32 s1, s0  }
0x1ea: {  	[hbm4b:s0+s3] =	stream.linear.scatter [tilespmem:s30], [sflag:$0x1], $0x2000, $0x38;
	[tilespmem:$0x13810] =	vst v63  }
.LBB2_13:
0x1eb: {  	_ =	swait.ge [sflag:s29], $0x2000  }
0x1ec: {  	[sflag:s29] =	ssyncset.done $0x0  }
0x1ed: {  	[sflag:s29] =	ssyncadd.s32 $0xFFFFE000  }
0x1ee: {  	_ =	swait.ge [sflag:s29], $0x2000  }
0x1ef: {  	[sflag:s29] =	ssyncset.done $0x0  }
0x1f0: {  	[sflag:s29] =	ssyncadd.s32 $0xFFFFE000  }
0x1f1: {  	_ =	swait.ge [sflag:s31], $0x80  }
0x1f2: {  	[sflag:s31] =	ssyncset.done $0x0  }
0x1f3: {  	[sflag:s31] =	ssyncadd.s32 $0xFFFFFF80  }
0x1f4: {  	_ =	swait.ge [sflag:s31], $0x80  }
0x1f5: {  	[sflag:s31] =	ssyncset.done $0x0  }
0x1f6: {  	[sflag:s31] =	ssyncadd.s32 $0xFFFFFF80  }
0x1f7: {  	_ =	swait.ge [sflag:s31], $0x80  }
0x1f8: {  	[sflag:s31] =	ssyncset.done $0x0  }
0x1f9: {  	[sflag:s31] =	ssyncadd.s32 $0xFFFFFF80  }
0x1fa: {  	_ =	swait.ge [sflag:s31], $0x80  }
0x1fb: {  	[sflag:s31] =	ssyncset.done $0x0  }
0x1fc: {  	[sflag:s31] =	ssyncadd.s32 $0xFFFFFF80  }
0x1fd: {  	_ =	swait.ge [sflag:s31], $0x80  }
0x1fe: {  	[sflag:s31] =	ssyncset.done $0x0  }
0x1ff: {  	[sflag:s31] =	ssyncadd.s32 $0xFFFFFF80  }
0x200: {  	_ =	swait.ge [sflag:s31], $0x80  }
0x201: {  	[sflag:s31] =	ssyncset.done $0x0  }
0x202: {  	[sflag:s31] =	ssyncadd.s32 $0xFFFFFF80  }
0x203: {  	_ =	swait.ge [sflag:s31], $0x80  }
0x204: {  	[sflag:s31] =	ssyncset.done $0x0  }
0x205: {  	[sflag:s31] =	ssyncadd.s32 $0xFFFFFF80  }
0x206: {  	_ =	swait.ge [sflag:s31], $0x80  }
0x207: {  	[sflag:s31] =	ssyncset.done $0x0  }
0x208: {  	[sflag:s31] =	ssyncadd.s32 $0xFFFFFF80  }
0x209: {  	_ =	swait.ge [sflag:s31], $0x80  }
0x20a: {  	[sflag:s31] =	ssyncset.done $0x0  }
0x20b: {  	[sflag:s31] =	ssyncadd.s32 $0xFFFFFF80  }
0x20c: {  	_ =	swait.ge [sflag:s31], $0x80  }
0x20d: {  	[sflag:s31] =	ssyncset.done $0x0  }
0x20e: {  	[sflag:s31] =	ssyncadd.s32 $0xFFFFFF80  }
0x20f: {  	_ =	swait.ge [sflag:s31], $0x80  }
0x210: {  	[sflag:s31] =	ssyncset.done $0x0  }
0x211: {  	[sflag:s31] =	ssyncadd.s32 $0xFFFFFF80  }
0x212: {  	_ =	swait.ge [sflag:s31], $0x80  }
0x213: {  	[sflag:s31] =	ssyncset.done $0x0  }
0x214: {  	[sflag:s31] =	ssyncadd.s32 $0xFFFFFF80  }
0x215: {  	_ =	swait.ge [sflag:s31], $0x80  }
0x216: {  	[sflag:s31] =	ssyncset.done $0x0  }
0x217: {  	[sflag:s31] =	ssyncadd.s32 $0xFFFFFF80  }
0x218: {  	_ =	swait.ge [sflag:s31], $0x80  }
0x219: {  	[sflag:s31] =	ssyncset.done $0x0  }
0x21a: {  	[sflag:s31] =	ssyncadd.s32 $0xFFFFFF80  }
0x21b: {  	_ =	swait.ge [sflag:s31], $0x80  }
0x21c: {  	[sflag:s31] =	ssyncset.done $0x0  }
0x21d: {  	[sflag:s31] =	ssyncadd.s32 $0xFFFFFF80  }
0x21e: {  	_ =	swait.ge [sflag:s31], $0x80  }
0x21f: {  	[sflag:s31] =	ssyncset.done $0x0  }
0x220: {  	[sflag:s31] =	ssyncadd.s32 $0xFFFFFF80  }
0x221: {  	_ =	swait.ge [sflag:s31], $0x80  }
0x222: {  	[sflag:s31] =	ssyncset.done $0x0  }
0x223: {  	[sflag:s31] =	ssyncadd.s32 $0xFFFFFF80  }
0x224: {  	_ =	swait.ge [sflag:s31], $0x80  }
0x225: {  	[sflag:s31] =	ssyncset.done $0x0  }
0x226: {  	[sflag:s31] =	ssyncadd.s32 $0xFFFFFF80  }
0x227: {  	_ =	swait.ge [sflag:s31], $0x80  }
0x228: {  	[sflag:s31] =	ssyncset.done $0x0  }
0x229: {  	[sflag:s31] =	ssyncadd.s32 $0xFFFFFF80  }
0x22a: {  	_ =	swait.ge [sflag:s31], $0x80  }
0x22b: {  	[sflag:s31] =	ssyncset.done $0x0  }
0x22c: {  	[sflag:s31] =	ssyncadd.s32 $0xFFFFFF80  }
0x22d: {  	_ =	swait.ge [sflag:s31], $0x80  }
0x22e: {  	[sflag:s31] =	ssyncset.done $0x0  }
0x22f: {  	[sflag:s31] =	ssyncadd.s32 $0xFFFFFF80  }
0x230: {  	_ =	swait.ge [sflag:s31], $0x80  }
0x231: {  	[sflag:s31] =	ssyncset.done $0x0  }
0x232: {  	[sflag:s31] =	ssyncadd.s32 $0xFFFFFF80  }
0x233: {  	_ =	swait.ge [sflag:s31], $0x80  }
0x234: {  	[sflag:s31] =	ssyncset.done $0x0  }
0x235: {  	[sflag:s31] =	ssyncadd.s32 $0xFFFFFF80  }
0x236: {  	_ =	swait.ge [sflag:s31], $0x80  }
0x237: {  	[sflag:s31] =	ssyncset.done $0x0  }
0x238: {  	[sflag:s31] =	ssyncadd.s32 $0xFFFFFF80  }
0x239: {  	_ =	swait.ge [sflag:s31], $0x40  }
0x23a: {  	[sflag:s31] =	ssyncset.done $0x0  }
0x23b: {  	[sflag:s31] =	ssyncadd.s32 $0xFFFFFFC0  }
0x23c: {  	_ =	swait.ge [sflag:s31], $0x40  }
0x23d: {  	[sflag:s31] =	ssyncset.done $0x0  }
0x23e: {  	s4 =	simm.s32 $0x0;
	[sflag:s31] =	ssyncadd.s32 $0xFFFFFFC0  }
0x23f: {  	v0 =	vld [tilespmem:s4+$0x130A0]  }
0x240: {  	v2 =	vimm.f32 $0.0e+00;
	s0 =	simm.s32 $0x40;
	v1 =	vld [tilespmem:s4+$0x12A60]  }
.LBB2_14:
0x241: {  	p1 =	sne.s32 s0, $0x18C0  }
.Ltmp8:
0x242: {  	_ = 	snop;
	(pc) =	sbr.rel @p1 .LBB2_14-.Ltmp8, $4  }
0x243: {  	_ = 	snop  }
0x244: {  	s4 =	sshra.s32 s0, $0x2;
	v2 =	vadd.f32 v0, v2  }
0x245: {  	v0 =	vld [tilespmem:s4+$0x130A0]  }
0x246: {  	s0 =	sadd.s32 $0x40, s0;
	v2 =	vsub.f32 v2, v1;
	v1 =	vld [tilespmem:s4+$0x12A60]  }
0x247: {  	_ =	sdelay $0x2  }
0x248: {  	v0 =	vadd.f32 v0, v2;
	_ =	sdelay $0x1  }
0x249: {  	v0 =	vsub.f32 v0, v1;
	_ =	sdelay $0x1  }
0x24a: {  	s0 =	rddreg [dreg:$0x8];
	s4 =	simm.s32 $0x136E0;
	[tilespmem:$0x136E0] =	vst v0  }
0x24b: {  	[spmem:s0] =	stream.linear.scatter [tilespmem:s4], [sflag:$0x3], $0x10, $0x38;
	[tilespmem:$0x13810] =	vst v63  }
0x24c: {  	_ =	swait.ge [sflag:s18], $0x10  }
0x24d: {  	[sflag:s18] =	ssyncset.done $0x0  }
0x24e: {  	[sflag:s18] =	ssyncadd.s32 $0xFFFFFFF0  }
0x24f: {  	[bflag:$0x0] =	sbarrier.arrive $0xFFFF  }
0x250: {  	s0 =	simm.s32 @!p0 $0x136F0;
	s4 =	rddreg [dreg:$0x3]  }
0x251: {  	[tilespmem:s0], [sflag:$0x3] =	stream.linear.gather @!p0 [spmem:s4], $0x100, $0x38;
	[tilespmem:$0x13810] =	vst v63  }
0x252: {  	s0 =	simm.s32 @!p0 $0x3  }
0x253: {  	_ =	swait.ge @!p0 [sflag:s0], $0x100  }
0x254: {  	[sflag:s0] =	ssyncset.done @!p0 $0x0  }
0x255: {  	[sflag:s0] =	ssyncadd.s32 @!p0 $0xFFFFFF00  }
0x256: {  	v0 =	vld @!p0 [tilespmem:$0x136F0]  }
0x257: {  	v1 =	vld @!p0 [tilespmem:$0x13700];
	_ =	sdelay $0x1  }
0x258: {  	v2 =	vld @!p0 [tilespmem:$0x13710];
	_ =	sdelay $0x1  }
0x259: {  	v3 =	vld @!p0 [tilespmem:$0x13720]  }
0x25a: {  	v0 =	vadd.f32 @!p0 v1, v0  }
0x25b: {  	v1 =	vld @!p0 [tilespmem:$0x13730]  }
0x25c: {  	v0 =	vadd.f32 @!p0 v2, v0  }
0x25d: {  	v2 =	vld @!p0 [tilespmem:$0x13740]  }
0x25e: {  	v0 =	vadd.f32 @!p0 v3, v0  }
0x25f: {  	v3 =	vld @!p0 [tilespmem:$0x13750]  }
0x260: {  	v0 =	vadd.f32 @!p0 v1, v0  }
0x261: {  	v1 =	vld @!p0 [tilespmem:$0x13760]  }
0x262: {  	v0 =	vadd.f32 @!p0 v2, v0  }
0x263: {  	v2 =	vld @!p0 [tilespmem:$0x13770]  }
0x264: {  	v0 =	vadd.f32 @!p0 v3, v0  }
0x265: {  	v3 =	vld @!p0 [tilespmem:$0x13780]  }
0x266: {  	v0 =	vadd.f32 @!p0 v1, v0  }
0x267: {  	v1 =	vld @!p0 [tilespmem:$0x13790]  }
0x268: {  	v0 =	vadd.f32 @!p0 v2, v0  }
0x269: {  	v2 =	vld @!p0 [tilespmem:$0x137A0]  }
0x26a: {  	v0 =	vadd.f32 @!p0 v3, v0  }
0x26b: {  	v3 =	vld @!p0 [tilespmem:$0x137B0]  }
0x26c: {  	v0 =	vadd.f32 @!p0 v1, v0  }
0x26d: {  	v1 =	vld @!p0 [tilespmem:$0x137C0]  }
0x26e: {  	v0 =	vadd.f32 @!p0 v2, v0  }
0x26f: {  	v2 =	vld @!p0 [tilespmem:$0x137D0]  }
0x270: {  	v0 =	vadd.f32 @!p0 v3, v0  }
0x271: {  	v3 =	vld @!p0 [tilespmem:$0x137E0]  }
0x272: {  	v0 =	vadd.f32 @!p0 v1, v0;
	_ =	sdelay $0x1  }
0x273: {  	v0 =	vadd.f32 @!p0 v2, v0;
	_ =	sdelay $0x1  }
0x274: {  	v0 =	vadd.f32 @!p0 v3, v0;
	_ =	sdelay $0x1  }
0x275: {  	s2 =	sadd.s32 $0x1, s2;
	v0 =	vmul.f32 @!p0 $1.953124960e-05, v0  }
0x276: {  	p1 =	sne.s32 s2, s14  }
.Ltmp9:
0x277: {  	s10 =	simm.s32 @!p0 $0x137F0;
	s4 =	simm.s32 @!p0 $0x0;
	[tilespmem:$0x137F0] =	vst @!p0 v0;
	(pc) =	sbr.rel @p1 .LBB2_1-.Ltmp9, $4  }
0x278: {  	[hbm4b:s13+s4] =	stream.linear.scatter @!p0 [tilespmem:s10], [sflag:$0x3], $0x10, $0x38;
	[tilespmem:$0x13810] =	vst v63  }
0x279: {  	_ =	swait.ge @!p0 [sflag:s0], $0x10  }
0x27a: {  	[sflag:s0] =	ssyncset.done @!p0 $0x0  }
0x27b: {  	s11 =	simm.s32 $0x117A0;
	[sflag:s0] =	ssyncadd.s32 @!p0 $0xFFFFFFF0  }
0x27c: {  	_ =	sfence.sel $0x180000  }
0x27d: {  	[bflag:$0x0] =	sbarrier.arrive $0xFFFF  }
0x27e: {  	_ =	strace $0x90000047  }
0x27f: {  	[bflag:$0x2] =	sbarrier.arrive $0xFFFF  }
0x280: {  	s0 =	rddreg [dreg:$0x4]  }
0x281: {  	s0 =	sadd.s32 @!p0 $0x100000, s0  }
0x282: {  	[sflag:s0] =	ssyncadd.tile.s32 @!p0 $0x1;
	_ =	shalt  }
.Lfunc_end2:
_tile_overlayer_lowered:
.L_overlay_start_2:
0x283: {  	(tag) =	ssettag $0x2  }
0x284: {  	s0 =	rddreg [dreg:$0x0];
	s2 =	stileid.u32  }
0x285: {  	s1 =	rddreg [dreg:$0x1];
	p0 =	sne.s32 s2, $0x0  }
0x286: {  	s3 =	rddreg [dreg:$0x2];
	[bflag:$0x3] =	sbarrier.arrive $0xFFFF;
	s2 =	simm.s32 @!p0 $0x1C03  }
0x287: {  	[timem:s3], [sflag:s2] =	dma.local @!p0 [hbm:s0], s1  }
0x288: {  	s0 =	simm.s32 @!p0 $0x3  }
0x289: {  	_ =	swait.ge @!p0 [sflag:s0], s1  }
0x28a: {  	s1 =	ssub.s32 @!p0 $0x0, s1;
	[sflag:s0] =	ssyncset.done @!p0 $0x0  }
0x28b: {  	[sflag:s0] =	ssyncadd.s32 @!p0 s1  }
0x28c: {  	[bflag:$0x3] =	sbarrier.arrive $0xFFFF  }
0x28d: {  	_ =	shalt  }

</sc_bundles>
